<compile_context>
chip_gen: v7x
topology: tpu7x:2x2x1
jax: 0.10.2.dev20260603
libtpu: 0.0.44.dev20260713+nightly
codegen_flags: <defaults>
</compile_context>

<pallas_src>
import functools

import jax
import jax.numpy as jnp
from jax import lax
from jax.experimental import pallas as pl
from jax.experimental.pallas import tpu as pltpu
from jax.experimental.pallas import tpu_sc as plsc

_PATCH = 32
_THRESHOLD = 0.4
_B = 64
_HW = 512
_HP = _HW // _PATCH
_WP = _HW // _PATCH
_N = _HP * _WP
_L = 16
_NW = 32
_ROWS_PER_W = _B // _NW


_G = 4


def _pool_body(x_ref, p_ref, out_ref):
    v = x_ref[...]
    v1 = jnp.max(v.reshape(_G * 2 * _HP, _PATCH, _HW), axis=1)
    ind = (v1 > _THRESHOLD).astype(jnp.bfloat16)
    res = lax.dot_general(
        ind, p_ref[...], (((1,), (0,)), ((), ())),
        preferred_element_type=jnp.float32)
    out_ref[...] = res.reshape(_G, 2, _HP, _WP)


@functools.lru_cache(maxsize=None)
def _build_sort_kernel():
    mesh = plsc.VectorSubcoreMesh(core_axis_name="c", subcore_axis_name="s")
    return functools.partial(
        pl.kernel,
        mesh=mesh,
        compiler_params=pltpu.CompilerParams(needs_layout_passes=False),
        out_type=[
            jax.ShapeDtypeStruct((_B, _N), jnp.int32),
            jax.ShapeDtypeStruct((_B, _N), jnp.int32),
        ],
        scratch_types=[
            pltpu.VMEM((2 * _N,), jnp.float32),
            pltpu.VMEM((_N,), jnp.int32),
            pltpu.VMEM((_N,), jnp.int32),
        ],
    )(_sort_body)


def _sort_body(q_hbm, imap_hbm, inv_hbm, q_v, imap_v, inv_v):
    wid = lax.axis_index("s") * 2 + lax.axis_index("c")
    half = jnp.float32(0.5)
    for rr in range(_ROWS_PER_W):
        row = wid * _ROWS_PER_W + rr
        pltpu.sync_copy(q_hbm.at[row], q_v)

        c0 = jnp.int32(0)
        c2 = jnp.int32(0)
        for i in range(_N // _L):
            a = q_v[pl.ds(i * _L, _L)]
            b = q_v[pl.ds(_N + i * _L, _L)]
            k2 = b > half
            k0 = jnp.logical_and(a > half, jnp.logical_not(k2))
            c0 = c0 + jnp.sum(k0.astype(jnp.int32))
            c2 = c2 + jnp.sum(k2.astype(jnp.int32))

        r0 = jnp.int32(0)
        r1 = c0
        r2 = _N - c2
        iota = lax.iota(jnp.int32, _L)
        for i in range(_N // _L):
            a = q_v[pl.ds(i * _L, _L)]
            b = q_v[pl.ds(_N + i * _L, _L)]
            k2 = b > half
            k0 = jnp.logical_and(a > half, jnp.logical_not(k2))
            i0 = k0.astype(jnp.int32)
            i2 = k2.astype(jnp.int32)
            e0 = plsc.cumsum(i0) - i0
            e2 = plsc.cumsum(i2) - i2
            e1 = iota - e0 - e2
            rank = jnp.where(k0, r0 + e0, jnp.where(k2, r2 + e2, r1 + e1))
            inv_v[pl.ds(i * _L, _L)] = rank
            plsc.store_scatter(imap_v, [rank], iota + (i * _L))
            s0 = jnp.sum(i0)
            s2 = jnp.sum(i2)
            r0 = r0 + s0
            r2 = r2 + s2
            r1 = r1 + (_L - s0 - s2)

        pltpu.sync_copy(imap_v, imap_hbm.at[row])
        pltpu.sync_copy(inv_v, inv_hbm.at[row])


def kernel(x):
    pmat = (lax.broadcasted_iota(jnp.int32, (_HW, _WP), 0) // _PATCH
            == lax.broadcasted_iota(jnp.int32, (_HW, _WP), 1)
            ).astype(jnp.bfloat16)
    q = pl.pallas_call(
        _pool_body,
        grid=(_B // _G,),
        in_specs=[pl.BlockSpec((_G, 2, _HW, _HW), lambda b: (b, 0, 0, 0)),
                  pl.BlockSpec((_HW, _WP), lambda b: (0, 0))],
        out_specs=pl.BlockSpec((_G, 2, _HP, _WP), lambda b: (b, 0, 0, 0)),
        out_shape=jax.ShapeDtypeStruct((_B, 2, _HP, _WP), jnp.float32),
    )(x, pmat)
    qf = q.reshape(_B, 2 * _N)
    imap, inv = _build_sort_kernel()(qf)
    batch_indices = jnp.broadcast_to(
        jnp.arange(_B, dtype=jnp.int32)[:, None], (_B, _N))
    return (batch_indices, imap, inv)

# --- scband reference (transcript-rebuilt; emitter-appended) ---
"""Pipeline reference for scband-shuffle-patch-49022756717212 (READ-ONLY COPY).

The authoritative reference and input builder live on the scoring server;
editing this copy changes nothing except your own understanding.
"""

import jax, jax.numpy as jnp
import numpy as np

PATCH = 32  # patch_size * factor = 16 * 2
THRESHOLD = 0.4


def setup_inputs(seed: int = 0) -> dict:
    key = jax.random.key(seed)
    x = jax.random.uniform(key, (64, 3, 512, 512), dtype=jnp.float32)
    return {"x": x}


def reference(x):
    # MaxPool2d(kernel=PATCH, stride=PATCH)
    pooled = jax.lax.reduce_window(
        x, -jnp.inf, jax.lax.max,
        window_dimensions=(1, 1, PATCH, PATCH),
        window_strides=(1, 1, PATCH, PATCH),
        padding='VALID')
    B, _, H, W = pooled.shape
    # x[x > threshold] = 1 ; x[x != 1] = 0
    xq = jnp.where(pooled > THRESHOLD, 1.0, pooled)
    xq = jnp.where(xq != 1.0, 0.0, xq)
    mask = jnp.ones((B, H, W), dtype=jnp.float32)
    mask = jnp.where(xq[:, 0, :, :] == 1.0, 0.0, mask)
    mask = jnp.where(xq[:, 1, :, :] == 1.0, 2.0, mask)
    mask = mask.reshape(B, -1)
    N = mask.shape[-1]
    index_mapping = jnp.argsort(mask, axis=-1)
    indices = jnp.broadcast_to(jnp.arange(N, dtype=jnp.int64 if jax.config.jax_enable_x64 else jnp.int32)[None, :], (B, N))
    b_idx = jnp.arange(B)[:, None]
    inverse_mapping = jnp.zeros((B, N), dtype=indices.dtype).at[b_idx, index_mapping].set(indices)
    batch_indices = jnp.broadcast_to(jnp.arange(B)[:, None], (B, N))
    return (batch_indices, index_mapping, inverse_mapping)

if __name__ == "__main__":
    import jax
    _d = setup_inputs()
    print(jax.jit(kernel)(*tuple(_d.values())))

</pallas_src>

<mosaic_0001>
#map = affine_map<(d0, d1) -> (0, 0)>
module attributes {stable_mosaic.version = 14 : i64} {
  func.func @_sort_body(%arg0: i32, %arg1: i32, %arg2: memref<64x512xf32, #tpu.memory_space<hbm>>, %arg3: memref<64x256xi32, #tpu.memory_space<hbm>>, %arg4: memref<64x256xi32, #tpu.memory_space<hbm>>, %arg5: memref<512xf32, #tpu.memory_space<vmem>>, %arg6: memref<256xi32, #tpu.memory_space<vmem>>, %arg7: memref<256xi32, #tpu.memory_space<vmem>>) attributes {dimension_semantics = [#tpu.dimension_semantics<core_parallel>, #tpu.dimension_semantics<subcore_parallel>], iteration_bounds = array<i64: 2, 16>, scalar_prefetch = 0 : i64, scratch_operands = 3 : i64, tpu.core_type = #tpu.core_type<sc_vector_subcore>, window_params = [{transform_indices = #map}, {transform_indices = #map}, {transform_indices = #map}]} {
    %mul3A = arith.constant 2 : i32
    %mul3A_0 = arith.muli %arg1, %mul3A : i32
    %add3A = arith.addi %mul3A_0, %arg0 : i32
    %mul3A_1 = arith.constant 2 : i32
    %mul3A_2 = arith.muli %add3A, %mul3A_1 : i32
    %add3A_3 = arith.constant 0 : i32
    %add3A_4 = arith.addi %mul3A_2, %add3A_3 : i32
    "tpu.region"() ({
      %run_scoped3A = tpu.sem_alloc : memref<!tpu.dma_semaphore, #tpu.memory_space<semaphore_mem>>
      %dma_start3A = arith.constant 0 : i32
      %dma_start3A_2475 = tpu.memref_slice %arg2[%add3A_4, %dma_start3A] : memref<64x512xf32, #tpu.memory_space<hbm>> -> memref<1x512xf32, #tpu.memory_space<hbm>>
      %dma_start3A_2476 = tpu.memref_squeeze %dma_start3A_2475 : memref<1x512xf32, #tpu.memory_space<hbm>> -> memref<512xf32, #tpu.memory_space<hbm>>
      %dma_start3A_2477 = arith.constant 0 : i32
      %dma_start3A_2478 = tpu.memref_slice %arg2[%add3A_4, %dma_start3A_2477] : memref<64x512xf32, #tpu.memory_space<hbm>> -> memref<1x512xf32, #tpu.memory_space<hbm>>
      %dma_start3A_2479 = tpu.memref_squeeze %dma_start3A_2478 : memref<1x512xf32, #tpu.memory_space<hbm>> -> memref<512xf32, #tpu.memory_space<hbm>>
      tpu.enqueue_dma source(%dma_start3A_2479 : memref<512xf32, #tpu.memory_space<hbm>>) target(%arg5 : memref<512xf32, #tpu.memory_space<vmem>>) target_semaphore(%run_scoped3A : memref<!tpu.dma_semaphore, #tpu.memory_space<semaphore_mem>>)
      %dma_wait3A = arith.constant 0 : i32
      %dma_wait3A_2480 = tpu.memref_slice %arg2[%add3A_4, %dma_wait3A] : memref<64x512xf32, #tpu.memory_space<hbm>> -> memref<1x512xf32, #tpu.memory_space<hbm>>
      %dma_wait3A_2481 = tpu.memref_squeeze %dma_wait3A_2480 : memref<1x512xf32, #tpu.memory_space<hbm>> -> memref<512xf32, #tpu.memory_space<hbm>>
      %dma_wait3A_2482 = arith.constant 0 : i32
      %dma_wait3A_2483 = tpu.memref_slice %arg2[%add3A_4, %dma_wait3A_2482] : memref<64x512xf32, #tpu.memory_space<hbm>> -> memref<1x512xf32, #tpu.memory_space<hbm>>
      %dma_wait3A_2484 = tpu.memref_squeeze %dma_wait3A_2483 : memref<1x512xf32, #tpu.memory_space<hbm>> -> memref<512xf32, #tpu.memory_space<hbm>>
      tpu.wait_dma2 semaphore(%run_scoped3A : memref<!tpu.dma_semaphore, #tpu.memory_space<semaphore_mem>>) src(%dma_wait3A_2484 : memref<512xf32, #tpu.memory_space<hbm>>) dst(%arg5 : memref<512xf32, #tpu.memory_space<vmem>>)
      tpu.yield
    }) : () -> ()
    %get3A = arith.constant 0 : index
    %get3A_5 = tpu.vector_load %arg5[%get3A] {strides = array<i32>} : memref<512xf32, #tpu.memory_space<vmem>>, vector<16xf32>,
    %get3A_6 = arith.constant 256 : index
    %get3A_7 = tpu.vector_load %arg5[%get3A_6] {strides = array<i32>} : memref<512xf32, #tpu.memory_space<vmem>>, vector<16xf32>,
    %gt3A = arith.constant 5.000000e-01 : f32
    %gt3A_8 = vector.broadcast %gt3A : f32 to vector<16xf32>
    %gt3A_9 = arith.cmpf ogt, %get3A_7, %gt3A_8 : vector<16xf32>
    %gt3A_10 = arith.constant 5.000000e-01 : f32
    %gt3A_11 = vector.broadcast %gt3A_10 : f32 to vector<16xf32>
    %gt3A_12 = arith.cmpf ogt, %get3A_5, %gt3A_11 : vector<16xf32>
    %not3A = arith.constant dense<true> : vector<16xi1>
    %not3A_13 = arith.xori %gt3A_9, %not3A : vector<16xi1>
    %and3A = arith.andi %gt3A_12, %not3A_13 : vector<16xi1>
    %convert_element_type3A = arith.extui %and3A : vector<16xi1> to vector<16xi32>
    %reduce_sum3A = arith.constant true
    %reduce_sum3A_14 = vector.broadcast %reduce_sum3A : i1 to vector<16xi1>
    %reduce_sum3A_15 = tpu.scan <sum>, %convert_element_type3A masked %reduce_sum3A_14 : vector<16xi32>, vector<16xi1> -> vector<16xi32>
    %reduce_sum3A_16 = vector.extract %reduce_sum3A_15[15] : i32 from vector<16xi32>
    %add3A_17 = arith.constant 0 : i32
    %add3A_18 = arith.addi %add3A_17, %reduce_sum3A_16 : i32
    %convert_element_type3A_19 = arith.extui %gt3A_9 : vector<16xi1> to vector<16xi32>
    %reduce_sum3A_20 = arith.constant true
    %reduce_sum3A_21 = vector.broadcast %reduce_sum3A_20 : i1 to vector<16xi1>
    %reduce_sum3A_22 = tpu.scan <sum>, %convert_element_type3A_19 masked %reduce_sum3A_21 : vector<16xi32>, vector<16xi1> -> vector<16xi32>
    %reduce_sum3A_23 = vector.extract %reduce_sum3A_22[15] : i32 from vector<16xi32>
    %add3A_24 = arith.constant 0 : i32
    %add3A_25 = arith.addi %add3A_24, %reduce_sum3A_23 : i32
    %get3A_26 = arith.constant 16 : index
    %get3A_27 = tpu.vector_load %arg5[%get3A_26] {strides = array<i32>} : memref<512xf32, #tpu.memory_space<vmem>>, vector<16xf32>,
    %get3A_28 = arith.constant 272 : index
    %get3A_29 = tpu.vector_load %arg5[%get3A_28] {strides = array<i32>} : memref<512xf32, #tpu.memory_space<vmem>>, vector<16xf32>,
    %gt3A_30 = arith.constant 5.000000e-01 : f32
    %gt3A_31 = vector.broadcast %gt3A_30 : f32 to vector<16xf32>
    %gt3A_32 = arith.cmpf ogt, %get3A_29, %gt3A_31 : vector<16xf32>
    %gt3A_33 = arith.constant 5.000000e-01 : f32
    %gt3A_34 = vector.broadcast %gt3A_33 : f32 to vector<16xf32>
    %gt3A_35 = arith.cmpf ogt, %get3A_27, %gt3A_34 : vector<16xf32>
    %not3A_36 = arith.constant dense<true> : vector<16xi1>
    %not3A_37 = arith.xori %gt3A_32, %not3A_36 : vector<16xi1>
    %and3A_38 = arith.andi %gt3A_35, %not3A_37 : vector<16xi1>
    %convert_element_type3A_39 = arith.extui %and3A_38 : vector<16xi1> to vector<16xi32>
    %reduce_sum3A_40 = arith.constant true
    %reduce_sum3A_41 = vector.broadcast %reduce_sum3A_40 : i1 to vector<16xi1>
    %reduce_sum3A_42 = tpu.scan <sum>, %convert_element_type3A_39 masked %reduce_sum3A_41 : vector<16xi32>, vector<16xi1> -> vector<16xi32>
    %reduce_sum3A_43 = vector.extract %reduce_sum3A_42[15] : i32 from vector<16xi32>
    %add3A_44 = arith.addi %add3A_18, %reduce_sum3A_43 : i32
    %convert_element_type3A_45 = arith.extui %gt3A_32 : vector<16xi1> to vector<16xi32>
    %reduce_sum3A_46 = arith.constant true
    %reduce_sum3A_47 = vector.broadcast %reduce_sum3A_46 : i1 to vector<16xi1>
    %reduce_sum3A_48 = tpu.scan <sum>, %convert_element_type3A_45 masked %reduce_sum3A_47 : vector<16xi32>, vector<16xi1> -> vector<16xi32>
    %reduce_sum3A_49 = vector.extract %reduce_sum3A_48[15] : i32 from vector<16xi32>
    %add3A_50 = arith.addi %add3A_25, %reduce_sum3A_49 : i32
    %get3A_51 = arith.constant 32 : index
    %get3A_52 = tpu.vector_load %arg5[%get3A_51] {strides = array<i32>} : memref<512xf32, #tpu.memory_space<vmem>>, vector<16xf32>,
    %get3A_53 = arith.constant 288 : index
    %get3A_54 = tpu.vector_load %arg5[%get3A_53] {strides = array<i32>} : memref<512xf32, #tpu.memory_space<vmem>>, vector<16xf32>,
    %gt3A_55 = arith.constant 5.000000e-01 : f32
    %gt3A_56 = vector.broadcast %gt3A_55 : f32 to vector<16xf32>
    %gt3A_57 = arith.cmpf ogt, %get3A_54, %gt3A_56 : vector<16xf32>
    %gt3A_58 = arith.constant 5.000000e-01 : f32
    %gt3A_59 = vector.broadcast %gt3A_58 : f32 to vector<16xf32>
    %gt3A_60 = arith.cmpf ogt, %get3A_52, %gt3A_59 : vector<16xf32>
    %not3A_61 = arith.constant dense<true> : vector<16xi1>
    %not3A_62 = arith.xori %gt3A_57, %not3A_61 : vector<16xi1>
    %and3A_63 = arith.andi %gt3A_60, %not3A_62 : vector<16xi1>
    %convert_element_type3A_64 = arith.extui %and3A_63 : vector<16xi1> to vector<16xi32>
    %reduce_sum3A_65 = arith.constant true
    %reduce_sum3A_66 = vector.broadcast %reduce_sum3A_65 : i1 to vector<16xi1>
    %reduce_sum3A_67 = tpu.scan <sum>, %convert_element_type3A_64 masked %reduce_sum3A_66 : vector<16xi32>, vector<16xi1> -> vector<16xi32>
    %reduce_sum3A_68 = vector.extract %reduce_sum3A_67[15] : i32 from vector<16xi32>
    %add3A_69 = arith.addi %add3A_44, %reduce_sum3A_68 : i32
    %convert_element_type3A_70 = arith.extui %gt3A_57 : vector<16xi1> to vector<16xi32>
    %reduce_sum3A_71 = arith.constant true
    %reduce_sum3A_72 = vector.broadcast %reduce_sum3A_71 : i1 to vector<16xi1>
    %reduce_sum3A_73 = tpu.scan <sum>, %convert_element_type3A_70 masked %reduce_sum3A_72 : vector<16xi32>, vector<16xi1> -> vector<16xi32>
    %reduce_sum3A_74 = vector.extract %reduce_sum3A_73[15] : i32 from vector<16xi32>
    %add3A_75 = arith.addi %add3A_50, %reduce_sum3A_74 : i32
    %get3A_76 = arith.constant 48 : index
    %get3A_77 = tpu.vector_load %arg5[%get3A_76] {strides = array<i32>} : memref<512xf32, #tpu.memory_space<vmem>>, vector<16xf32>,
    %get3A_78 = arith.constant 304 : index
    %get3A_79 = tpu.vector_load %arg5[%get3A_78] {strides = array<i32>} : memref<512xf32, #tpu.memory_space<vmem>>, vector<16xf32>,
    %gt3A_80 = arith.constant 5.000000e-01 : f32
    %gt3A_81 = vector.broadcast %gt3A_80 : f32 to vector<16xf32>
    %gt3A_82 = arith.cmpf ogt, %get3A_79, %gt3A_81 : vector<16xf32>
    %gt3A_83 = arith.constant 5.000000e-01 : f32
    %gt3A_84 = vector.broadcast %gt3A_83 : f32 to vector<16xf32>
    %gt3A_85 = arith.cmpf ogt, %get3A_77, %gt3A_84 : vector<16xf32>
    %not3A_86 = arith.constant dense<true> : vector<16xi1>
    %not3A_87 = arith.xori %gt3A_82, %not3A_86 : vector<16xi1>
    %and3A_88 = arith.andi %gt3A_85, %not3A_87 : vector<16xi1>
    %convert_element_type3A_89 = arith.extui %and3A_88 : vector<16xi1> to vector<16xi32>
    %reduce_sum3A_90 = arith.constant true
    %reduce_sum3A_91 = vector.broadcast %reduce_sum3A_90 : i1 to vector<16xi1>
    %reduce_sum3A_92 = tpu.scan <sum>, %convert_element_type3A_89 masked %reduce_sum3A_91 : vector<16xi32>, vector<16xi1> -> vector<16xi32>
    %reduce_sum3A_93 = vector.extract %reduce_sum3A_92[15] : i32 from vector<16xi32>
    %add3A_94 = arith.addi %add3A_69, %reduce_sum3A_93 : i32
    %convert_element_type3A_95 = arith.extui %gt3A_82 : vector<16xi1> to vector<16xi32>
    %reduce_sum3A_96 = arith.constant true
    %reduce_sum3A_97 = vector.broadcast %reduce_sum3A_96 : i1 to vector<16xi1>
    %reduce_sum3A_98 = tpu.scan <sum>, %convert_element_type3A_95 masked %reduce_sum3A_97 : vector<16xi32>, vector<16xi1> -> vector<16xi32>
    %reduce_sum3A_99 = vector.extract %reduce_sum3A_98[15] : i32 from vector<16xi32>
    %add3A_100 = arith.addi %add3A_75, %reduce_sum3A_99 : i32
    %get3A_101 = arith.constant 64 : index
    %get3A_102 = tpu.vector_load %arg5[%get3A_101] {strides = array<i32>} : memref<512xf32, #tpu.memory_space<vmem>>, vector<16xf32>,
    %get3A_103 = arith.constant 320 : index
    %get3A_104 = tpu.vector_load %arg5[%get3A_103] {strides = array<i32>} : memref<512xf32, #tpu.memory_space<vmem>>, vector<16xf32>,
    %gt3A_105 = arith.constant 5.000000e-01 : f32
    %gt3A_106 = vector.broadcast %gt3A_105 : f32 to vector<16xf32>
    %gt3A_107 = arith.cmpf ogt, %get3A_104, %gt3A_106 : vector<16xf32>
    %gt3A_108 = arith.constant 5.000000e-01 : f32
    %gt3A_109 = vector.broadcast %gt3A_108 : f32 to vector<16xf32>
    %gt3A_110 = arith.cmpf ogt, %get3A_102, %gt3A_109 : vector<16xf32>
    %not3A_111 = arith.constant dense<true> : vector<16xi1>
    %not3A_112 = arith.xori %gt3A_107, %not3A_111 : vector<16xi1>
    %and3A_113 = arith.andi %gt3A_110, %not3A_112 : vector<16xi1>
    %convert_element_type3A_114 = arith.extui %and3A_113 : vector<16xi1> to vector<16xi32>
    %reduce_sum3A_115 = arith.constant true
    %reduce_sum3A_116 = vector.broadcast %reduce_sum3A_115 : i1 to vector<16xi1>
    %reduce_sum3A_117 = tpu.scan <sum>, %convert_element_type3A_114 masked %reduce_sum3A_116 : vector<16xi32>, vector<16xi1> -> vector<16xi32>
    %reduce_sum3A_118 = vector.extract %reduce_sum3A_117[15] : i32 from vector<16xi32>
    %add3A_119 = arith.addi %add3A_94, %reduce_sum3A_118 : i32
    %convert_element_type3A_120 = arith.extui %gt3A_107 : vector<16xi1> to vector<16xi32>
    %reduce_sum3A_121 = arith.constant true
    %reduce_sum3A_122 = vector.broadcast %reduce_sum3A_121 : i1 to vector<16xi1>
    %reduce_sum3A_123 = tpu.scan <sum>, %convert_element_type3A_120 masked %reduce_sum3A_122 : vector<16xi32>, vector<16xi1> -> vector<16xi32>
    %reduce_sum3A_124 = vector.extract %reduce_sum3A_123[15] : i32 from vector<16xi32>
    %add3A_125 = arith.addi %add3A_100, %reduce_sum3A_124 : i32
    %get3A_126 = arith.constant 80 : index
    %get3A_127 = tpu.vector_load %arg5[%get3A_126] {strides = array<i32>} : memref<512xf32, #tpu.memory_space<vmem>>, vector<16xf32>,
    %get3A_128 = arith.constant 336 : index
    %get3A_129 = tpu.vector_load %arg5[%get3A_128] {strides = array<i32>} : memref<512xf32, #tpu.memory_space<vmem>>, vector<16xf32>,
    %gt3A_130 = arith.constant 5.000000e-01 : f32
    %gt3A_131 = vector.broadcast %gt3A_130 : f32 to vector<16xf32>
    %gt3A_132 = arith.cmpf ogt, %get3A_129, %gt3A_131 : vector<16xf32>
    %gt3A_133 = arith.constant 5.000000e-01 : f32
    %gt3A_134 = vector.broadcast %gt3A_133 : f32 to vector<16xf32>
    %gt3A_135 = arith.cmpf ogt, %get3A_127, %gt3A_134 : vector<16xf32>
    %not3A_136 = arith.constant dense<true> : vector<16xi1>
    %not3A_137 = arith.xori %gt3A_132, %not3A_136 : vector<16xi1>
    %and3A_138 = arith.andi %gt3A_135, %not3A_137 : vector<16xi1>
    %convert_element_type3A_139 = arith.extui %and3A_138 : vector<16xi1> to vector<16xi32>
    %reduce_sum3A_140 = arith.constant true
    %reduce_sum3A_141 = vector.broadcast %reduce_sum3A_140 : i1 to vector<16xi1>
    %reduce_sum3A_142 = tpu.scan <sum>, %convert_element_type3A_139 masked %reduce_sum3A_141 : vector<16xi32>, vector<16xi1> -> vector<16xi32>
    %reduce_sum3A_143 = vector.extract %reduce_sum3A_142[15] : i32 from vector<16xi32>
    %add3A_144 = arith.addi %add3A_119, %reduce_sum3A_143 : i32
    %convert_element_type3A_145 = arith.extui %gt3A_132 : vector<16xi1> to vector<16xi32>
    %reduce_sum3A_146 = arith.constant true
    %reduce_sum3A_147 = vector.broadcast %reduce_sum3A_146 : i1 to vector<16xi1>
    %reduce_sum3A_148 = tpu.scan <sum>, %convert_element_type3A_145 masked %reduce_sum3A_147 : vector<16xi32>, vector<16xi1> -> vector<16xi32>
    %reduce_sum3A_149 = vector.extract %reduce_sum3A_148[15] : i32 from vector<16xi32>
    %add3A_150 = arith.addi %add3A_125, %reduce_sum3A_149 : i32
    %get3A_151 = arith.constant 96 : index
    %get3A_152 = tpu.vector_load %arg5[%get3A_151] {strides = array<i32>} : memref<512xf32, #tpu.memory_space<vmem>>, vector<16xf32>,
    %get3A_153 = arith.constant 352 : index
    %get3A_154 = tpu.vector_load %arg5[%get3A_153] {strides = array<i32>} : memref<512xf32, #tpu.memory_space<vmem>>, vector<16xf32>,
    %gt3A_155 = arith.constant 5.000000e-01 : f32
    %gt3A_156 = vector.broadcast %gt3A_155 : f32 to vector<16xf32>
    %gt3A_157 = arith.cmpf ogt, %get3A_154, %gt3A_156 : vector<16xf32>
    %gt3A_158 = arith.constant 5.000000e-01 : f32
    %gt3A_159 = vector.broadcast %gt3A_158 : f32 to vector<16xf32>
    %gt3A_160 = arith.cmpf ogt, %get3A_152, %gt3A_159 : vector<16xf32>
    %not3A_161 = arith.constant dense<true> : vector<16xi1>
    %not3A_162 = arith.xori %gt3A_157, %not3A_161 : vector<16xi1>
    %and3A_163 = arith.andi %gt3A_160, %not3A_162 : vector<16xi1>
    %convert_element_type3A_164 = arith.extui %and3A_163 : vector<16xi1> to vector<16xi32>
    %reduce_sum3A_165 = arith.constant true
    %reduce_sum3A_166 = vector.broadcast %reduce_sum3A_165 : i1 to vector<16xi1>
    %reduce_sum3A_167 = tpu.scan <sum>, %convert_element_type3A_164 masked %reduce_sum3A_166 : vector<16xi32>, vector<16xi1> -> vector<16xi32>
    %reduce_sum3A_168 = vector.extract %reduce_sum3A_167[15] : i32 from vector<16xi32>
    %add3A_169 = arith.addi %add3A_144, %reduce_sum3A_168 : i32
    %convert_element_type3A_170 = arith.extui %gt3A_157 : vector<16xi1> to vector<16xi32>
    %reduce_sum3A_171 = arith.constant true
    %reduce_sum3A_172 = vector.broadcast %reduce_sum3A_171 : i1 to vector<16xi1>
    %reduce_sum3A_173 = tpu.scan <sum>, %convert_element_type3A_170 masked %reduce_sum3A_172 : vector<16xi32>, vector<16xi1> -> vector<16xi32>
    %reduce_sum3A_174 = vector.extract %reduce_sum3A_173[15] : i32 from vector<16xi32>
    %add3A_175 = arith.addi %add3A_150, %reduce_sum3A_174 : i32
    %get3A_176 = arith.constant 112 : index
    %get3A_177 = tpu.vector_load %arg5[%get3A_176] {strides = array<i32>} : memref<512xf32, #tpu.memory_space<vmem>>, vector<16xf32>,
    %get3A_178 = arith.constant 368 : index
    %get3A_179 = tpu.vector_load %arg5[%get3A_178] {strides = array<i32>} : memref<512xf32, #tpu.memory_space<vmem>>, vector<16xf32>,
    %gt3A_180 = arith.constant 5.000000e-01 : f32
    %gt3A_181 = vector.broadcast %gt3A_180 : f32 to vector<16xf32>
    %gt3A_182 = arith.cmpf ogt, %get3A_179, %gt3A_181 : vector<16xf32>
    %gt3A_183 = arith.constant 5.000000e-01 : f32
    %gt3A_184 = vector.broadcast %gt3A_183 : f32 to vector<16xf32>
    %gt3A_185 = arith.cmpf ogt, %get3A_177, %gt3A_184 : vector<16xf32>
    %not3A_186 = arith.constant dense<true> : vector<16xi1>
    %not3A_187 = arith.xori %gt3A_182, %not3A_186 : vector<16xi1>
    %and3A_188 = arith.andi %gt3A_185, %not3A_187 : vector<16xi1>
    %convert_element_type3A_189 = arith.extui %and3A_188 : vector<16xi1> to vector<16xi32>
    %reduce_sum3A_190 = arith.constant true
    %reduce_sum3A_191 = vector.broadcast %reduce_sum3A_190 : i1 to vector<16xi1>
    %reduce_sum3A_192 = tpu.scan <sum>, %convert_element_type3A_189 masked %reduce_sum3A_191 : vector<16xi32>, vector<16xi1> -> vector<16xi32>
    %reduce_sum3A_193 = vector.extract %reduce_sum3A_192[15] : i32 from vector<16xi32>
    %add3A_194 = arith.addi %add3A_169, %reduce_sum3A_193 : i32
    %convert_element_type3A_195 = arith.extui %gt3A_182 : vector<16xi1> to vector<16xi32>
    %reduce_sum3A_196 = arith.constant true
    %reduce_sum3A_197 = vector.broadcast %reduce_sum3A_196 : i1 to vector<16xi1>
    %reduce_sum3A_198 = tpu.scan <sum>, %convert_element_type3A_195 masked %reduce_sum3A_197 : vector<16xi32>, vector<16xi1> -> vector<16xi32>
    %reduce_sum3A_199 = vector.extract %reduce_sum3A_198[15] : i32 from vector<16xi32>
    %add3A_200 = arith.addi %add3A_175, %reduce_sum3A_199 : i32
    %get3A_201 = arith.constant 128 : index
    %get3A_202 = tpu.vector_load %arg5[%get3A_201] {strides = array<i32>} : memref<512xf32, #tpu.memory_space<vmem>>, vector<16xf32>,
    %get3A_203 = arith.constant 384 : index
    %get3A_204 = tpu.vector_load %arg5[%get3A_203] {strides = array<i32>} : memref<512xf32, #tpu.memory_space<vmem>>, vector<16xf32>,
    %gt3A_205 = arith.constant 5.000000e-01 : f32
    %gt3A_206 = vector.broadcast %gt3A_205 : f32 to vector<16xf32>
    %gt3A_207 = arith.cmpf ogt, %get3A_204, %gt3A_206 : vector<16xf32>
    %gt3A_208 = arith.constant 5.000000e-01 : f32
    %gt3A_209 = vector.broadcast %gt3A_208 : f32 to vector<16xf32>
    %gt3A_210 = arith.cmpf ogt, %get3A_202, %gt3A_209 : vector<16xf32>
    %not3A_211 = arith.constant dense<true> : vector<16xi1>
    %not3A_212 = arith.xori %gt3A_207, %not3A_211 : vector<16xi1>
    %and3A_213 = arith.andi %gt3A_210, %not3A_212 : vector<16xi1>
    %convert_element_type3A_214 = arith.extui %and3A_213 : vector<16xi1> to vector<16xi32>
    %reduce_sum3A_215 = arith.constant true
    %reduce_sum3A_216 = vector.broadcast %reduce_sum3A_215 : i1 to vector<16xi1>
    %reduce_sum3A_217 = tpu.scan <sum>, %convert_element_type3A_214 masked %reduce_sum3A_216 : vector<16xi32>, vector<16xi1> -> vector<16xi32>
    %reduce_sum3A_218 = vector.extract %reduce_sum3A_217[15] : i32 from vector<16xi32>
    %add3A_219 = arith.addi %add3A_194, %reduce_sum3A_218 : i32
    %convert_element_type3A_220 = arith.extui %gt3A_207 : vector<16xi1> to vector<16xi32>
    %reduce_sum3A_221 = arith.constant true
    %reduce_sum3A_222 = vector.broadcast %reduce_sum3A_221 : i1 to vector<16xi1>
    %reduce_sum3A_223 = tpu.scan <sum>, %convert_element_type3A_220 masked %reduce_sum3A_222 : vector<16xi32>, vector<16xi1> -> vector<16xi32>
    %reduce_sum3A_224 = vector.extract %reduce_sum3A_223[15] : i32 from vector<16xi32>
    %add3A_225 = arith.addi %add3A_200, %reduce_sum3A_224 : i32
    %get3A_226 = arith.constant 144 : index
    %get3A_227 = tpu.vector_load %arg5[%get3A_226] {strides = array<i32>} : memref<512xf32, #tpu.memory_space<vmem>>, vector<16xf32>,
    %get3A_228 = arith.constant 400 : index
    %get3A_229 = tpu.vector_load %arg5[%get3A_228] {strides = array<i32>} : memref<512xf32, #tpu.memory_space<vmem>>, vector<16xf32>,
    %gt3A_230 = arith.constant 5.000000e-01 : f32
    %gt3A_231 = vector.broadcast %gt3A_230 : f32 to vector<16xf32>
    %gt3A_232 = arith.cmpf ogt, %get3A_229, %gt3A_231 : vector<16xf32>
    %gt3A_233 = arith.constant 5.000000e-01 : f32
    %gt3A_234 = vector.broadcast %gt3A_233 : f32 to vector<16xf32>
    %gt3A_235 = arith.cmpf ogt, %get3A_227, %gt3A_234 : vector<16xf32>
    %not3A_236 = arith.constant dense<true> : vector<16xi1>
    %not3A_237 = arith.xori %gt3A_232, %not3A_236 : vector<16xi1>
    %and3A_238 = arith.andi %gt3A_235, %not3A_237 : vector<16xi1>
    %convert_element_type3A_239 = arith.extui %and3A_238 : vector<16xi1> to vector<16xi32>
    %reduce_sum3A_240 = arith.constant true
    %reduce_sum3A_241 = vector.broadcast %reduce_sum3A_240 : i1 to vector<16xi1>
    %reduce_sum3A_242 = tpu.scan <sum>, %convert_element_type3A_239 masked %reduce_sum3A_241 : vector<16xi32>, vector<16xi1> -> vector<16xi32>
    %reduce_sum3A_243 = vector.extract %reduce_sum3A_242[15] : i32 from vector<16xi32>
    %add3A_244 = arith.addi %add3A_219, %reduce_sum3A_243 : i32
    %convert_element_type3A_245 = arith.extui %gt3A_232 : vector<16xi1> to vector<16xi32>
    %reduce_sum3A_246 = arith.constant true
    %reduce_sum3A_247 = vector.broadcast %reduce_sum3A_246 : i1 to vector<16xi1>
    %reduce_sum3A_248 = tpu.scan <sum>, %convert_element_type3A_245 masked %reduce_sum3A_247 : vector<16xi32>, vector<16xi1> -> vector<16xi32>
    %reduce_sum3A_249 = vector.extract %reduce_sum3A_248[15] : i32 from vector<16xi32>
    %add3A_250 = arith.addi %add3A_225, %reduce_sum3A_249 : i32
    %get3A_251 = arith.constant 160 : index
    %get3A_252 = tpu.vector_load %arg5[%get3A_251] {strides = array<i32>} : memref<512xf32, #tpu.memory_space<vmem>>, vector<16xf32>,
    %get3A_253 = arith.constant 416 : index
    %get3A_254 = tpu.vector_load %arg5[%get3A_253] {strides = array<i32>} : memref<512xf32, #tpu.memory_space<vmem>>, vector<16xf32>,
    %gt3A_255 = arith.constant 5.000000e-01 : f32
    %gt3A_256 = vector.broadcast %gt3A_255 : f32 to vector<16xf32>
    %gt3A_257 = arith.cmpf ogt, %get3A_254, %gt3A_256 : vector<16xf32>
    %gt3A_258 = arith.constant 5.000000e-01 : f32
    %gt3A_259 = vector.broadcast %gt3A_258 : f32 to vector<16xf32>
    %gt3A_260 = arith.cmpf ogt, %get3A_252, %gt3A_259 : vector<16xf32>
    %not3A_261 = arith.constant dense<true> : vector<16xi1>
    %not3A_262 = arith.xori %gt3A_257, %not3A_261 : vector<16xi1>
    %and3A_263 = arith.andi %gt3A_260, %not3A_262 : vector<16xi1>
    %convert_element_type3A_264 = arith.extui %and3A_263 : vector<16xi1> to vector<16xi32>
    %reduce_sum3A_265 = arith.constant true
    %reduce_sum3A_266 = vector.broadcast %reduce_sum3A_265 : i1 to vector<16xi1>
    %reduce_sum3A_267 = tpu.scan <sum>, %convert_element_type3A_264 masked %reduce_sum3A_266 : vector<16xi32>, vector<16xi1> -> vector<16xi32>
    %reduce_sum3A_268 = vector.extract %reduce_sum3A_267[15] : i32 from vector<16xi32>
    %add3A_269 = arith.addi %add3A_244, %reduce_sum3A_268 : i32
    %convert_element_type3A_270 = arith.extui %gt3A_257 : vector<16xi1> to vector<16xi32>
    %reduce_sum3A_271 = arith.constant true
    %reduce_sum3A_272 = vector.broadcast %reduce_sum3A_271 : i1 to vector<16xi1>
    %reduce_sum3A_273 = tpu.scan <sum>, %convert_element_type3A_270 masked %reduce_sum3A_272 : vector<16xi32>, vector<16xi1> -> vector<16xi32>
    %reduce_sum3A_274 = vector.extract %reduce_sum3A_273[15] : i32 from vector<16xi32>
    %add3A_275 = arith.addi %add3A_250, %reduce_sum3A_274 : i32
    %get3A_276 = arith.constant 176 : index
    %get3A_277 = tpu.vector_load %arg5[%get3A_276] {strides = array<i32>} : memref<512xf32, #tpu.memory_space<vmem>>, vector<16xf32>,
    %get3A_278 = arith.constant 432 : index
    %get3A_279 = tpu.vector_load %arg5[%get3A_278] {strides = array<i32>} : memref<512xf32, #tpu.memory_space<vmem>>, vector<16xf32>,
    %gt3A_280 = arith.constant 5.000000e-01 : f32
    %gt3A_281 = vector.broadcast %gt3A_280 : f32 to vector<16xf32>
    %gt3A_282 = arith.cmpf ogt, %get3A_279, %gt3A_281 : vector<16xf32>
    %gt3A_283 = arith.constant 5.000000e-01 : f32
    %gt3A_284 = vector.broadcast %gt3A_283 : f32 to vector<16xf32>
    %gt3A_285 = arith.cmpf ogt, %get3A_277, %gt3A_284 : vector<16xf32>
    %not3A_286 = arith.constant dense<true> : vector<16xi1>
    %not3A_287 = arith.xori %gt3A_282, %not3A_286 : vector<16xi1>
    %and3A_288 = arith.andi %gt3A_285, %not3A_287 : vector<16xi1>
    %convert_element_type3A_289 = arith.extui %and3A_288 : vector<16xi1> to vector<16xi32>
    %reduce_sum3A_290 = arith.constant true
    %reduce_sum3A_291 = vector.broadcast %reduce_sum3A_290 : i1 to vector<16xi1>
    %reduce_sum3A_292 = tpu.scan <sum>, %convert_element_type3A_289 masked %reduce_sum3A_291 : vector<16xi32>, vector<16xi1> -> vector<16xi32>
    %reduce_sum3A_293 = vector.extract %reduce_sum3A_292[15] : i32 from vector<16xi32>
    %add3A_294 = arith.addi %add3A_269, %reduce_sum3A_293 : i32
    %convert_element_type3A_295 = arith.extui %gt3A_282 : vector<16xi1> to vector<16xi32>
    %reduce_sum3A_296 = arith.constant true
    %reduce_sum3A_297 = vector.broadcast %reduce_sum3A_296 : i1 to vector<16xi1>
    %reduce_sum3A_298 = tpu.scan <sum>, %convert_element_type3A_295 masked %reduce_sum3A_297 : vector<16xi32>, vector<16xi1> -> vector<16xi32>
    %reduce_sum3A_299 = vector.extract %reduce_sum3A_298[15] : i32 from vector<16xi32>
    %add3A_300 = arith.addi %add3A_275, %reduce_sum3A_299 : i32
    %get3A_301 = arith.constant 192 : index
    %get3A_302 = tpu.vector_load %arg5[%get3A_301] {strides = array<i32>} : memref<512xf32, #tpu.memory_space<vmem>>, vector<16xf32>,
    %get3A_303 = arith.constant 448 : index
    %get3A_304 = tpu.vector_load %arg5[%get3A_303] {strides = array<i32>} : memref<512xf32, #tpu.memory_space<vmem>>, vector<16xf32>,
    %gt3A_305 = arith.constant 5.000000e-01 : f32
    %gt3A_306 = vector.broadcast %gt3A_305 : f32 to vector<16xf32>
    %gt3A_307 = arith.cmpf ogt, %get3A_304, %gt3A_306 : vector<16xf32>
    %gt3A_308 = arith.constant 5.000000e-01 : f32
    %gt3A_309 = vector.broadcast %gt3A_308 : f32 to vector<16xf32>
    %gt3A_310 = arith.cmpf ogt, %get3A_302, %gt3A_309 : vector<16xf32>
    %not3A_311 = arith.constant dense<true> : vector<16xi1>
    %not3A_312 = arith.xori %gt3A_307, %not3A_311 : vector<16xi1>
    %and3A_313 = arith.andi %gt3A_310, %not3A_312 : vector<16xi1>
    %convert_element_type3A_314 = arith.extui %and3A_313 : vector<16xi1> to vector<16xi32>
    %reduce_sum3A_315 = arith.constant true
    %reduce_sum3A_316 = vector.broadcast %reduce_sum3A_315 : i1 to vector<16xi1>
    %reduce_sum3A_317 = tpu.scan <sum>, %convert_element_type3A_314 masked %reduce_sum3A_316 : vector<16xi32>, vector<16xi1> -> vector<16xi32>
    %reduce_sum3A_318 = vector.extract %reduce_sum3A_317[15] : i32 from vector<16xi32>
    %add3A_319 = arith.addi %add3A_294, %reduce_sum3A_318 : i32
    %convert_element_type3A_320 = arith.extui %gt3A_307 : vector<16xi1> to vector<16xi32>
    %reduce_sum3A_321 = arith.constant true
    %reduce_sum3A_322 = vector.broadcast %reduce_sum3A_321 : i1 to vector<16xi1>
    %reduce_sum3A_323 = tpu.scan <sum>, %convert_element_type3A_320 masked %reduce_sum3A_322 : vector<16xi32>, vector<16xi1> -> vector<16xi32>
    %reduce_sum3A_324 = vector.extract %reduce_sum3A_323[15] : i32 from vector<16xi32>
    %add3A_325 = arith.addi %add3A_300, %reduce_sum3A_324 : i32
    %get3A_326 = arith.constant 208 : index
    %get3A_327 = tpu.vector_load %arg5[%get3A_326] {strides = array<i32>} : memref<512xf32, #tpu.memory_space<vmem>>, vector<16xf32>,
    %get3A_328 = arith.constant 464 : index
    %get3A_329 = tpu.vector_load %arg5[%get3A_328] {strides = array<i32>} : memref<512xf32, #tpu.memory_space<vmem>>, vector<16xf32>,
    %gt3A_330 = arith.constant 5.000000e-01 : f32
    %gt3A_331 = vector.broadcast %gt3A_330 : f32 to vector<16xf32>
    %gt3A_332 = arith.cmpf ogt, %get3A_329, %gt3A_331 : vector<16xf32>
    %gt3A_333 = arith.constant 5.000000e-01 : f32
    %gt3A_334 = vector.broadcast %gt3A_333 : f32 to vector<16xf32>
    %gt3A_335 = arith.cmpf ogt, %get3A_327, %gt3A_334 : vector<16xf32>
    %not3A_336 = arith.constant dense<true> : vector<16xi1>
    %not3A_337 = arith.xori %gt3A_332, %not3A_336 : vector<16xi1>
    %and3A_338 = arith.andi %gt3A_335, %not3A_337 : vector<16xi1>
    %convert_element_type3A_339 = arith.extui %and3A_338 : vector<16xi1> to vector<16xi32>
    %reduce_sum3A_340 = arith.constant true
    %reduce_sum3A_341 = vector.broadcast %reduce_sum3A_340 : i1 to vector<16xi1>
    %reduce_sum3A_342 = tpu.scan <sum>, %convert_element_type3A_339 masked %reduce_sum3A_341 : vector<16xi32>, vector<16xi1> -> vector<16xi32>
    %reduce_sum3A_343 = vector.extract %reduce_sum3A_342[15] : i32 from vector<16xi32>
    %add3A_344 = arith.addi %add3A_319, %reduce_sum3A_343 : i32
    %convert_element_type3A_345 = arith.extui %gt3A_332 : vector<16xi1> to vector<16xi32>
    %reduce_sum3A_346 = arith.constant true
    %reduce_sum3A_347 = vector.broadcast %reduce_sum3A_346 : i1 to vector<16xi1>
    %reduce_sum3A_348 = tpu.scan <sum>, %convert_element_type3A_345 masked %reduce_sum3A_347 : vector<16xi32>, vector<16xi1> -> vector<16xi32>
    %reduce_sum3A_349 = vector.extract %reduce_sum3A_348[15] : i32 from vector<16xi32>
    %add3A_350 = arith.addi %add3A_325, %reduce_sum3A_349 : i32
    %get3A_351 = arith.constant 224 : index
    %get3A_352 = tpu.vector_load %arg5[%get3A_351] {strides = array<i32>} : memref<512xf32, #tpu.memory_space<vmem>>, vector<16xf32>,
    %get3A_353 = arith.constant 480 : index
    %get3A_354 = tpu.vector_load %arg5[%get3A_353] {strides = array<i32>} : memref<512xf32, #tpu.memory_space<vmem>>, vector<16xf32>,
    %gt3A_355 = arith.constant 5.000000e-01 : f32
    %gt3A_356 = vector.broadcast %gt3A_355 : f32 to vector<16xf32>
    %gt3A_357 = arith.cmpf ogt, %get3A_354, %gt3A_356 : vector<16xf32>
    %gt3A_358 = arith.constant 5.000000e-01 : f32
    %gt3A_359 = vector.broadcast %gt3A_358 : f32 to vector<16xf32>
    %gt3A_360 = arith.cmpf ogt, %get3A_352, %gt3A_359 : vector<16xf32>
    %not3A_361 = arith.constant dense<true> : vector<16xi1>
    %not3A_362 = arith.xori %gt3A_357, %not3A_361 : vector<16xi1>
    %and3A_363 = arith.andi %gt3A_360, %not3A_362 : vector<16xi1>
    %convert_element_type3A_364 = arith.extui %and3A_363 : vector<16xi1> to vector<16xi32>
    %reduce_sum3A_365 = arith.constant true
    %reduce_sum3A_366 = vector.broadcast %reduce_sum3A_365 : i1 to vector<16xi1>
    %reduce_sum3A_367 = tpu.scan <sum>, %convert_element_type3A_364 masked %reduce_sum3A_366 : vector<16xi32>, vector<16xi1> -> vector<16xi32>
    %reduce_sum3A_368 = vector.extract %reduce_sum3A_367[15] : i32 from vector<16xi32>
    %add3A_369 = arith.addi %add3A_344, %reduce_sum3A_368 : i32
    %convert_element_type3A_370 = arith.extui %gt3A_357 : vector<16xi1> to vector<16xi32>
    %reduce_sum3A_371 = arith.constant true
    %reduce_sum3A_372 = vector.broadcast %reduce_sum3A_371 : i1 to vector<16xi1>
    %reduce_sum3A_373 = tpu.scan <sum>, %convert_element_type3A_370 masked %reduce_sum3A_372 : vector<16xi32>, vector<16xi1> -> vector<16xi32>
    %reduce_sum3A_374 = vector.extract %reduce_sum3A_373[15] : i32 from vector<16xi32>
    %add3A_375 = arith.addi %add3A_350, %reduce_sum3A_374 : i32
    %get3A_376 = arith.constant 240 : index
    %get3A_377 = tpu.vector_load %arg5[%get3A_376] {strides = array<i32>} : memref<512xf32, #tpu.memory_space<vmem>>, vector<16xf32>,
    %get3A_378 = arith.constant 496 : index
    %get3A_379 = tpu.vector_load %arg5[%get3A_378] {strides = array<i32>} : memref<512xf32, #tpu.memory_space<vmem>>, vector<16xf32>,
    %gt3A_380 = arith.constant 5.000000e-01 : f32
    %gt3A_381 = vector.broadcast %gt3A_380 : f32 to vector<16xf32>
    %gt3A_382 = arith.cmpf ogt, %get3A_379, %gt3A_381 : vector<16xf32>
    %gt3A_383 = arith.constant 5.000000e-01 : f32
    %gt3A_384 = vector.broadcast %gt3A_383 : f32 to vector<16xf32>
    %gt3A_385 = arith.cmpf ogt, %get3A_377, %gt3A_384 : vector<16xf32>
    %not3A_386 = arith.constant dense<true> : vector<16xi1>
    %not3A_387 = arith.xori %gt3A_382, %not3A_386 : vector<16xi1>
    %and3A_388 = arith.andi %gt3A_385, %not3A_387 : vector<16xi1>
    %convert_element_type3A_389 = arith.extui %and3A_388 : vector<16xi1> to vector<16xi32>
    %reduce_sum3A_390 = arith.constant true
    %reduce_sum3A_391 = vector.broadcast %reduce_sum3A_390 : i1 to vector<16xi1>
    %reduce_sum3A_392 = tpu.scan <sum>, %convert_element_type3A_389 masked %reduce_sum3A_391 : vector<16xi32>, vector<16xi1> -> vector<16xi32>
    %reduce_sum3A_393 = vector.extract %reduce_sum3A_392[15] : i32 from vector<16xi32>
    %add3A_394 = arith.addi %add3A_369, %reduce_sum3A_393 : i32
    %convert_element_type3A_395 = arith.extui %gt3A_382 : vector<16xi1> to vector<16xi32>
    %reduce_sum3A_396 = arith.constant true
    %reduce_sum3A_397 = vector.broadcast %reduce_sum3A_396 : i1 to vector<16xi1>
    %reduce_sum3A_398 = tpu.scan <sum>, %convert_element_type3A_395 masked %reduce_sum3A_397 : vector<16xi32>, vector<16xi1> -> vector<16xi32>
    %reduce_sum3A_399 = vector.extract %reduce_sum3A_398[15] : i32 from vector<16xi32>
    %add3A_400 = arith.addi %add3A_375, %reduce_sum3A_399 : i32
    %sub3A = arith.constant 256 : i32
    %sub3A_401 = arith.subi %sub3A, %add3A_400 : i32
    %iota3A = tpu.iota {dimensions = array<i32: 0>} : vector<16xi32>
    %get3A_402 = arith.constant 0 : index
    %get3A_403 = tpu.vector_load %arg5[%get3A_402] {strides = array<i32>} : memref<512xf32, #tpu.memory_space<vmem>>, vector<16xf32>,
    %get3A_404 = arith.constant 256 : index
    %get3A_405 = tpu.vector_load %arg5[%get3A_404] {strides = array<i32>} : memref<512xf32, #tpu.memory_space<vmem>>, vector<16xf32>,
    %gt3A_406 = arith.constant 5.000000e-01 : f32
    %gt3A_407 = vector.broadcast %gt3A_406 : f32 to vector<16xf32>
    %gt3A_408 = arith.cmpf ogt, %get3A_405, %gt3A_407 : vector<16xf32>
    %gt3A_409 = arith.constant 5.000000e-01 : f32
    %gt3A_410 = vector.broadcast %gt3A_409 : f32 to vector<16xf32>
    %gt3A_411 = arith.cmpf ogt, %get3A_403, %gt3A_410 : vector<16xf32>
    %not3A_412 = arith.constant dense<true> : vector<16xi1>
    %not3A_413 = arith.xori %gt3A_408, %not3A_412 : vector<16xi1>
    %and3A_414 = arith.andi %gt3A_411, %not3A_413 : vector<16xi1>
    %convert_element_type3A_415 = arith.extui %and3A_414 : vector<16xi1> to vector<16xi32>
    %convert_element_type3A_416 = arith.extui %gt3A_408 : vector<16xi1> to vector<16xi32>
    %broadcast_in_dim3A = arith.constant true
    %broadcast_in_dim3A_417 = vector.broadcast %broadcast_in_dim3A : i1 to vector<16xi1>
    %masked_cumsum3A = tpu.scan <sum>, %convert_element_type3A_415 masked %broadcast_in_dim3A_417 : vector<16xi32>, vector<16xi1> -> vector<16xi32>
    %sub3A_418 = arith.subi %masked_cumsum3A, %convert_element_type3A_415 : vector<16xi32>
    %broadcast_in_dim3A_419 = arith.constant true
    %broadcast_in_dim3A_420 = vector.broadcast %broadcast_in_dim3A_419 : i1 to vector<16xi1>
    %masked_cumsum3A_421 = tpu.scan <sum>, %convert_element_type3A_416 masked %broadcast_in_dim3A_420 : vector<16xi32>, vector<16xi1> -> vector<16xi32>
    %sub3A_422 = arith.subi %masked_cumsum3A_421, %convert_element_type3A_416 : vector<16xi32>
    %sub3A_423 = arith.subi %iota3A, %sub3A_418 : vector<16xi32>
    %sub3A_424 = arith.subi %sub3A_423, %sub3A_422 : vector<16xi32>
    %add3A_425 = arith.constant 0 : i32
    %add3A_426 = vector.broadcast %add3A_425 : i32 to vector<16xi32>
    %add3A_427 = arith.addi %add3A_426, %sub3A_418 : vector<16xi32>
    %add3A_428 = vector.broadcast %sub3A_401 : i32 to vector<16xi32>
    %add3A_429 = arith.addi %add3A_428, %sub3A_422 : vector<16xi32>
    %add3A_430 = vector.broadcast %add3A_394 : i32 to vector<16xi32>
    %add3A_431 = arith.addi %add3A_430, %sub3A_424 : vector<16xi32>
    %select_n3A = arith.select %gt3A_408, %add3A_429, %add3A_431 : vector<16xi1>, vector<16xi32>
    %select_n3A_432 = arith.select %and3A_414, %add3A_427, %select_n3A : vector<16xi1>, vector<16xi32>
    %swap3A = arith.constant 0 : index
    %swap3A_433 = tpu.vector_load %arg7[%swap3A] {strides = array<i32>} : memref<256xi32, #tpu.memory_space<vmem>>, vector<16xi32>,
    tpu.vector_store %arg7[%swap3A], %select_n3A_432 {strides = array<i32>} : memref<256xi32, #tpu.memory_space<vmem>>, vector<16xi32>,
    %add3A_434 = arith.constant 0 : i32
    %add3A_435 = vector.broadcast %add3A_434 : i32 to vector<16xi32>
    %add3A_436 = arith.addi %iota3A, %add3A_435 : vector<16xi32>
    tpu.vector_store_idx %arg6[%select_n3A_432], %add3A_436 : memref<256xi32, #tpu.memory_space<vmem>>[vector<16xi32>], vector<16xi32>,
    %reduce_sum3A_437 = arith.constant true
    %reduce_sum3A_438 = vector.broadcast %reduce_sum3A_437 : i1 to vector<16xi1>
    %reduce_sum3A_439 = tpu.scan <sum>, %convert_element_type3A_415 masked %reduce_sum3A_438 : vector<16xi32>, vector<16xi1> -> vector<16xi32>
    %reduce_sum3A_440 = vector.extract %reduce_sum3A_439[15] : i32 from vector<16xi32>
    %reduce_sum3A_441 = arith.constant true
    %reduce_sum3A_442 = vector.broadcast %reduce_sum3A_441 : i1 to vector<16xi1>
    %reduce_sum3A_443 = tpu.scan <sum>, %convert_element_type3A_416 masked %reduce_sum3A_442 : vector<16xi32>, vector<16xi1> -> vector<16xi32>
    %reduce_sum3A_444 = vector.extract %reduce_sum3A_443[15] : i32 from vector<16xi32>
    %add3A_445 = arith.constant 0 : i32
    %add3A_446 = arith.addi %add3A_445, %reduce_sum3A_440 : i32
    %add3A_447 = arith.addi %sub3A_401, %reduce_sum3A_444 : i32
    %sub3A_448 = arith.constant 16 : i32
    %sub3A_449 = arith.subi %sub3A_448, %reduce_sum3A_440 : i32
    %sub3A_450 = arith.subi %sub3A_449, %reduce_sum3A_444 : i32
    %add3A_451 = arith.addi %add3A_394, %sub3A_450 : i32
    %get3A_452 = arith.constant 16 : index
    %get3A_453 = tpu.vector_load %arg5[%get3A_452] {strides = array<i32>} : memref<512xf32, #tpu.memory_space<vmem>>, vector<16xf32>,
    %get3A_454 = arith.constant 272 : index
    %get3A_455 = tpu.vector_load %arg5[%get3A_454] {strides = array<i32>} : memref<512xf32, #tpu.memory_space<vmem>>, vector<16xf32>,
    %gt3A_456 = arith.constant 5.000000e-01 : f32
    %gt3A_457 = vector.broadcast %gt3A_456 : f32 to vector<16xf32>
    %gt3A_458 = arith.cmpf ogt, %get3A_455, %gt3A_457 : vector<16xf32>
    %gt3A_459 = arith.constant 5.000000e-01 : f32
    %gt3A_460 = vector.broadcast %gt3A_459 : f32 to vector<16xf32>
    %gt3A_461 = arith.cmpf ogt, %get3A_453, %gt3A_460 : vector<16xf32>
    %not3A_462 = arith.constant dense<true> : vector<16xi1>
    %not3A_463 = arith.xori %gt3A_458, %not3A_462 : vector<16xi1>
    %and3A_464 = arith.andi %gt3A_461, %not3A_463 : vector<16xi1>
    %convert_element_type3A_465 = arith.extui %and3A_464 : vector<16xi1> to vector<16xi32>
    %convert_element_type3A_466 = arith.extui %gt3A_458 : vector<16xi1> to vector<16xi32>
    %broadcast_in_dim3A_467 = arith.constant true
    %broadcast_in_dim3A_468 = vector.broadcast %broadcast_in_dim3A_467 : i1 to vector<16xi1>
    %masked_cumsum3A_469 = tpu.scan <sum>, %convert_element_type3A_465 masked %broadcast_in_dim3A_468 : vector<16xi32>, vector<16xi1> -> vector<16xi32>
    %sub3A_470 = arith.subi %masked_cumsum3A_469, %convert_element_type3A_465 : vector<16xi32>
    %broadcast_in_dim3A_471 = arith.constant true
    %broadcast_in_dim3A_472 = vector.broadcast %broadcast_in_dim3A_471 : i1 to vector<16xi1>
    %masked_cumsum3A_473 = tpu.scan <sum>, %convert_element_type3A_466 masked %broadcast_in_dim3A_472 : vector<16xi32>, vector<16xi1> -> vector<16xi32>
    %sub3A_474 = arith.subi %masked_cumsum3A_473, %convert_element_type3A_466 : vector<16xi32>
    %sub3A_475 = arith.subi %iota3A, %sub3A_470 : vector<16xi32>
    %sub3A_476 = arith.subi %sub3A_475, %sub3A_474 : vector<16xi32>
    %add3A_477 = vector.broadcast %add3A_446 : i32 to vector<16xi32>
    %add3A_478 = arith.addi %add3A_477, %sub3A_470 : vector<16xi32>
    %add3A_479 = vector.broadcast %add3A_447 : i32 to vector<16xi32>
    %add3A_480 = arith.addi %add3A_479, %sub3A_474 : vector<16xi32>
    %add3A_481 = vector.broadcast %add3A_451 : i32 to vector<16xi32>
    %add3A_482 = arith.addi %add3A_481, %sub3A_476 : vector<16xi32>
    %select_n3A_483 = arith.select %gt3A_458, %add3A_480, %add3A_482 : vector<16xi1>, vector<16xi32>
    %select_n3A_484 = arith.select %and3A_464, %add3A_478, %select_n3A_483 : vector<16xi1>, vector<16xi32>
    %swap3A_485 = arith.constant 16 : index
    %swap3A_486 = tpu.vector_load %arg7[%swap3A_485] {strides = array<i32>} : memref<256xi32, #tpu.memory_space<vmem>>, vector<16xi32>,
    tpu.vector_store %arg7[%swap3A_485], %select_n3A_484 {strides = array<i32>} : memref<256xi32, #tpu.memory_space<vmem>>, vector<16xi32>,
    %add3A_487 = arith.constant 16 : i32
    %add3A_488 = vector.broadcast %add3A_487 : i32 to vector<16xi32>
    %add3A_489 = arith.addi %iota3A, %add3A_488 : vector<16xi32>
    tpu.vector_store_idx %arg6[%select_n3A_484], %add3A_489 : memref<256xi32, #tpu.memory_space<vmem>>[vector<16xi32>], vector<16xi32>,
    %reduce_sum3A_490 = arith.constant true
    %reduce_sum3A_491 = vector.broadcast %reduce_sum3A_490 : i1 to vector<16xi1>
    %reduce_sum3A_492 = tpu.scan <sum>, %convert_element_type3A_465 masked %reduce_sum3A_491 : vector<16xi32>, vector<16xi1> -> vector<16xi32>
    %reduce_sum3A_493 = vector.extract %reduce_sum3A_492[15] : i32 from vector<16xi32>
    %reduce_sum3A_494 = arith.constant true
    %reduce_sum3A_495 = vector.broadcast %reduce_sum3A_494 : i1 to vector<16xi1>
    %reduce_sum3A_496 = tpu.scan <sum>, %convert_element_type3A_466 masked %reduce_sum3A_495 : vector<16xi32>, vector<16xi1> -> vector<16xi32>
    %reduce_sum3A_497 = vector.extract %reduce_sum3A_496[15] : i32 from vector<16xi32>
    %add3A_498 = arith.addi %add3A_446, %reduce_sum3A_493 : i32
    %add3A_499 = arith.addi %add3A_447, %reduce_sum3A_497 : i32
    %sub3A_500 = arith.constant 16 : i32
    %sub3A_501 = arith.subi %sub3A_500, %reduce_sum3A_493 : i32
    %sub3A_502 = arith.subi %sub3A_501, %reduce_sum3A_497 : i32
    %add3A_503 = arith.addi %add3A_451, %sub3A_502 : i32
    %get3A_504 = arith.constant 32 : index
    %get3A_505 = tpu.vector_load %arg5[%get3A_504] {strides = array<i32>} : memref<512xf32, #tpu.memory_space<vmem>>, vector<16xf32>,
    %get3A_506 = arith.constant 288 : index
    %get3A_507 = tpu.vector_load %arg5[%get3A_506] {strides = array<i32>} : memref<512xf32, #tpu.memory_space<vmem>>, vector<16xf32>,
    %gt3A_508 = arith.constant 5.000000e-01 : f32
    %gt3A_509 = vector.broadcast %gt3A_508 : f32 to vector<16xf32>
    %gt3A_510 = arith.cmpf ogt, %get3A_507, %gt3A_509 : vector<16xf32>
    %gt3A_511 = arith.constant 5.000000e-01 : f32
    %gt3A_512 = vector.broadcast %gt3A_511 : f32 to vector<16xf32>
    %gt3A_513 = arith.cmpf ogt, %get3A_505, %gt3A_512 : vector<16xf32>
    %not3A_514 = arith.constant dense<true> : vector<16xi1>
    %not3A_515 = arith.xori %gt3A_510, %not3A_514 : vector<16xi1>
    %and3A_516 = arith.andi %gt3A_513, %not3A_515 : vector<16xi1>
    %convert_element_type3A_517 = arith.extui %and3A_516 : vector<16xi1> to vector<16xi32>
    %convert_element_type3A_518 = arith.extui %gt3A_510 : vector<16xi1> to vector<16xi32>
    %broadcast_in_dim3A_519 = arith.constant true
    %broadcast_in_dim3A_520 = vector.broadcast %broadcast_in_dim3A_519 : i1 to vector<16xi1>
    %masked_cumsum3A_521 = tpu.scan <sum>, %convert_element_type3A_517 masked %broadcast_in_dim3A_520 : vector<16xi32>, vector<16xi1> -> vector<16xi32>
    %sub3A_522 = arith.subi %masked_cumsum3A_521, %convert_element_type3A_517 : vector<16xi32>
    %broadcast_in_dim3A_523 = arith.constant true
    %broadcast_in_dim3A_524 = vector.broadcast %broadcast_in_dim3A_523 : i1 to vector<16xi1>
    %masked_cumsum3A_525 = tpu.scan <sum>, %convert_element_type3A_518 masked %broadcast_in_dim3A_524 : vector<16xi32>, vector<16xi1> -> vector<16xi32>
    %sub3A_526 = arith.subi %masked_cumsum3A_525, %convert_element_type3A_518 : vector<16xi32>
    %sub3A_527 = arith.subi %iota3A, %sub3A_522 : vector<16xi32>
    %sub3A_528 = arith.subi %sub3A_527, %sub3A_526 : vector<16xi32>
    %add3A_529 = vector.broadcast %add3A_498 : i32 to vector<16xi32>
    %add3A_530 = arith.addi %add3A_529, %sub3A_522 : vector<16xi32>
    %add3A_531 = vector.broadcast %add3A_499 : i32 to vector<16xi32>
    %add3A_532 = arith.addi %add3A_531, %sub3A_526 : vector<16xi32>
    %add3A_533 = vector.broadcast %add3A_503 : i32 to vector<16xi32>
    %add3A_534 = arith.addi %add3A_533, %sub3A_528 : vector<16xi32>
    %select_n3A_535 = arith.select %gt3A_510, %add3A_532, %add3A_534 : vector<16xi1>, vector<16xi32>
    %select_n3A_536 = arith.select %and3A_516, %add3A_530, %select_n3A_535 : vector<16xi1>, vector<16xi32>
    %swap3A_537 = arith.constant 32 : index
    %swap3A_538 = tpu.vector_load %arg7[%swap3A_537] {strides = array<i32>} : memref<256xi32, #tpu.memory_space<vmem>>, vector<16xi32>,
    tpu.vector_store %arg7[%swap3A_537], %select_n3A_536 {strides = array<i32>} : memref<256xi32, #tpu.memory_space<vmem>>, vector<16xi32>,
    %add3A_539 = arith.constant 32 : i32
    %add3A_540 = vector.broadcast %add3A_539 : i32 to vector<16xi32>
    %add3A_541 = arith.addi %iota3A, %add3A_540 : vector<16xi32>
    tpu.vector_store_idx %arg6[%select_n3A_536], %add3A_541 : memref<256xi32, #tpu.memory_space<vmem>>[vector<16xi32>], vector<16xi32>,
    %reduce_sum3A_542 = arith.constant true
    %reduce_sum3A_543 = vector.broadcast %reduce_sum3A_542 : i1 to vector<16xi1>
    %reduce_sum3A_544 = tpu.scan <sum>, %convert_element_type3A_517 masked %reduce_sum3A_543 : vector<16xi32>, vector<16xi1> -> vector<16xi32>
    %reduce_sum3A_545 = vector.extract %reduce_sum3A_544[15] : i32 from vector<16xi32>
    %reduce_sum3A_546 = arith.constant true
    %reduce_sum3A_547 = vector.broadcast %reduce_sum3A_546 : i1 to vector<16xi1>
    %reduce_sum3A_548 = tpu.scan <sum>, %convert_element_type3A_518 masked %reduce_sum3A_547 : vector<16xi32>, vector<16xi1> -> vector<16xi32>
    %reduce_sum3A_549 = vector.extract %reduce_sum3A_548[15] : i32 from vector<16xi32>
    %add3A_550 = arith.addi %add3A_498, %reduce_sum3A_545 : i32
    %add3A_551 = arith.addi %add3A_499, %reduce_sum3A_549 : i32
    %sub3A_552 = arith.constant 16 : i32
    %sub3A_553 = arith.subi %sub3A_552, %reduce_sum3A_545 : i32
    %sub3A_554 = arith.subi %sub3A_553, %reduce_sum3A_549 : i32
    %add3A_555 = arith.addi %add3A_503, %sub3A_554 : i32
    %get3A_556 = arith.constant 48 : index
    %get3A_557 = tpu.vector_load %arg5[%get3A_556] {strides = array<i32>} : memref<512xf32, #tpu.memory_space<vmem>>, vector<16xf32>,
    %get3A_558 = arith.constant 304 : index
    %get3A_559 = tpu.vector_load %arg5[%get3A_558] {strides = array<i32>} : memref<512xf32, #tpu.memory_space<vmem>>, vector<16xf32>,
    %gt3A_560 = arith.constant 5.000000e-01 : f32
    %gt3A_561 = vector.broadcast %gt3A_560 : f32 to vector<16xf32>
    %gt3A_562 = arith.cmpf ogt, %get3A_559, %gt3A_561 : vector<16xf32>
    %gt3A_563 = arith.constant 5.000000e-01 : f32
    %gt3A_564 = vector.broadcast %gt3A_563 : f32 to vector<16xf32>
    %gt3A_565 = arith.cmpf ogt, %get3A_557, %gt3A_564 : vector<16xf32>
    %not3A_566 = arith.constant dense<true> : vector<16xi1>
    %not3A_567 = arith.xori %gt3A_562, %not3A_566 : vector<16xi1>
    %and3A_568 = arith.andi %gt3A_565, %not3A_567 : vector<16xi1>
    %convert_element_type3A_569 = arith.extui %and3A_568 : vector<16xi1> to vector<16xi32>
    %convert_element_type3A_570 = arith.extui %gt3A_562 : vector<16xi1> to vector<16xi32>
    %broadcast_in_dim3A_571 = arith.constant true
    %broadcast_in_dim3A_572 = vector.broadcast %broadcast_in_dim3A_571 : i1 to vector<16xi1>
    %masked_cumsum3A_573 = tpu.scan <sum>, %convert_element_type3A_569 masked %broadcast_in_dim3A_572 : vector<16xi32>, vector<16xi1> -> vector<16xi32>
    %sub3A_574 = arith.subi %masked_cumsum3A_573, %convert_element_type3A_569 : vector<16xi32>
    %broadcast_in_dim3A_575 = arith.constant true
    %broadcast_in_dim3A_576 = vector.broadcast %broadcast_in_dim3A_575 : i1 to vector<16xi1>
    %masked_cumsum3A_577 = tpu.scan <sum>, %convert_element_type3A_570 masked %broadcast_in_dim3A_576 : vector<16xi32>, vector<16xi1> -> vector<16xi32>
    %sub3A_578 = arith.subi %masked_cumsum3A_577, %convert_element_type3A_570 : vector<16xi32>
    %sub3A_579 = arith.subi %iota3A, %sub3A_574 : vector<16xi32>
    %sub3A_580 = arith.subi %sub3A_579, %sub3A_578 : vector<16xi32>
    %add3A_581 = vector.broadcast %add3A_550 : i32 to vector<16xi32>
    %add3A_582 = arith.addi %add3A_581, %sub3A_574 : vector<16xi32>
    %add3A_583 = vector.broadcast %add3A_551 : i32 to vector<16xi32>
    %add3A_584 = arith.addi %add3A_583, %sub3A_578 : vector<16xi32>
    %add3A_585 = vector.broadcast %add3A_555 : i32 to vector<16xi32>
    %add3A_586 = arith.addi %add3A_585, %sub3A_580 : vector<16xi32>
    %select_n3A_587 = arith.select %gt3A_562, %add3A_584, %add3A_586 : vector<16xi1>, vector<16xi32>
    %select_n3A_588 = arith.select %and3A_568, %add3A_582, %select_n3A_587 : vector<16xi1>, vector<16xi32>
    %swap3A_589 = arith.constant 48 : index
    %swap3A_590 = tpu.vector_load %arg7[%swap3A_589] {strides = array<i32>} : memref<256xi32, #tpu.memory_space<vmem>>, vector<16xi32>,
    tpu.vector_store %arg7[%swap3A_589], %select_n3A_588 {strides = array<i32>} : memref<256xi32, #tpu.memory_space<vmem>>, vector<16xi32>,
    %add3A_591 = arith.constant 48 : i32
    %add3A_592 = vector.broadcast %add3A_591 : i32 to vector<16xi32>
    %add3A_593 = arith.addi %iota3A, %add3A_592 : vector<16xi32>
    tpu.vector_store_idx %arg6[%select_n3A_588], %add3A_593 : memref<256xi32, #tpu.memory_space<vmem>>[vector<16xi32>], vector<16xi32>,
    %reduce_sum3A_594 = arith.constant true
    %reduce_sum3A_595 = vector.broadcast %reduce_sum3A_594 : i1 to vector<16xi1>
    %reduce_sum3A_596 = tpu.scan <sum>, %convert_element_type3A_569 masked %reduce_sum3A_595 : vector<16xi32>, vector<16xi1> -> vector<16xi32>
    %reduce_sum3A_597 = vector.extract %reduce_sum3A_596[15] : i32 from vector<16xi32>
    %reduce_sum3A_598 = arith.constant true
    %reduce_sum3A_599 = vector.broadcast %reduce_sum3A_598 : i1 to vector<16xi1>
    %reduce_sum3A_600 = tpu.scan <sum>, %convert_element_type3A_570 masked %reduce_sum3A_599 : vector<16xi32>, vector<16xi1> -> vector<16xi32>
    %reduce_sum3A_601 = vector.extract %reduce_sum3A_600[15] : i32 from vector<16xi32>
    %add3A_602 = arith.addi %add3A_550, %reduce_sum3A_597 : i32
    %add3A_603 = arith.addi %add3A_551, %reduce_sum3A_601 : i32
    %sub3A_604 = arith.constant 16 : i32
    %sub3A_605 = arith.subi %sub3A_604, %reduce_sum3A_597 : i32
    %sub3A_606 = arith.subi %sub3A_605, %reduce_sum3A_601 : i32
    %add3A_607 = arith.addi %add3A_555, %sub3A_606 : i32
    %get3A_608 = arith.constant 64 : index
    %get3A_609 = tpu.vector_load %arg5[%get3A_608] {strides = array<i32>} : memref<512xf32, #tpu.memory_space<vmem>>, vector<16xf32>,
    %get3A_610 = arith.constant 320 : index
    %get3A_611 = tpu.vector_load %arg5[%get3A_610] {strides = array<i32>} : memref<512xf32, #tpu.memory_space<vmem>>, vector<16xf32>,
    %gt3A_612 = arith.constant 5.000000e-01 : f32
    %gt3A_613 = vector.broadcast %gt3A_612 : f32 to vector<16xf32>
    %gt3A_614 = arith.cmpf ogt, %get3A_611, %gt3A_613 : vector<16xf32>
    %gt3A_615 = arith.constant 5.000000e-01 : f32
    %gt3A_616 = vector.broadcast %gt3A_615 : f32 to vector<16xf32>
    %gt3A_617 = arith.cmpf ogt, %get3A_609, %gt3A_616 : vector<16xf32>
    %not3A_618 = arith.constant dense<true> : vector<16xi1>
    %not3A_619 = arith.xori %gt3A_614, %not3A_618 : vector<16xi1>
    %and3A_620 = arith.andi %gt3A_617, %not3A_619 : vector<16xi1>
    %convert_element_type3A_621 = arith.extui %and3A_620 : vector<16xi1> to vector<16xi32>
    %convert_element_type3A_622 = arith.extui %gt3A_614 : vector<16xi1> to vector<16xi32>
    %broadcast_in_dim3A_623 = arith.constant true
    %broadcast_in_dim3A_624 = vector.broadcast %broadcast_in_dim3A_623 : i1 to vector<16xi1>
    %masked_cumsum3A_625 = tpu.scan <sum>, %convert_element_type3A_621 masked %broadcast_in_dim3A_624 : vector<16xi32>, vector<16xi1> -> vector<16xi32>
    %sub3A_626 = arith.subi %masked_cumsum3A_625, %convert_element_type3A_621 : vector<16xi32>
    %broadcast_in_dim3A_627 = arith.constant true
    %broadcast_in_dim3A_628 = vector.broadcast %broadcast_in_dim3A_627 : i1 to vector<16xi1>
    %masked_cumsum3A_629 = tpu.scan <sum>, %convert_element_type3A_622 masked %broadcast_in_dim3A_628 : vector<16xi32>, vector<16xi1> -> vector<16xi32>
    %sub3A_630 = arith.subi %masked_cumsum3A_629, %convert_element_type3A_622 : vector<16xi32>
    %sub3A_631 = arith.subi %iota3A, %sub3A_626 : vector<16xi32>
    %sub3A_632 = arith.subi %sub3A_631, %sub3A_630 : vector<16xi32>
    %add3A_633 = vector.broadcast %add3A_602 : i32 to vector<16xi32>
    %add3A_634 = arith.addi %add3A_633, %sub3A_626 : vector<16xi32>
    %add3A_635 = vector.broadcast %add3A_603 : i32 to vector<16xi32>
    %add3A_636 = arith.addi %add3A_635, %sub3A_630 : vector<16xi32>
    %add3A_637 = vector.broadcast %add3A_607 : i32 to vector<16xi32>
    %add3A_638 = arith.addi %add3A_637, %sub3A_632 : vector<16xi32>
    %select_n3A_639 = arith.select %gt3A_614, %add3A_636, %add3A_638 : vector<16xi1>, vector<16xi32>
    %select_n3A_640 = arith.select %and3A_620, %add3A_634, %select_n3A_639 : vector<16xi1>, vector<16xi32>
    %swap3A_641 = arith.constant 64 : index
    %swap3A_642 = tpu.vector_load %arg7[%swap3A_641] {strides = array<i32>} : memref<256xi32, #tpu.memory_space<vmem>>, vector<16xi32>,
    tpu.vector_store %arg7[%swap3A_641], %select_n3A_640 {strides = array<i32>} : memref<256xi32, #tpu.memory_space<vmem>>, vector<16xi32>,
    %add3A_643 = arith.constant 64 : i32
    %add3A_644 = vector.broadcast %add3A_643 : i32 to vector<16xi32>
    %add3A_645 = arith.addi %iota3A, %add3A_644 : vector<16xi32>
    tpu.vector_store_idx %arg6[%select_n3A_640], %add3A_645 : memref<256xi32, #tpu.memory_space<vmem>>[vector<16xi32>], vector<16xi32>,
    %reduce_sum3A_646 = arith.constant true
    %reduce_sum3A_647 = vector.broadcast %reduce_sum3A_646 : i1 to vector<16xi1>
    %reduce_sum3A_648 = tpu.scan <sum>, %convert_element_type3A_621 masked %reduce_sum3A_647 : vector<16xi32>, vector<16xi1> -> vector<16xi32>
    %reduce_sum3A_649 = vector.extract %reduce_sum3A_648[15] : i32 from vector<16xi32>
    %reduce_sum3A_650 = arith.constant true
    %reduce_sum3A_651 = vector.broadcast %reduce_sum3A_650 : i1 to vector<16xi1>
    %reduce_sum3A_652 = tpu.scan <sum>, %convert_element_type3A_622 masked %reduce_sum3A_651 : vector<16xi32>, vector<16xi1> -> vector<16xi32>
    %reduce_sum3A_653 = vector.extract %reduce_sum3A_652[15] : i32 from vector<16xi32>
    %add3A_654 = arith.addi %add3A_602, %reduce_sum3A_649 : i32
    %add3A_655 = arith.addi %add3A_603, %reduce_sum3A_653 : i32
    %sub3A_656 = arith.constant 16 : i32
    %sub3A_657 = arith.subi %sub3A_656, %reduce_sum3A_649 : i32
    %sub3A_658 = arith.subi %sub3A_657, %reduce_sum3A_653 : i32
    %add3A_659 = arith.addi %add3A_607, %sub3A_658 : i32
    %get3A_660 = arith.constant 80 : index
    %get3A_661 = tpu.vector_load %arg5[%get3A_660] {strides = array<i32>} : memref<512xf32, #tpu.memory_space<vmem>>, vector<16xf32>,
    %get3A_662 = arith.constant 336 : index
    %get3A_663 = tpu.vector_load %arg5[%get3A_662] {strides = array<i32>} : memref<512xf32, #tpu.memory_space<vmem>>, vector<16xf32>,
    %gt3A_664 = arith.constant 5.000000e-01 : f32
    %gt3A_665 = vector.broadcast %gt3A_664 : f32 to vector<16xf32>
    %gt3A_666 = arith.cmpf ogt, %get3A_663, %gt3A_665 : vector<16xf32>
    %gt3A_667 = arith.constant 5.000000e-01 : f32
    %gt3A_668 = vector.broadcast %gt3A_667 : f32 to vector<16xf32>
    %gt3A_669 = arith.cmpf ogt, %get3A_661, %gt3A_668 : vector<16xf32>
    %not3A_670 = arith.constant dense<true> : vector<16xi1>
    %not3A_671 = arith.xori %gt3A_666, %not3A_670 : vector<16xi1>
    %and3A_672 = arith.andi %gt3A_669, %not3A_671 : vector<16xi1>
    %convert_element_type3A_673 = arith.extui %and3A_672 : vector<16xi1> to vector<16xi32>
    %convert_element_type3A_674 = arith.extui %gt3A_666 : vector<16xi1> to vector<16xi32>
    %broadcast_in_dim3A_675 = arith.constant true
    %broadcast_in_dim3A_676 = vector.broadcast %broadcast_in_dim3A_675 : i1 to vector<16xi1>
    %masked_cumsum3A_677 = tpu.scan <sum>, %convert_element_type3A_673 masked %broadcast_in_dim3A_676 : vector<16xi32>, vector<16xi1> -> vector<16xi32>
    %sub3A_678 = arith.subi %masked_cumsum3A_677, %convert_element_type3A_673 : vector<16xi32>
    %broadcast_in_dim3A_679 = arith.constant true
    %broadcast_in_dim3A_680 = vector.broadcast %broadcast_in_dim3A_679 : i1 to vector<16xi1>
    %masked_cumsum3A_681 = tpu.scan <sum>, %convert_element_type3A_674 masked %broadcast_in_dim3A_680 : vector<16xi32>, vector<16xi1> -> vector<16xi32>
    %sub3A_682 = arith.subi %masked_cumsum3A_681, %convert_element_type3A_674 : vector<16xi32>
    %sub3A_683 = arith.subi %iota3A, %sub3A_678 : vector<16xi32>
    %sub3A_684 = arith.subi %sub3A_683, %sub3A_682 : vector<16xi32>
    %add3A_685 = vector.broadcast %add3A_654 : i32 to vector<16xi32>
    %add3A_686 = arith.addi %add3A_685, %sub3A_678 : vector<16xi32>
    %add3A_687 = vector.broadcast %add3A_655 : i32 to vector<16xi32>
    %add3A_688 = arith.addi %add3A_687, %sub3A_682 : vector<16xi32>
    %add3A_689 = vector.broadcast %add3A_659 : i32 to vector<16xi32>
    %add3A_690 = arith.addi %add3A_689, %sub3A_684 : vector<16xi32>
    %select_n3A_691 = arith.select %gt3A_666, %add3A_688, %add3A_690 : vector<16xi1>, vector<16xi32>
    %select_n3A_692 = arith.select %and3A_672, %add3A_686, %select_n3A_691 : vector<16xi1>, vector<16xi32>
    %swap3A_693 = arith.constant 80 : index
    %swap3A_694 = tpu.vector_load %arg7[%swap3A_693] {strides = array<i32>} : memref<256xi32, #tpu.memory_space<vmem>>, vector<16xi32>,
    tpu.vector_store %arg7[%swap3A_693], %select_n3A_692 {strides = array<i32>} : memref<256xi32, #tpu.memory_space<vmem>>, vector<16xi32>,
    %add3A_695 = arith.constant 80 : i32
    %add3A_696 = vector.broadcast %add3A_695 : i32 to vector<16xi32>
    %add3A_697 = arith.addi %iota3A, %add3A_696 : vector<16xi32>
    tpu.vector_store_idx %arg6[%select_n3A_692], %add3A_697 : memref<256xi32, #tpu.memory_space<vmem>>[vector<16xi32>], vector<16xi32>,
    %reduce_sum3A_698 = arith.constant true
    %reduce_sum3A_699 = vector.broadcast %reduce_sum3A_698 : i1 to vector<16xi1>
    %reduce_sum3A_700 = tpu.scan <sum>, %convert_element_type3A_673 masked %reduce_sum3A_699 : vector<16xi32>, vector<16xi1> -> vector<16xi32>
    %reduce_sum3A_701 = vector.extract %reduce_sum3A_700[15] : i32 from vector<16xi32>
    %reduce_sum3A_702 = arith.constant true
    %reduce_sum3A_703 = vector.broadcast %reduce_sum3A_702 : i1 to vector<16xi1>
    %reduce_sum3A_704 = tpu.scan <sum>, %convert_element_type3A_674 masked %reduce_sum3A_703 : vector<16xi32>, vector<16xi1> -> vector<16xi32>
    %reduce_sum3A_705 = vector.extract %reduce_sum3A_704[15] : i32 from vector<16xi32>
    %add3A_706 = arith.addi %add3A_654, %reduce_sum3A_701 : i32
    %add3A_707 = arith.addi %add3A_655, %reduce_sum3A_705 : i32
    %sub3A_708 = arith.constant 16 : i32
    %sub3A_709 = arith.subi %sub3A_708, %reduce_sum3A_701 : i32
    %sub3A_710 = arith.subi %sub3A_709, %reduce_sum3A_705 : i32
    %add3A_711 = arith.addi %add3A_659, %sub3A_710 : i32
    %get3A_712 = arith.constant 96 : index
    %get3A_713 = tpu.vector_load %arg5[%get3A_712] {strides = array<i32>} : memref<512xf32, #tpu.memory_space<vmem>>, vector<16xf32>,
    %get3A_714 = arith.constant 352 : index
    %get3A_715 = tpu.vector_load %arg5[%get3A_714] {strides = array<i32>} : memref<512xf32, #tpu.memory_space<vmem>>, vector<16xf32>,
    %gt3A_716 = arith.constant 5.000000e-01 : f32
    %gt3A_717 = vector.broadcast %gt3A_716 : f32 to vector<16xf32>
    %gt3A_718 = arith.cmpf ogt, %get3A_715, %gt3A_717 : vector<16xf32>
    %gt3A_719 = arith.constant 5.000000e-01 : f32
    %gt3A_720 = vector.broadcast %gt3A_719 : f32 to vector<16xf32>
    %gt3A_721 = arith.cmpf ogt, %get3A_713, %gt3A_720 : vector<16xf32>
    %not3A_722 = arith.constant dense<true> : vector<16xi1>
    %not3A_723 = arith.xori %gt3A_718, %not3A_722 : vector<16xi1>
    %and3A_724 = arith.andi %gt3A_721, %not3A_723 : vector<16xi1>
    %convert_element_type3A_725 = arith.extui %and3A_724 : vector<16xi1> to vector<16xi32>
    %convert_element_type3A_726 = arith.extui %gt3A_718 : vector<16xi1> to vector<16xi32>
    %broadcast_in_dim3A_727 = arith.constant true
    %broadcast_in_dim3A_728 = vector.broadcast %broadcast_in_dim3A_727 : i1 to vector<16xi1>
    %masked_cumsum3A_729 = tpu.scan <sum>, %convert_element_type3A_725 masked %broadcast_in_dim3A_728 : vector<16xi32>, vector<16xi1> -> vector<16xi32>
    %sub3A_730 = arith.subi %masked_cumsum3A_729, %convert_element_type3A_725 : vector<16xi32>
    %broadcast_in_dim3A_731 = arith.constant true
    %broadcast_in_dim3A_732 = vector.broadcast %broadcast_in_dim3A_731 : i1 to vector<16xi1>
    %masked_cumsum3A_733 = tpu.scan <sum>, %convert_element_type3A_726 masked %broadcast_in_dim3A_732 : vector<16xi32>, vector<16xi1> -> vector<16xi32>
    %sub3A_734 = arith.subi %masked_cumsum3A_733, %convert_element_type3A_726 : vector<16xi32>
    %sub3A_735 = arith.subi %iota3A, %sub3A_730 : vector<16xi32>
    %sub3A_736 = arith.subi %sub3A_735, %sub3A_734 : vector<16xi32>
    %add3A_737 = vector.broadcast %add3A_706 : i32 to vector<16xi32>
    %add3A_738 = arith.addi %add3A_737, %sub3A_730 : vector<16xi32>
    %add3A_739 = vector.broadcast %add3A_707 : i32 to vector<16xi32>
    %add3A_740 = arith.addi %add3A_739, %sub3A_734 : vector<16xi32>
    %add3A_741 = vector.broadcast %add3A_711 : i32 to vector<16xi32>
    %add3A_742 = arith.addi %add3A_741, %sub3A_736 : vector<16xi32>
    %select_n3A_743 = arith.select %gt3A_718, %add3A_740, %add3A_742 : vector<16xi1>, vector<16xi32>
    %select_n3A_744 = arith.select %and3A_724, %add3A_738, %select_n3A_743 : vector<16xi1>, vector<16xi32>
    %swap3A_745 = arith.constant 96 : index
    %swap3A_746 = tpu.vector_load %arg7[%swap3A_745] {strides = array<i32>} : memref<256xi32, #tpu.memory_space<vmem>>, vector<16xi32>,
    tpu.vector_store %arg7[%swap3A_745], %select_n3A_744 {strides = array<i32>} : memref<256xi32, #tpu.memory_space<vmem>>, vector<16xi32>,
    %add3A_747 = arith.constant 96 : i32
    %add3A_748 = vector.broadcast %add3A_747 : i32 to vector<16xi32>
    %add3A_749 = arith.addi %iota3A, %add3A_748 : vector<16xi32>
    tpu.vector_store_idx %arg6[%select_n3A_744], %add3A_749 : memref<256xi32, #tpu.memory_space<vmem>>[vector<16xi32>], vector<16xi32>,
    %reduce_sum3A_750 = arith.constant true
    %reduce_sum3A_751 = vector.broadcast %reduce_sum3A_750 : i1 to vector<16xi1>
    %reduce_sum3A_752 = tpu.scan <sum>, %convert_element_type3A_725 masked %reduce_sum3A_751 : vector<16xi32>, vector<16xi1> -> vector<16xi32>
    %reduce_sum3A_753 = vector.extract %reduce_sum3A_752[15] : i32 from vector<16xi32>
    %reduce_sum3A_754 = arith.constant true
    %reduce_sum3A_755 = vector.broadcast %reduce_sum3A_754 : i1 to vector<16xi1>
    %reduce_sum3A_756 = tpu.scan <sum>, %convert_element_type3A_726 masked %reduce_sum3A_755 : vector<16xi32>, vector<16xi1> -> vector<16xi32>
    %reduce_sum3A_757 = vector.extract %reduce_sum3A_756[15] : i32 from vector<16xi32>
    %add3A_758 = arith.addi %add3A_706, %reduce_sum3A_753 : i32
    %add3A_759 = arith.addi %add3A_707, %reduce_sum3A_757 : i32
    %sub3A_760 = arith.constant 16 : i32
    %sub3A_761 = arith.subi %sub3A_760, %reduce_sum3A_753 : i32
    %sub3A_762 = arith.subi %sub3A_761, %reduce_sum3A_757 : i32
    %add3A_763 = arith.addi %add3A_711, %sub3A_762 : i32
    %get3A_764 = arith.constant 112 : index
    %get3A_765 = tpu.vector_load %arg5[%get3A_764] {strides = array<i32>} : memref<512xf32, #tpu.memory_space<vmem>>, vector<16xf32>,
    %get3A_766 = arith.constant 368 : index
    %get3A_767 = tpu.vector_load %arg5[%get3A_766] {strides = array<i32>} : memref<512xf32, #tpu.memory_space<vmem>>, vector<16xf32>,
    %gt3A_768 = arith.constant 5.000000e-01 : f32
    %gt3A_769 = vector.broadcast %gt3A_768 : f32 to vector<16xf32>
    %gt3A_770 = arith.cmpf ogt, %get3A_767, %gt3A_769 : vector<16xf32>
    %gt3A_771 = arith.constant 5.000000e-01 : f32
    %gt3A_772 = vector.broadcast %gt3A_771 : f32 to vector<16xf32>
    %gt3A_773 = arith.cmpf ogt, %get3A_765, %gt3A_772 : vector<16xf32>
    %not3A_774 = arith.constant dense<true> : vector<16xi1>
    %not3A_775 = arith.xori %gt3A_770, %not3A_774 : vector<16xi1>
    %and3A_776 = arith.andi %gt3A_773, %not3A_775 : vector<16xi1>
    %convert_element_type3A_777 = arith.extui %and3A_776 : vector<16xi1> to vector<16xi32>
    %convert_element_type3A_778 = arith.extui %gt3A_770 : vector<16xi1> to vector<16xi32>
    %broadcast_in_dim3A_779 = arith.constant true
    %broadcast_in_dim3A_780 = vector.broadcast %broadcast_in_dim3A_779 : i1 to vector<16xi1>
    %masked_cumsum3A_781 = tpu.scan <sum>, %convert_element_type3A_777 masked %broadcast_in_dim3A_780 : vector<16xi32>, vector<16xi1> -> vector<16xi32>
    %sub3A_782 = arith.subi %masked_cumsum3A_781, %convert_element_type3A_777 : vector<16xi32>
    %broadcast_in_dim3A_783 = arith.constant true
    %broadcast_in_dim3A_784 = vector.broadcast %broadcast_in_dim3A_783 : i1 to vector<16xi1>
    %masked_cumsum3A_785 = tpu.scan <sum>, %convert_element_type3A_778 masked %broadcast_in_dim3A_784 : vector<16xi32>, vector<16xi1> -> vector<16xi32>
    %sub3A_786 = arith.subi %masked_cumsum3A_785, %convert_element_type3A_778 : vector<16xi32>
    %sub3A_787 = arith.subi %iota3A, %sub3A_782 : vector<16xi32>
    %sub3A_788 = arith.subi %sub3A_787, %sub3A_786 : vector<16xi32>
    %add3A_789 = vector.broadcast %add3A_758 : i32 to vector<16xi32>
    %add3A_790 = arith.addi %add3A_789, %sub3A_782 : vector<16xi32>
    %add3A_791 = vector.broadcast %add3A_759 : i32 to vector<16xi32>
    %add3A_792 = arith.addi %add3A_791, %sub3A_786 : vector<16xi32>
    %add3A_793 = vector.broadcast %add3A_763 : i32 to vector<16xi32>
    %add3A_794 = arith.addi %add3A_793, %sub3A_788 : vector<16xi32>
    %select_n3A_795 = arith.select %gt3A_770, %add3A_792, %add3A_794 : vector<16xi1>, vector<16xi32>
    %select_n3A_796 = arith.select %and3A_776, %add3A_790, %select_n3A_795 : vector<16xi1>, vector<16xi32>
    %swap3A_797 = arith.constant 112 : index
    %swap3A_798 = tpu.vector_load %arg7[%swap3A_797] {strides = array<i32>} : memref<256xi32, #tpu.memory_space<vmem>>, vector<16xi32>,
    tpu.vector_store %arg7[%swap3A_797], %select_n3A_796 {strides = array<i32>} : memref<256xi32, #tpu.memory_space<vmem>>, vector<16xi32>,
    %add3A_799 = arith.constant 112 : i32
    %add3A_800 = vector.broadcast %add3A_799 : i32 to vector<16xi32>
    %add3A_801 = arith.addi %iota3A, %add3A_800 : vector<16xi32>
    tpu.vector_store_idx %arg6[%select_n3A_796], %add3A_801 : memref<256xi32, #tpu.memory_space<vmem>>[vector<16xi32>], vector<16xi32>,
    %reduce_sum3A_802 = arith.constant true
    %reduce_sum3A_803 = vector.broadcast %reduce_sum3A_802 : i1 to vector<16xi1>
    %reduce_sum3A_804 = tpu.scan <sum>, %convert_element_type3A_777 masked %reduce_sum3A_803 : vector<16xi32>, vector<16xi1> -> vector<16xi32>
    %reduce_sum3A_805 = vector.extract %reduce_sum3A_804[15] : i32 from vector<16xi32>
    %reduce_sum3A_806 = arith.constant true
    %reduce_sum3A_807 = vector.broadcast %reduce_sum3A_806 : i1 to vector<16xi1>
    %reduce_sum3A_808 = tpu.scan <sum>, %convert_element_type3A_778 masked %reduce_sum3A_807 : vector<16xi32>, vector<16xi1> -> vector<16xi32>
    %reduce_sum3A_809 = vector.extract %reduce_sum3A_808[15] : i32 from vector<16xi32>
    %add3A_810 = arith.addi %add3A_758, %reduce_sum3A_805 : i32
    %add3A_811 = arith.addi %add3A_759, %reduce_sum3A_809 : i32
    %sub3A_812 = arith.constant 16 : i32
    %sub3A_813 = arith.subi %sub3A_812, %reduce_sum3A_805 : i32
    %sub3A_814 = arith.subi %sub3A_813, %reduce_sum3A_809 : i32
    %add3A_815 = arith.addi %add3A_763, %sub3A_814 : i32
    %get3A_816 = arith.constant 128 : index
    %get3A_817 = tpu.vector_load %arg5[%get3A_816] {strides = array<i32>} : memref<512xf32, #tpu.memory_space<vmem>>, vector<16xf32>,
    %get3A_818 = arith.constant 384 : index
    %get3A_819 = tpu.vector_load %arg5[%get3A_818] {strides = array<i32>} : memref<512xf32, #tpu.memory_space<vmem>>, vector<16xf32>,
    %gt3A_820 = arith.constant 5.000000e-01 : f32
    %gt3A_821 = vector.broadcast %gt3A_820 : f32 to vector<16xf32>
    %gt3A_822 = arith.cmpf ogt, %get3A_819, %gt3A_821 : vector<16xf32>
    %gt3A_823 = arith.constant 5.000000e-01 : f32
    %gt3A_824 = vector.broadcast %gt3A_823 : f32 to vector<16xf32>
    %gt3A_825 = arith.cmpf ogt, %get3A_817, %gt3A_824 : vector<16xf32>
    %not3A_826 = arith.constant dense<true> : vector<16xi1>
    %not3A_827 = arith.xori %gt3A_822, %not3A_826 : vector<16xi1>
    %and3A_828 = arith.andi %gt3A_825, %not3A_827 : vector<16xi1>
    %convert_element_type3A_829 = arith.extui %and3A_828 : vector<16xi1> to vector<16xi32>
    %convert_element_type3A_830 = arith.extui %gt3A_822 : vector<16xi1> to vector<16xi32>
    %broadcast_in_dim3A_831 = arith.constant true
    %broadcast_in_dim3A_832 = vector.broadcast %broadcast_in_dim3A_831 : i1 to vector<16xi1>
    %masked_cumsum3A_833 = tpu.scan <sum>, %convert_element_type3A_829 masked %broadcast_in_dim3A_832 : vector<16xi32>, vector<16xi1> -> vector<16xi32>
    %sub3A_834 = arith.subi %masked_cumsum3A_833, %convert_element_type3A_829 : vector<16xi32>
    %broadcast_in_dim3A_835 = arith.constant true
    %broadcast_in_dim3A_836 = vector.broadcast %broadcast_in_dim3A_835 : i1 to vector<16xi1>
    %masked_cumsum3A_837 = tpu.scan <sum>, %convert_element_type3A_830 masked %broadcast_in_dim3A_836 : vector<16xi32>, vector<16xi1> -> vector<16xi32>
    %sub3A_838 = arith.subi %masked_cumsum3A_837, %convert_element_type3A_830 : vector<16xi32>
    %sub3A_839 = arith.subi %iota3A, %sub3A_834 : vector<16xi32>
    %sub3A_840 = arith.subi %sub3A_839, %sub3A_838 : vector<16xi32>
    %add3A_841 = vector.broadcast %add3A_810 : i32 to vector<16xi32>
    %add3A_842 = arith.addi %add3A_841, %sub3A_834 : vector<16xi32>
    %add3A_843 = vector.broadcast %add3A_811 : i32 to vector<16xi32>
    %add3A_844 = arith.addi %add3A_843, %sub3A_838 : vector<16xi32>
    %add3A_845 = vector.broadcast %add3A_815 : i32 to vector<16xi32>
    %add3A_846 = arith.addi %add3A_845, %sub3A_840 : vector<16xi32>
    %select_n3A_847 = arith.select %gt3A_822, %add3A_844, %add3A_846 : vector<16xi1>, vector<16xi32>
    %select_n3A_848 = arith.select %and3A_828, %add3A_842, %select_n3A_847 : vector<16xi1>, vector<16xi32>
    %swap3A_849 = arith.constant 128 : index
    %swap3A_850 = tpu.vector_load %arg7[%swap3A_849] {strides = array<i32>} : memref<256xi32, #tpu.memory_space<vmem>>, vector<16xi32>,
    tpu.vector_store %arg7[%swap3A_849], %select_n3A_848 {strides = array<i32>} : memref<256xi32, #tpu.memory_space<vmem>>, vector<16xi32>,
    %add3A_851 = arith.constant 128 : i32
    %add3A_852 = vector.broadcast %add3A_851 : i32 to vector<16xi32>
    %add3A_853 = arith.addi %iota3A, %add3A_852 : vector<16xi32>
    tpu.vector_store_idx %arg6[%select_n3A_848], %add3A_853 : memref<256xi32, #tpu.memory_space<vmem>>[vector<16xi32>], vector<16xi32>,
    %reduce_sum3A_854 = arith.constant true
    %reduce_sum3A_855 = vector.broadcast %reduce_sum3A_854 : i1 to vector<16xi1>
    %reduce_sum3A_856 = tpu.scan <sum>, %convert_element_type3A_829 masked %reduce_sum3A_855 : vector<16xi32>, vector<16xi1> -> vector<16xi32>
    %reduce_sum3A_857 = vector.extract %reduce_sum3A_856[15] : i32 from vector<16xi32>
    %reduce_sum3A_858 = arith.constant true
    %reduce_sum3A_859 = vector.broadcast %reduce_sum3A_858 : i1 to vector<16xi1>
    %reduce_sum3A_860 = tpu.scan <sum>, %convert_element_type3A_830 masked %reduce_sum3A_859 : vector<16xi32>, vector<16xi1> -> vector<16xi32>
    %reduce_sum3A_861 = vector.extract %reduce_sum3A_860[15] : i32 from vector<16xi32>
    %add3A_862 = arith.addi %add3A_810, %reduce_sum3A_857 : i32
    %add3A_863 = arith.addi %add3A_811, %reduce_sum3A_861 : i32
    %sub3A_864 = arith.constant 16 : i32
    %sub3A_865 = arith.subi %sub3A_864, %reduce_sum3A_857 : i32
    %sub3A_866 = arith.subi %sub3A_865, %reduce_sum3A_861 : i32
    %add3A_867 = arith.addi %add3A_815, %sub3A_866 : i32
    %get3A_868 = arith.constant 144 : index
    %get3A_869 = tpu.vector_load %arg5[%get3A_868] {strides = array<i32>} : memref<512xf32, #tpu.memory_space<vmem>>, vector<16xf32>,
    %get3A_870 = arith.constant 400 : index
    %get3A_871 = tpu.vector_load %arg5[%get3A_870] {strides = array<i32>} : memref<512xf32, #tpu.memory_space<vmem>>, vector<16xf32>,
    %gt3A_872 = arith.constant 5.000000e-01 : f32
    %gt3A_873 = vector.broadcast %gt3A_872 : f32 to vector<16xf32>
    %gt3A_874 = arith.cmpf ogt, %get3A_871, %gt3A_873 : vector<16xf32>
    %gt3A_875 = arith.constant 5.000000e-01 : f32
    %gt3A_876 = vector.broadcast %gt3A_875 : f32 to vector<16xf32>
    %gt3A_877 = arith.cmpf ogt, %get3A_869, %gt3A_876 : vector<16xf32>
    %not3A_878 = arith.constant dense<true> : vector<16xi1>
    %not3A_879 = arith.xori %gt3A_874, %not3A_878 : vector<16xi1>
    %and3A_880 = arith.andi %gt3A_877, %not3A_879 : vector<16xi1>
    %convert_element_type3A_881 = arith.extui %and3A_880 : vector<16xi1> to vector<16xi32>
    %convert_element_type3A_882 = arith.extui %gt3A_874 : vector<16xi1> to vector<16xi32>
    %broadcast_in_dim3A_883 = arith.constant true
    %broadcast_in_dim3A_884 = vector.broadcast %broadcast_in_dim3A_883 : i1 to vector<16xi1>
    %masked_cumsum3A_885 = tpu.scan <sum>, %convert_element_type3A_881 masked %broadcast_in_dim3A_884 : vector<16xi32>, vector<16xi1> -> vector<16xi32>
    %sub3A_886 = arith.subi %masked_cumsum3A_885, %convert_element_type3A_881 : vector<16xi32>
    %broadcast_in_dim3A_887 = arith.constant true
    %broadcast_in_dim3A_888 = vector.broadcast %broadcast_in_dim3A_887 : i1 to vector<16xi1>
    %masked_cumsum3A_889 = tpu.scan <sum>, %convert_element_type3A_882 masked %broadcast_in_dim3A_888 : vector<16xi32>, vector<16xi1> -> vector<16xi32>
    %sub3A_890 = arith.subi %masked_cumsum3A_889, %convert_element_type3A_882 : vector<16xi32>
    %sub3A_891 = arith.subi %iota3A, %sub3A_886 : vector<16xi32>
    %sub3A_892 = arith.subi %sub3A_891, %sub3A_890 : vector<16xi32>
    %add3A_893 = vector.broadcast %add3A_862 : i32 to vector<16xi32>
    %add3A_894 = arith.addi %add3A_893, %sub3A_886 : vector<16xi32>
    %add3A_895 = vector.broadcast %add3A_863 : i32 to vector<16xi32>
    %add3A_896 = arith.addi %add3A_895, %sub3A_890 : vector<16xi32>
    %add3A_897 = vector.broadcast %add3A_867 : i32 to vector<16xi32>
    %add3A_898 = arith.addi %add3A_897, %sub3A_892 : vector<16xi32>
    %select_n3A_899 = arith.select %gt3A_874, %add3A_896, %add3A_898 : vector<16xi1>, vector<16xi32>
    %select_n3A_900 = arith.select %and3A_880, %add3A_894, %select_n3A_899 : vector<16xi1>, vector<16xi32>
    %swap3A_901 = arith.constant 144 : index
    %swap3A_902 = tpu.vector_load %arg7[%swap3A_901] {strides = array<i32>} : memref<256xi32, #tpu.memory_space<vmem>>, vector<16xi32>,
    tpu.vector_store %arg7[%swap3A_901], %select_n3A_900 {strides = array<i32>} : memref<256xi32, #tpu.memory_space<vmem>>, vector<16xi32>,
    %add3A_903 = arith.constant 144 : i32
    %add3A_904 = vector.broadcast %add3A_903 : i32 to vector<16xi32>
    %add3A_905 = arith.addi %iota3A, %add3A_904 : vector<16xi32>
    tpu.vector_store_idx %arg6[%select_n3A_900], %add3A_905 : memref<256xi32, #tpu.memory_space<vmem>>[vector<16xi32>], vector<16xi32>,
    %reduce_sum3A_906 = arith.constant true
    %reduce_sum3A_907 = vector.broadcast %reduce_sum3A_906 : i1 to vector<16xi1>
    %reduce_sum3A_908 = tpu.scan <sum>, %convert_element_type3A_881 masked %reduce_sum3A_907 : vector<16xi32>, vector<16xi1> -> vector<16xi32>
    %reduce_sum3A_909 = vector.extract %reduce_sum3A_908[15] : i32 from vector<16xi32>
    %reduce_sum3A_910 = arith.constant true
    %reduce_sum3A_911 = vector.broadcast %reduce_sum3A_910 : i1 to vector<16xi1>
    %reduce_sum3A_912 = tpu.scan <sum>, %convert_element_type3A_882 masked %reduce_sum3A_911 : vector<16xi32>, vector<16xi1> -> vector<16xi32>
    %reduce_sum3A_913 = vector.extract %reduce_sum3A_912[15] : i32 from vector<16xi32>
    %add3A_914 = arith.addi %add3A_862, %reduce_sum3A_909 : i32
    %add3A_915 = arith.addi %add3A_863, %reduce_sum3A_913 : i32
    %sub3A_916 = arith.constant 16 : i32
    %sub3A_917 = arith.subi %sub3A_916, %reduce_sum3A_909 : i32
    %sub3A_918 = arith.subi %sub3A_917, %reduce_sum3A_913 : i32
    %add3A_919 = arith.addi %add3A_867, %sub3A_918 : i32
    %get3A_920 = arith.constant 160 : index
    %get3A_921 = tpu.vector_load %arg5[%get3A_920] {strides = array<i32>} : memref<512xf32, #tpu.memory_space<vmem>>, vector<16xf32>,
    %get3A_922 = arith.constant 416 : index
    %get3A_923 = tpu.vector_load %arg5[%get3A_922] {strides = array<i32>} : memref<512xf32, #tpu.memory_space<vmem>>, vector<16xf32>,
    %gt3A_924 = arith.constant 5.000000e-01 : f32
    %gt3A_925 = vector.broadcast %gt3A_924 : f32 to vector<16xf32>
    %gt3A_926 = arith.cmpf ogt, %get3A_923, %gt3A_925 : vector<16xf32>
    %gt3A_927 = arith.constant 5.000000e-01 : f32
    %gt3A_928 = vector.broadcast %gt3A_927 : f32 to vector<16xf32>
    %gt3A_929 = arith.cmpf ogt, %get3A_921, %gt3A_928 : vector<16xf32>
    %not3A_930 = arith.constant dense<true> : vector<16xi1>
    %not3A_931 = arith.xori %gt3A_926, %not3A_930 : vector<16xi1>
    %and3A_932 = arith.andi %gt3A_929, %not3A_931 : vector<16xi1>
    %convert_element_type3A_933 = arith.extui %and3A_932 : vector<16xi1> to vector<16xi32>
    %convert_element_type3A_934 = arith.extui %gt3A_926 : vector<16xi1> to vector<16xi32>
    %broadcast_in_dim3A_935 = arith.constant true
    %broadcast_in_dim3A_936 = vector.broadcast %broadcast_in_dim3A_935 : i1 to vector<16xi1>
    %masked_cumsum3A_937 = tpu.scan <sum>, %convert_element_type3A_933 masked %broadcast_in_dim3A_936 : vector<16xi32>, vector<16xi1> -> vector<16xi32>
    %sub3A_938 = arith.subi %masked_cumsum3A_937, %convert_element_type3A_933 : vector<16xi32>
    %broadcast_in_dim3A_939 = arith.constant true
    %broadcast_in_dim3A_940 = vector.broadcast %broadcast_in_dim3A_939 : i1 to vector<16xi1>
    %masked_cumsum3A_941 = tpu.scan <sum>, %convert_element_type3A_934 masked %broadcast_in_dim3A_940 : vector<16xi32>, vector<16xi1> -> vector<16xi32>
    %sub3A_942 = arith.subi %masked_cumsum3A_941, %convert_element_type3A_934 : vector<16xi32>
    %sub3A_943 = arith.subi %iota3A, %sub3A_938 : vector<16xi32>
    %sub3A_944 = arith.subi %sub3A_943, %sub3A_942 : vector<16xi32>
    %add3A_945 = vector.broadcast %add3A_914 : i32 to vector<16xi32>
    %add3A_946 = arith.addi %add3A_945, %sub3A_938 : vector<16xi32>
    %add3A_947 = vector.broadcast %add3A_915 : i32 to vector<16xi32>
    %add3A_948 = arith.addi %add3A_947, %sub3A_942 : vector<16xi32>
    %add3A_949 = vector.broadcast %add3A_919 : i32 to vector<16xi32>
    %add3A_950 = arith.addi %add3A_949, %sub3A_944 : vector<16xi32>
    %select_n3A_951 = arith.select %gt3A_926, %add3A_948, %add3A_950 : vector<16xi1>, vector<16xi32>
    %select_n3A_952 = arith.select %and3A_932, %add3A_946, %select_n3A_951 : vector<16xi1>, vector<16xi32>
    %swap3A_953 = arith.constant 160 : index
    %swap3A_954 = tpu.vector_load %arg7[%swap3A_953] {strides = array<i32>} : memref<256xi32, #tpu.memory_space<vmem>>, vector<16xi32>,
    tpu.vector_store %arg7[%swap3A_953], %select_n3A_952 {strides = array<i32>} : memref<256xi32, #tpu.memory_space<vmem>>, vector<16xi32>,
    %add3A_955 = arith.constant 160 : i32
    %add3A_956 = vector.broadcast %add3A_955 : i32 to vector<16xi32>
    %add3A_957 = arith.addi %iota3A, %add3A_956 : vector<16xi32>
    tpu.vector_store_idx %arg6[%select_n3A_952], %add3A_957 : memref<256xi32, #tpu.memory_space<vmem>>[vector<16xi32>], vector<16xi32>,
    %reduce_sum3A_958 = arith.constant true
    %reduce_sum3A_959 = vector.broadcast %reduce_sum3A_958 : i1 to vector<16xi1>
    %reduce_sum3A_960 = tpu.scan <sum>, %convert_element_type3A_933 masked %reduce_sum3A_959 : vector<16xi32>, vector<16xi1> -> vector<16xi32>
    %reduce_sum3A_961 = vector.extract %reduce_sum3A_960[15] : i32 from vector<16xi32>
    %reduce_sum3A_962 = arith.constant true
    %reduce_sum3A_963 = vector.broadcast %reduce_sum3A_962 : i1 to vector<16xi1>
    %reduce_sum3A_964 = tpu.scan <sum>, %convert_element_type3A_934 masked %reduce_sum3A_963 : vector<16xi32>, vector<16xi1> -> vector<16xi32>
    %reduce_sum3A_965 = vector.extract %reduce_sum3A_964[15] : i32 from vector<16xi32>
    %add3A_966 = arith.addi %add3A_914, %reduce_sum3A_961 : i32
    %add3A_967 = arith.addi %add3A_915, %reduce_sum3A_965 : i32
    %sub3A_968 = arith.constant 16 : i32
    %sub3A_969 = arith.subi %sub3A_968, %reduce_sum3A_961 : i32
    %sub3A_970 = arith.subi %sub3A_969, %reduce_sum3A_965 : i32
    %add3A_971 = arith.addi %add3A_919, %sub3A_970 : i32
    %get3A_972 = arith.constant 176 : index
    %get3A_973 = tpu.vector_load %arg5[%get3A_972] {strides = array<i32>} : memref<512xf32, #tpu.memory_space<vmem>>, vector<16xf32>,
    %get3A_974 = arith.constant 432 : index
    %get3A_975 = tpu.vector_load %arg5[%get3A_974] {strides = array<i32>} : memref<512xf32, #tpu.memory_space<vmem>>, vector<16xf32>,
    %gt3A_976 = arith.constant 5.000000e-01 : f32
    %gt3A_977 = vector.broadcast %gt3A_976 : f32 to vector<16xf32>
    %gt3A_978 = arith.cmpf ogt, %get3A_975, %gt3A_977 : vector<16xf32>
    %gt3A_979 = arith.constant 5.000000e-01 : f32
    %gt3A_980 = vector.broadcast %gt3A_979 : f32 to vector<16xf32>
    %gt3A_981 = arith.cmpf ogt, %get3A_973, %gt3A_980 : vector<16xf32>
    %not3A_982 = arith.constant dense<true> : vector<16xi1>
    %not3A_983 = arith.xori %gt3A_978, %not3A_982 : vector<16xi1>
    %and3A_984 = arith.andi %gt3A_981, %not3A_983 : vector<16xi1>
    %convert_element_type3A_985 = arith.extui %and3A_984 : vector<16xi1> to vector<16xi32>
    %convert_element_type3A_986 = arith.extui %gt3A_978 : vector<16xi1> to vector<16xi32>
    %broadcast_in_dim3A_987 = arith.constant true
    %broadcast_in_dim3A_988 = vector.broadcast %broadcast_in_dim3A_987 : i1 to vector<16xi1>
    %masked_cumsum3A_989 = tpu.scan <sum>, %convert_element_type3A_985 masked %broadcast_in_dim3A_988 : vector<16xi32>, vector<16xi1> -> vector<16xi32>
    %sub3A_990 = arith.subi %masked_cumsum3A_989, %convert_element_type3A_985 : vector<16xi32>
    %broadcast_in_dim3A_991 = arith.constant true
    %broadcast_in_dim3A_992 = vector.broadcast %broadcast_in_dim3A_991 : i1 to vector<16xi1>
    %masked_cumsum3A_993 = tpu.scan <sum>, %convert_element_type3A_986 masked %broadcast_in_dim3A_992 : vector<16xi32>, vector<16xi1> -> vector<16xi32>
    %sub3A_994 = arith.subi %masked_cumsum3A_993, %convert_element_type3A_986 : vector<16xi32>
    %sub3A_995 = arith.subi %iota3A, %sub3A_990 : vector<16xi32>
    %sub3A_996 = arith.subi %sub3A_995, %sub3A_994 : vector<16xi32>
    %add3A_997 = vector.broadcast %add3A_966 : i32 to vector<16xi32>
    %add3A_998 = arith.addi %add3A_997, %sub3A_990 : vector<16xi32>
    %add3A_999 = vector.broadcast %add3A_967 : i32 to vector<16xi32>
    %add3A_1000 = arith.addi %add3A_999, %sub3A_994 : vector<16xi32>
    %add3A_1001 = vector.broadcast %add3A_971 : i32 to vector<16xi32>
    %add3A_1002 = arith.addi %add3A_1001, %sub3A_996 : vector<16xi32>
    %select_n3A_1003 = arith.select %gt3A_978, %add3A_1000, %add3A_1002 : vector<16xi1>, vector<16xi32>
    %select_n3A_1004 = arith.select %and3A_984, %add3A_998, %select_n3A_1003 : vector<16xi1>, vector<16xi32>
    %swap3A_1005 = arith.constant 176 : index
    %swap3A_1006 = tpu.vector_load %arg7[%swap3A_1005] {strides = array<i32>} : memref<256xi32, #tpu.memory_space<vmem>>, vector<16xi32>,
    tpu.vector_store %arg7[%swap3A_1005], %select_n3A_1004 {strides = array<i32>} : memref<256xi32, #tpu.memory_space<vmem>>, vector<16xi32>,
    %add3A_1007 = arith.constant 176 : i32
    %add3A_1008 = vector.broadcast %add3A_1007 : i32 to vector<16xi32>
    %add3A_1009 = arith.addi %iota3A, %add3A_1008 : vector<16xi32>
    tpu.vector_store_idx %arg6[%select_n3A_1004], %add3A_1009 : memref<256xi32, #tpu.memory_space<vmem>>[vector<16xi32>], vector<16xi32>,
    %reduce_sum3A_1010 = arith.constant true
    %reduce_sum3A_1011 = vector.broadcast %reduce_sum3A_1010 : i1 to vector<16xi1>
    %reduce_sum3A_1012 = tpu.scan <sum>, %convert_element_type3A_985 masked %reduce_sum3A_1011 : vector<16xi32>, vector<16xi1> -> vector<16xi32>
    %reduce_sum3A_1013 = vector.extract %reduce_sum3A_1012[15] : i32 from vector<16xi32>
    %reduce_sum3A_1014 = arith.constant true
    %reduce_sum3A_1015 = vector.broadcast %reduce_sum3A_1014 : i1 to vector<16xi1>
    %reduce_sum3A_1016 = tpu.scan <sum>, %convert_element_type3A_986 masked %reduce_sum3A_1015 : vector<16xi32>, vector<16xi1> -> vector<16xi32>
    %reduce_sum3A_1017 = vector.extract %reduce_sum3A_1016[15] : i32 from vector<16xi32>
    %add3A_1018 = arith.addi %add3A_966, %reduce_sum3A_1013 : i32
    %add3A_1019 = arith.addi %add3A_967, %reduce_sum3A_1017 : i32
    %sub3A_1020 = arith.constant 16 : i32
    %sub3A_1021 = arith.subi %sub3A_1020, %reduce_sum3A_1013 : i32
    %sub3A_1022 = arith.subi %sub3A_1021, %reduce_sum3A_1017 : i32
    %add3A_1023 = arith.addi %add3A_971, %sub3A_1022 : i32
    %get3A_1024 = arith.constant 192 : index
    %get3A_1025 = tpu.vector_load %arg5[%get3A_1024] {strides = array<i32>} : memref<512xf32, #tpu.memory_space<vmem>>, vector<16xf32>,
    %get3A_1026 = arith.constant 448 : index
    %get3A_1027 = tpu.vector_load %arg5[%get3A_1026] {strides = array<i32>} : memref<512xf32, #tpu.memory_space<vmem>>, vector<16xf32>,
    %gt3A_1028 = arith.constant 5.000000e-01 : f32
    %gt3A_1029 = vector.broadcast %gt3A_1028 : f32 to vector<16xf32>
    %gt3A_1030 = arith.cmpf ogt, %get3A_1027, %gt3A_1029 : vector<16xf32>
    %gt3A_1031 = arith.constant 5.000000e-01 : f32
    %gt3A_1032 = vector.broadcast %gt3A_1031 : f32 to vector<16xf32>
    %gt3A_1033 = arith.cmpf ogt, %get3A_1025, %gt3A_1032 : vector<16xf32>
    %not3A_1034 = arith.constant dense<true> : vector<16xi1>
    %not3A_1035 = arith.xori %gt3A_1030, %not3A_1034 : vector<16xi1>
    %and3A_1036 = arith.andi %gt3A_1033, %not3A_1035 : vector<16xi1>
    %convert_element_type3A_1037 = arith.extui %and3A_1036 : vector<16xi1> to vector<16xi32>
    %convert_element_type3A_1038 = arith.extui %gt3A_1030 : vector<16xi1> to vector<16xi32>
    %broadcast_in_dim3A_1039 = arith.constant true
    %broadcast_in_dim3A_1040 = vector.broadcast %broadcast_in_dim3A_1039 : i1 to vector<16xi1>
    %masked_cumsum3A_1041 = tpu.scan <sum>, %convert_element_type3A_1037 masked %broadcast_in_dim3A_1040 : vector<16xi32>, vector<16xi1> -> vector<16xi32>
    %sub3A_1042 = arith.subi %masked_cumsum3A_1041, %convert_element_type3A_1037 : vector<16xi32>
    %broadcast_in_dim3A_1043 = arith.constant true
    %broadcast_in_dim3A_1044 = vector.broadcast %broadcast_in_dim3A_1043 : i1 to vector<16xi1>
    %masked_cumsum3A_1045 = tpu.scan <sum>, %convert_element_type3A_1038 masked %broadcast_in_dim3A_1044 : vector<16xi32>, vector<16xi1> -> vector<16xi32>
    %sub3A_1046 = arith.subi %masked_cumsum3A_1045, %convert_element_type3A_1038 : vector<16xi32>
    %sub3A_1047 = arith.subi %iota3A, %sub3A_1042 : vector<16xi32>
    %sub3A_1048 = arith.subi %sub3A_1047, %sub3A_1046 : vector<16xi32>
    %add3A_1049 = vector.broadcast %add3A_1018 : i32 to vector<16xi32>
    %add3A_1050 = arith.addi %add3A_1049, %sub3A_1042 : vector<16xi32>
    %add3A_1051 = vector.broadcast %add3A_1019 : i32 to vector<16xi32>
    %add3A_1052 = arith.addi %add3A_1051, %sub3A_1046 : vector<16xi32>
    %add3A_1053 = vector.broadcast %add3A_1023 : i32 to vector<16xi32>
    %add3A_1054 = arith.addi %add3A_1053, %sub3A_1048 : vector<16xi32>
    %select_n3A_1055 = arith.select %gt3A_1030, %add3A_1052, %add3A_1054 : vector<16xi1>, vector<16xi32>
    %select_n3A_1056 = arith.select %and3A_1036, %add3A_1050, %select_n3A_1055 : vector<16xi1>, vector<16xi32>
    %swap3A_1057 = arith.constant 192 : index
    %swap3A_1058 = tpu.vector_load %arg7[%swap3A_1057] {strides = array<i32>} : memref<256xi32, #tpu.memory_space<vmem>>, vector<16xi32>,
    tpu.vector_store %arg7[%swap3A_1057], %select_n3A_1056 {strides = array<i32>} : memref<256xi32, #tpu.memory_space<vmem>>, vector<16xi32>,
    %add3A_1059 = arith.constant 192 : i32
    %add3A_1060 = vector.broadcast %add3A_1059 : i32 to vector<16xi32>
    %add3A_1061 = arith.addi %iota3A, %add3A_1060 : vector<16xi32>
    tpu.vector_store_idx %arg6[%select_n3A_1056], %add3A_1061 : memref<256xi32, #tpu.memory_space<vmem>>[vector<16xi32>], vector<16xi32>,
    %reduce_sum3A_1062 = arith.constant true
    %reduce_sum3A_1063 = vector.broadcast %reduce_sum3A_1062 : i1 to vector<16xi1>
    %reduce_sum3A_1064 = tpu.scan <sum>, %convert_element_type3A_1037 masked %reduce_sum3A_1063 : vector<16xi32>, vector<16xi1> -> vector<16xi32>
    %reduce_sum3A_1065 = vector.extract %reduce_sum3A_1064[15] : i32 from vector<16xi32>
    %reduce_sum3A_1066 = arith.constant true
    %reduce_sum3A_1067 = vector.broadcast %reduce_sum3A_1066 : i1 to vector<16xi1>
    %reduce_sum3A_1068 = tpu.scan <sum>, %convert_element_type3A_1038 masked %reduce_sum3A_1067 : vector<16xi32>, vector<16xi1> -> vector<16xi32>
    %reduce_sum3A_1069 = vector.extract %reduce_sum3A_1068[15] : i32 from vector<16xi32>
    %add3A_1070 = arith.addi %add3A_1018, %reduce_sum3A_1065 : i32
    %add3A_1071 = arith.addi %add3A_1019, %reduce_sum3A_1069 : i32
    %sub3A_1072 = arith.constant 16 : i32
    %sub3A_1073 = arith.subi %sub3A_1072, %reduce_sum3A_1065 : i32
    %sub3A_1074 = arith.subi %sub3A_1073, %reduce_sum3A_1069 : i32
    %add3A_1075 = arith.addi %add3A_1023, %sub3A_1074 : i32
    %get3A_1076 = arith.constant 208 : index
    %get3A_1077 = tpu.vector_load %arg5[%get3A_1076] {strides = array<i32>} : memref<512xf32, #tpu.memory_space<vmem>>, vector<16xf32>,
    %get3A_1078 = arith.constant 464 : index
    %get3A_1079 = tpu.vector_load %arg5[%get3A_1078] {strides = array<i32>} : memref<512xf32, #tpu.memory_space<vmem>>, vector<16xf32>,
    %gt3A_1080 = arith.constant 5.000000e-01 : f32
    %gt3A_1081 = vector.broadcast %gt3A_1080 : f32 to vector<16xf32>
    %gt3A_1082 = arith.cmpf ogt, %get3A_1079, %gt3A_1081 : vector<16xf32>
    %gt3A_1083 = arith.constant 5.000000e-01 : f32
    %gt3A_1084 = vector.broadcast %gt3A_1083 : f32 to vector<16xf32>
    %gt3A_1085 = arith.cmpf ogt, %get3A_1077, %gt3A_1084 : vector<16xf32>
    %not3A_1086 = arith.constant dense<true> : vector<16xi1>
    %not3A_1087 = arith.xori %gt3A_1082, %not3A_1086 : vector<16xi1>
    %and3A_1088 = arith.andi %gt3A_1085, %not3A_1087 : vector<16xi1>
    %convert_element_type3A_1089 = arith.extui %and3A_1088 : vector<16xi1> to vector<16xi32>
    %convert_element_type3A_1090 = arith.extui %gt3A_1082 : vector<16xi1> to vector<16xi32>
    %broadcast_in_dim3A_1091 = arith.constant true
    %broadcast_in_dim3A_1092 = vector.broadcast %broadcast_in_dim3A_1091 : i1 to vector<16xi1>
    %masked_cumsum3A_1093 = tpu.scan <sum>, %convert_element_type3A_1089 masked %broadcast_in_dim3A_1092 : vector<16xi32>, vector<16xi1> -> vector<16xi32>
    %sub3A_1094 = arith.subi %masked_cumsum3A_1093, %convert_element_type3A_1089 : vector<16xi32>
    %broadcast_in_dim3A_1095 = arith.constant true
    %broadcast_in_dim3A_1096 = vector.broadcast %broadcast_in_dim3A_1095 : i1 to vector<16xi1>
    %masked_cumsum3A_1097 = tpu.scan <sum>, %convert_element_type3A_1090 masked %broadcast_in_dim3A_1096 : vector<16xi32>, vector<16xi1> -> vector<16xi32>
    %sub3A_1098 = arith.subi %masked_cumsum3A_1097, %convert_element_type3A_1090 : vector<16xi32>
    %sub3A_1099 = arith.subi %iota3A, %sub3A_1094 : vector<16xi32>
    %sub3A_1100 = arith.subi %sub3A_1099, %sub3A_1098 : vector<16xi32>
    %add3A_1101 = vector.broadcast %add3A_1070 : i32 to vector<16xi32>
    %add3A_1102 = arith.addi %add3A_1101, %sub3A_1094 : vector<16xi32>
    %add3A_1103 = vector.broadcast %add3A_1071 : i32 to vector<16xi32>
    %add3A_1104 = arith.addi %add3A_1103, %sub3A_1098 : vector<16xi32>
    %add3A_1105 = vector.broadcast %add3A_1075 : i32 to vector<16xi32>
    %add3A_1106 = arith.addi %add3A_1105, %sub3A_1100 : vector<16xi32>
    %select_n3A_1107 = arith.select %gt3A_1082, %add3A_1104, %add3A_1106 : vector<16xi1>, vector<16xi32>
    %select_n3A_1108 = arith.select %and3A_1088, %add3A_1102, %select_n3A_1107 : vector<16xi1>, vector<16xi32>
    %swap3A_1109 = arith.constant 208 : index
    %swap3A_1110 = tpu.vector_load %arg7[%swap3A_1109] {strides = array<i32>} : memref<256xi32, #tpu.memory_space<vmem>>, vector<16xi32>,
    tpu.vector_store %arg7[%swap3A_1109], %select_n3A_1108 {strides = array<i32>} : memref<256xi32, #tpu.memory_space<vmem>>, vector<16xi32>,
    %add3A_1111 = arith.constant 208 : i32
    %add3A_1112 = vector.broadcast %add3A_1111 : i32 to vector<16xi32>
    %add3A_1113 = arith.addi %iota3A, %add3A_1112 : vector<16xi32>
    tpu.vector_store_idx %arg6[%select_n3A_1108], %add3A_1113 : memref<256xi32, #tpu.memory_space<vmem>>[vector<16xi32>], vector<16xi32>,
    %reduce_sum3A_1114 = arith.constant true
    %reduce_sum3A_1115 = vector.broadcast %reduce_sum3A_1114 : i1 to vector<16xi1>
    %reduce_sum3A_1116 = tpu.scan <sum>, %convert_element_type3A_1089 masked %reduce_sum3A_1115 : vector<16xi32>, vector<16xi1> -> vector<16xi32>
    %reduce_sum3A_1117 = vector.extract %reduce_sum3A_1116[15] : i32 from vector<16xi32>
    %reduce_sum3A_1118 = arith.constant true
    %reduce_sum3A_1119 = vector.broadcast %reduce_sum3A_1118 : i1 to vector<16xi1>
    %reduce_sum3A_1120 = tpu.scan <sum>, %convert_element_type3A_1090 masked %reduce_sum3A_1119 : vector<16xi32>, vector<16xi1> -> vector<16xi32>
    %reduce_sum3A_1121 = vector.extract %reduce_sum3A_1120[15] : i32 from vector<16xi32>
    %add3A_1122 = arith.addi %add3A_1070, %reduce_sum3A_1117 : i32
    %add3A_1123 = arith.addi %add3A_1071, %reduce_sum3A_1121 : i32
    %sub3A_1124 = arith.constant 16 : i32
    %sub3A_1125 = arith.subi %sub3A_1124, %reduce_sum3A_1117 : i32
    %sub3A_1126 = arith.subi %sub3A_1125, %reduce_sum3A_1121 : i32
    %add3A_1127 = arith.addi %add3A_1075, %sub3A_1126 : i32
    %get3A_1128 = arith.constant 224 : index
    %get3A_1129 = tpu.vector_load %arg5[%get3A_1128] {strides = array<i32>} : memref<512xf32, #tpu.memory_space<vmem>>, vector<16xf32>,
    %get3A_1130 = arith.constant 480 : index
    %get3A_1131 = tpu.vector_load %arg5[%get3A_1130] {strides = array<i32>} : memref<512xf32, #tpu.memory_space<vmem>>, vector<16xf32>,
    %gt3A_1132 = arith.constant 5.000000e-01 : f32
    %gt3A_1133 = vector.broadcast %gt3A_1132 : f32 to vector<16xf32>
    %gt3A_1134 = arith.cmpf ogt, %get3A_1131, %gt3A_1133 : vector<16xf32>
    %gt3A_1135 = arith.constant 5.000000e-01 : f32
    %gt3A_1136 = vector.broadcast %gt3A_1135 : f32 to vector<16xf32>
    %gt3A_1137 = arith.cmpf ogt, %get3A_1129, %gt3A_1136 : vector<16xf32>
    %not3A_1138 = arith.constant dense<true> : vector<16xi1>
    %not3A_1139 = arith.xori %gt3A_1134, %not3A_1138 : vector<16xi1>
    %and3A_1140 = arith.andi %gt3A_1137, %not3A_1139 : vector<16xi1>
    %convert_element_type3A_1141 = arith.extui %and3A_1140 : vector<16xi1> to vector<16xi32>
    %convert_element_type3A_1142 = arith.extui %gt3A_1134 : vector<16xi1> to vector<16xi32>
    %broadcast_in_dim3A_1143 = arith.constant true
    %broadcast_in_dim3A_1144 = vector.broadcast %broadcast_in_dim3A_1143 : i1 to vector<16xi1>
    %masked_cumsum3A_1145 = tpu.scan <sum>, %convert_element_type3A_1141 masked %broadcast_in_dim3A_1144 : vector<16xi32>, vector<16xi1> -> vector<16xi32>
    %sub3A_1146 = arith.subi %masked_cumsum3A_1145, %convert_element_type3A_1141 : vector<16xi32>
    %broadcast_in_dim3A_1147 = arith.constant true
    %broadcast_in_dim3A_1148 = vector.broadcast %broadcast_in_dim3A_1147 : i1 to vector<16xi1>
    %masked_cumsum3A_1149 = tpu.scan <sum>, %convert_element_type3A_1142 masked %broadcast_in_dim3A_1148 : vector<16xi32>, vector<16xi1> -> vector<16xi32>
    %sub3A_1150 = arith.subi %masked_cumsum3A_1149, %convert_element_type3A_1142 : vector<16xi32>
    %sub3A_1151 = arith.subi %iota3A, %sub3A_1146 : vector<16xi32>
    %sub3A_1152 = arith.subi %sub3A_1151, %sub3A_1150 : vector<16xi32>
    %add3A_1153 = vector.broadcast %add3A_1122 : i32 to vector<16xi32>
    %add3A_1154 = arith.addi %add3A_1153, %sub3A_1146 : vector<16xi32>
    %add3A_1155 = vector.broadcast %add3A_1123 : i32 to vector<16xi32>
    %add3A_1156 = arith.addi %add3A_1155, %sub3A_1150 : vector<16xi32>
    %add3A_1157 = vector.broadcast %add3A_1127 : i32 to vector<16xi32>
    %add3A_1158 = arith.addi %add3A_1157, %sub3A_1152 : vector<16xi32>
    %select_n3A_1159 = arith.select %gt3A_1134, %add3A_1156, %add3A_1158 : vector<16xi1>, vector<16xi32>
    %select_n3A_1160 = arith.select %and3A_1140, %add3A_1154, %select_n3A_1159 : vector<16xi1>, vector<16xi32>
    %swap3A_1161 = arith.constant 224 : index
    %swap3A_1162 = tpu.vector_load %arg7[%swap3A_1161] {strides = array<i32>} : memref<256xi32, #tpu.memory_space<vmem>>, vector<16xi32>,
    tpu.vector_store %arg7[%swap3A_1161], %select_n3A_1160 {strides = array<i32>} : memref<256xi32, #tpu.memory_space<vmem>>, vector<16xi32>,
    %add3A_1163 = arith.constant 224 : i32
    %add3A_1164 = vector.broadcast %add3A_1163 : i32 to vector<16xi32>
    %add3A_1165 = arith.addi %iota3A, %add3A_1164 : vector<16xi32>
    tpu.vector_store_idx %arg6[%select_n3A_1160], %add3A_1165 : memref<256xi32, #tpu.memory_space<vmem>>[vector<16xi32>], vector<16xi32>,
    %reduce_sum3A_1166 = arith.constant true
    %reduce_sum3A_1167 = vector.broadcast %reduce_sum3A_1166 : i1 to vector<16xi1>
    %reduce_sum3A_1168 = tpu.scan <sum>, %convert_element_type3A_1141 masked %reduce_sum3A_1167 : vector<16xi32>, vector<16xi1> -> vector<16xi32>
    %reduce_sum3A_1169 = vector.extract %reduce_sum3A_1168[15] : i32 from vector<16xi32>
    %reduce_sum3A_1170 = arith.constant true
    %reduce_sum3A_1171 = vector.broadcast %reduce_sum3A_1170 : i1 to vector<16xi1>
    %reduce_sum3A_1172 = tpu.scan <sum>, %convert_element_type3A_1142 masked %reduce_sum3A_1171 : vector<16xi32>, vector<16xi1> -> vector<16xi32>
    %reduce_sum3A_1173 = vector.extract %reduce_sum3A_1172[15] : i32 from vector<16xi32>
    %add3A_1174 = arith.addi %add3A_1122, %reduce_sum3A_1169 : i32
    %add3A_1175 = arith.addi %add3A_1123, %reduce_sum3A_1173 : i32
    %sub3A_1176 = arith.constant 16 : i32
    %sub3A_1177 = arith.subi %sub3A_1176, %reduce_sum3A_1169 : i32
    %sub3A_1178 = arith.subi %sub3A_1177, %reduce_sum3A_1173 : i32
    %add3A_1179 = arith.addi %add3A_1127, %sub3A_1178 : i32
    %get3A_1180 = arith.constant 240 : index
    %get3A_1181 = tpu.vector_load %arg5[%get3A_1180] {strides = array<i32>} : memref<512xf32, #tpu.memory_space<vmem>>, vector<16xf32>,
    %get3A_1182 = arith.constant 496 : index
    %get3A_1183 = tpu.vector_load %arg5[%get3A_1182] {strides = array<i32>} : memref<512xf32, #tpu.memory_space<vmem>>, vector<16xf32>,
    %gt3A_1184 = arith.constant 5.000000e-01 : f32
    %gt3A_1185 = vector.broadcast %gt3A_1184 : f32 to vector<16xf32>
    %gt3A_1186 = arith.cmpf ogt, %get3A_1183, %gt3A_1185 : vector<16xf32>
    %gt3A_1187 = arith.constant 5.000000e-01 : f32
    %gt3A_1188 = vector.broadcast %gt3A_1187 : f32 to vector<16xf32>
    %gt3A_1189 = arith.cmpf ogt, %get3A_1181, %gt3A_1188 : vector<16xf32>
    %not3A_1190 = arith.constant dense<true> : vector<16xi1>
    %not3A_1191 = arith.xori %gt3A_1186, %not3A_1190 : vector<16xi1>
    %and3A_1192 = arith.andi %gt3A_1189, %not3A_1191 : vector<16xi1>
    %convert_element_type3A_1193 = arith.extui %and3A_1192 : vector<16xi1> to vector<16xi32>
    %convert_element_type3A_1194 = arith.extui %gt3A_1186 : vector<16xi1> to vector<16xi32>
    %broadcast_in_dim3A_1195 = arith.constant true
    %broadcast_in_dim3A_1196 = vector.broadcast %broadcast_in_dim3A_1195 : i1 to vector<16xi1>
    %masked_cumsum3A_1197 = tpu.scan <sum>, %convert_element_type3A_1193 masked %broadcast_in_dim3A_1196 : vector<16xi32>, vector<16xi1> -> vector<16xi32>
    %sub3A_1198 = arith.subi %masked_cumsum3A_1197, %convert_element_type3A_1193 : vector<16xi32>
    %broadcast_in_dim3A_1199 = arith.constant true
    %broadcast_in_dim3A_1200 = vector.broadcast %broadcast_in_dim3A_1199 : i1 to vector<16xi1>
    %masked_cumsum3A_1201 = tpu.scan <sum>, %convert_element_type3A_1194 masked %broadcast_in_dim3A_1200 : vector<16xi32>, vector<16xi1> -> vector<16xi32>
    %sub3A_1202 = arith.subi %masked_cumsum3A_1201, %convert_element_type3A_1194 : vector<16xi32>
    %sub3A_1203 = arith.subi %iota3A, %sub3A_1198 : vector<16xi32>
    %sub3A_1204 = arith.subi %sub3A_1203, %sub3A_1202 : vector<16xi32>
    %add3A_1205 = vector.broadcast %add3A_1174 : i32 to vector<16xi32>
    %add3A_1206 = arith.addi %add3A_1205, %sub3A_1198 : vector<16xi32>
    %add3A_1207 = vector.broadcast %add3A_1175 : i32 to vector<16xi32>
    %add3A_1208 = arith.addi %add3A_1207, %sub3A_1202 : vector<16xi32>
    %add3A_1209 = vector.broadcast %add3A_1179 : i32 to vector<16xi32>
    %add3A_1210 = arith.addi %add3A_1209, %sub3A_1204 : vector<16xi32>
    %select_n3A_1211 = arith.select %gt3A_1186, %add3A_1208, %add3A_1210 : vector<16xi1>, vector<16xi32>
    %select_n3A_1212 = arith.select %and3A_1192, %add3A_1206, %select_n3A_1211 : vector<16xi1>, vector<16xi32>
    %swap3A_1213 = arith.constant 240 : index
    %swap3A_1214 = tpu.vector_load %arg7[%swap3A_1213] {strides = array<i32>} : memref<256xi32, #tpu.memory_space<vmem>>, vector<16xi32>,
    tpu.vector_store %arg7[%swap3A_1213], %select_n3A_1212 {strides = array<i32>} : memref<256xi32, #tpu.memory_space<vmem>>, vector<16xi32>,
    %add3A_1215 = arith.constant 240 : i32
    %add3A_1216 = vector.broadcast %add3A_1215 : i32 to vector<16xi32>
    %add3A_1217 = arith.addi %iota3A, %add3A_1216 : vector<16xi32>
    tpu.vector_store_idx %arg6[%select_n3A_1212], %add3A_1217 : memref<256xi32, #tpu.memory_space<vmem>>[vector<16xi32>], vector<16xi32>,
    %reduce_sum3A_1218 = arith.constant true
    %reduce_sum3A_1219 = vector.broadcast %reduce_sum3A_1218 : i1 to vector<16xi1>
    %reduce_sum3A_1220 = tpu.scan <sum>, %convert_element_type3A_1193 masked %reduce_sum3A_1219 : vector<16xi32>, vector<16xi1> -> vector<16xi32>
    %reduce_sum3A_1221 = vector.extract %reduce_sum3A_1220[15] : i32 from vector<16xi32>
    %reduce_sum3A_1222 = arith.constant true
    %reduce_sum3A_1223 = vector.broadcast %reduce_sum3A_1222 : i1 to vector<16xi1>
    %reduce_sum3A_1224 = tpu.scan <sum>, %convert_element_type3A_1194 masked %reduce_sum3A_1223 : vector<16xi32>, vector<16xi1> -> vector<16xi32>
    %reduce_sum3A_1225 = vector.extract %reduce_sum3A_1224[15] : i32 from vector<16xi32>
    %add3A_1226 = arith.addi %add3A_1174, %reduce_sum3A_1221 : i32
    %add3A_1227 = arith.addi %add3A_1175, %reduce_sum3A_1225 : i32
    %sub3A_1228 = arith.constant 16 : i32
    %sub3A_1229 = arith.subi %sub3A_1228, %reduce_sum3A_1221 : i32
    %sub3A_1230 = arith.subi %sub3A_1229, %reduce_sum3A_1225 : i32
    %add3A_1231 = arith.addi %add3A_1179, %sub3A_1230 : i32
    "tpu.region"() ({
      %run_scoped3A = tpu.sem_alloc : memref<!tpu.dma_semaphore, #tpu.memory_space<semaphore_mem>>
      %dma_start3A = arith.constant 0 : i32
      %dma_start3A_2475 = tpu.memref_slice %arg3[%add3A_4, %dma_start3A] : memref<64x256xi32, #tpu.memory_space<hbm>> -> memref<1x256xi32, #tpu.memory_space<hbm>>
      %dma_start3A_2476 = tpu.memref_squeeze %dma_start3A_2475 : memref<1x256xi32, #tpu.memory_space<hbm>> -> memref<256xi32, #tpu.memory_space<hbm>>
      %dma_start3A_2477 = arith.constant 0 : i32
      %dma_start3A_2478 = tpu.memref_slice %arg3[%add3A_4, %dma_start3A_2477] : memref<64x256xi32, #tpu.memory_space<hbm>> -> memref<1x256xi32, #tpu.memory_space<hbm>>
      %dma_start3A_2479 = tpu.memref_squeeze %dma_start3A_2478 : memref<1x256xi32, #tpu.memory_space<hbm>> -> memref<256xi32, #tpu.memory_space<hbm>>
      tpu.enqueue_dma source(%arg6 : memref<256xi32, #tpu.memory_space<vmem>>) target(%dma_start3A_2479 : memref<256xi32, #tpu.memory_space<hbm>>) target_semaphore(%run_scoped3A : memref<!tpu.dma_semaphore, #tpu.memory_space<semaphore_mem>>)
      %dma_wait3A = arith.constant 0 : i32
      %dma_wait3A_2480 = tpu.memref_slice %arg3[%add3A_4, %dma_wait3A] : memref<64x256xi32, #tpu.memory_space<hbm>> -> memref<1x256xi32, #tpu.memory_space<hbm>>
      %dma_wait3A_2481 = tpu.memref_squeeze %dma_wait3A_2480 : memref<1x256xi32, #tpu.memory_space<hbm>> -> memref<256xi32, #tpu.memory_space<hbm>>
      %dma_wait3A_2482 = arith.constant 0 : i32
      %dma_wait3A_2483 = tpu.memref_slice %arg3[%add3A_4, %dma_wait3A_2482] : memref<64x256xi32, #tpu.memory_space<hbm>> -> memref<1x256xi32, #tpu.memory_space<hbm>>
      %dma_wait3A_2484 = tpu.memref_squeeze %dma_wait3A_2483 : memref<1x256xi32, #tpu.memory_space<hbm>> -> memref<256xi32, #tpu.memory_space<hbm>>
      tpu.wait_dma2 semaphore(%run_scoped3A : memref<!tpu.dma_semaphore, #tpu.memory_space<semaphore_mem>>) src(%arg6 : memref<256xi32, #tpu.memory_space<vmem>>) dst(%dma_wait3A_2484 : memref<256xi32, #tpu.memory_space<hbm>>)
      tpu.yield
    }) : () -> ()
    "tpu.region"() ({
      %run_scoped3A = tpu.sem_alloc : memref<!tpu.dma_semaphore, #tpu.memory_space<semaphore_mem>>
      %dma_start3A = arith.constant 0 : i32
      %dma_start3A_2475 = tpu.memref_slice %arg4[%add3A_4, %dma_start3A] : memref<64x256xi32, #tpu.memory_space<hbm>> -> memref<1x256xi32, #tpu.memory_space<hbm>>
      %dma_start3A_2476 = tpu.memref_squeeze %dma_start3A_2475 : memref<1x256xi32, #tpu.memory_space<hbm>> -> memref<256xi32, #tpu.memory_space<hbm>>
      %dma_start3A_2477 = arith.constant 0 : i32
      %dma_start3A_2478 = tpu.memref_slice %arg4[%add3A_4, %dma_start3A_2477] : memref<64x256xi32, #tpu.memory_space<hbm>> -> memref<1x256xi32, #tpu.memory_space<hbm>>
      %dma_start3A_2479 = tpu.memref_squeeze %dma_start3A_2478 : memref<1x256xi32, #tpu.memory_space<hbm>> -> memref<256xi32, #tpu.memory_space<hbm>>
      tpu.enqueue_dma source(%arg7 : memref<256xi32, #tpu.memory_space<vmem>>) target(%dma_start3A_2479 : memref<256xi32, #tpu.memory_space<hbm>>) target_semaphore(%run_scoped3A : memref<!tpu.dma_semaphore, #tpu.memory_space<semaphore_mem>>)
      %dma_wait3A = arith.constant 0 : i32
      %dma_wait3A_2480 = tpu.memref_slice %arg4[%add3A_4, %dma_wait3A] : memref<64x256xi32, #tpu.memory_space<hbm>> -> memref<1x256xi32, #tpu.memory_space<hbm>>
      %dma_wait3A_2481 = tpu.memref_squeeze %dma_wait3A_2480 : memref<1x256xi32, #tpu.memory_space<hbm>> -> memref<256xi32, #tpu.memory_space<hbm>>
      %dma_wait3A_2482 = arith.constant 0 : i32
      %dma_wait3A_2483 = tpu.memref_slice %arg4[%add3A_4, %dma_wait3A_2482] : memref<64x256xi32, #tpu.memory_space<hbm>> -> memref<1x256xi32, #tpu.memory_space<hbm>>
      %dma_wait3A_2484 = tpu.memref_squeeze %dma_wait3A_2483 : memref<1x256xi32, #tpu.memory_space<hbm>> -> memref<256xi32, #tpu.memory_space<hbm>>
      tpu.wait_dma2 semaphore(%run_scoped3A : memref<!tpu.dma_semaphore, #tpu.memory_space<semaphore_mem>>) src(%arg7 : memref<256xi32, #tpu.memory_space<vmem>>) dst(%dma_wait3A_2484 : memref<256xi32, #tpu.memory_space<hbm>>)
      tpu.yield
    }) : () -> ()
    %mul3A_1232 = arith.constant 2 : i32
    %mul3A_1233 = arith.muli %add3A, %mul3A_1232 : i32
    %add3A_1234 = arith.constant 1 : i32
    %add3A_1235 = arith.addi %mul3A_1233, %add3A_1234 : i32
    "tpu.region"() ({
      %run_scoped3A = tpu.sem_alloc : memref<!tpu.dma_semaphore, #tpu.memory_space<semaphore_mem>>
      %dma_start3A = arith.constant 0 : i32
      %dma_start3A_2475 = tpu.memref_slice %arg2[%add3A_1235, %dma_start3A] : memref<64x512xf32, #tpu.memory_space<hbm>> -> memref<1x512xf32, #tpu.memory_space<hbm>>
      %dma_start3A_2476 = tpu.memref_squeeze %dma_start3A_2475 : memref<1x512xf32, #tpu.memory_space<hbm>> -> memref<512xf32, #tpu.memory_space<hbm>>
      %dma_start3A_2477 = arith.constant 0 : i32
      %dma_start3A_2478 = tpu.memref_slice %arg2[%add3A_1235, %dma_start3A_2477] : memref<64x512xf32, #tpu.memory_space<hbm>> -> memref<1x512xf32, #tpu.memory_space<hbm>>
      %dma_start3A_2479 = tpu.memref_squeeze %dma_start3A_2478 : memref<1x512xf32, #tpu.memory_space<hbm>> -> memref<512xf32, #tpu.memory_space<hbm>>
      tpu.enqueue_dma source(%dma_start3A_2479 : memref<512xf32, #tpu.memory_space<hbm>>) target(%arg5 : memref<512xf32, #tpu.memory_space<vmem>>) target_semaphore(%run_scoped3A : memref<!tpu.dma_semaphore, #tpu.memory_space<semaphore_mem>>)
      %dma_wait3A = arith.constant 0 : i32
      %dma_wait3A_2480 = tpu.memref_slice %arg2[%add3A_1235, %dma_wait3A] : memref<64x512xf32, #tpu.memory_space<hbm>> -> memref<1x512xf32, #tpu.memory_space<hbm>>
      %dma_wait3A_2481 = tpu.memref_squeeze %dma_wait3A_2480 : memref<1x512xf32, #tpu.memory_space<hbm>> -> memref<512xf32, #tpu.memory_space<hbm>>
      %dma_wait3A_2482 = arith.constant 0 : i32
      %dma_wait3A_2483 = tpu.memref_slice %arg2[%add3A_1235, %dma_wait3A_2482] : memref<64x512xf32, #tpu.memory_space<hbm>> -> memref<1x512xf32, #tpu.memory_space<hbm>>
      %dma_wait3A_2484 = tpu.memref_squeeze %dma_wait3A_2483 : memref<1x512xf32, #tpu.memory_space<hbm>> -> memref<512xf32, #tpu.memory_space<hbm>>
      tpu.wait_dma2 semaphore(%run_scoped3A : memref<!tpu.dma_semaphore, #tpu.memory_space<semaphore_mem>>) src(%dma_wait3A_2484 : memref<512xf32, #tpu.memory_space<hbm>>) dst(%arg5 : memref<512xf32, #tpu.memory_space<vmem>>)
      tpu.yield
    }) : () -> ()
    %get3A_1236 = arith.constant 0 : index
    %get3A_1237 = tpu.vector_load %arg5[%get3A_1236] {strides = array<i32>} : memref<512xf32, #tpu.memory_space<vmem>>, vector<16xf32>,
    %get3A_1238 = arith.constant 256 : index
    %get3A_1239 = tpu.vector_load %arg5[%get3A_1238] {strides = array<i32>} : memref<512xf32, #tpu.memory_space<vmem>>, vector<16xf32>,
    %gt3A_1240 = arith.constant 5.000000e-01 : f32
    %gt3A_1241 = vector.broadcast %gt3A_1240 : f32 to vector<16xf32>
    %gt3A_1242 = arith.cmpf ogt, %get3A_1239, %gt3A_1241 : vector<16xf32>
    %gt3A_1243 = arith.constant 5.000000e-01 : f32
    %gt3A_1244 = vector.broadcast %gt3A_1243 : f32 to vector<16xf32>
    %gt3A_1245 = arith.cmpf ogt, %get3A_1237, %gt3A_1244 : vector<16xf32>
    %not3A_1246 = arith.constant dense<true> : vector<16xi1>
    %not3A_1247 = arith.xori %gt3A_1242, %not3A_1246 : vector<16xi1>
    %and3A_1248 = arith.andi %gt3A_1245, %not3A_1247 : vector<16xi1>
    %convert_element_type3A_1249 = arith.extui %and3A_1248 : vector<16xi1> to vector<16xi32>
    %reduce_sum3A_1250 = arith.constant true
    %reduce_sum3A_1251 = vector.broadcast %reduce_sum3A_1250 : i1 to vector<16xi1>
    %reduce_sum3A_1252 = tpu.scan <sum>, %convert_element_type3A_1249 masked %reduce_sum3A_1251 : vector<16xi32>, vector<16xi1> -> vector<16xi32>
    %reduce_sum3A_1253 = vector.extract %reduce_sum3A_1252[15] : i32 from vector<16xi32>
    %add3A_1254 = arith.constant 0 : i32
    %add3A_1255 = arith.addi %add3A_1254, %reduce_sum3A_1253 : i32
    %convert_element_type3A_1256 = arith.extui %gt3A_1242 : vector<16xi1> to vector<16xi32>
    %reduce_sum3A_1257 = arith.constant true
    %reduce_sum3A_1258 = vector.broadcast %reduce_sum3A_1257 : i1 to vector<16xi1>
    %reduce_sum3A_1259 = tpu.scan <sum>, %convert_element_type3A_1256 masked %reduce_sum3A_1258 : vector<16xi32>, vector<16xi1> -> vector<16xi32>
    %reduce_sum3A_1260 = vector.extract %reduce_sum3A_1259[15] : i32 from vector<16xi32>
    %add3A_1261 = arith.constant 0 : i32
    %add3A_1262 = arith.addi %add3A_1261, %reduce_sum3A_1260 : i32
    %get3A_1263 = arith.constant 16 : index
    %get3A_1264 = tpu.vector_load %arg5[%get3A_1263] {strides = array<i32>} : memref<512xf32, #tpu.memory_space<vmem>>, vector<16xf32>,
    %get3A_1265 = arith.constant 272 : index
    %get3A_1266 = tpu.vector_load %arg5[%get3A_1265] {strides = array<i32>} : memref<512xf32, #tpu.memory_space<vmem>>, vector<16xf32>,
    %gt3A_1267 = arith.constant 5.000000e-01 : f32
    %gt3A_1268 = vector.broadcast %gt3A_1267 : f32 to vector<16xf32>
    %gt3A_1269 = arith.cmpf ogt, %get3A_1266, %gt3A_1268 : vector<16xf32>
    %gt3A_1270 = arith.constant 5.000000e-01 : f32
    %gt3A_1271 = vector.broadcast %gt3A_1270 : f32 to vector<16xf32>
    %gt3A_1272 = arith.cmpf ogt, %get3A_1264, %gt3A_1271 : vector<16xf32>
    %not3A_1273 = arith.constant dense<true> : vector<16xi1>
    %not3A_1274 = arith.xori %gt3A_1269, %not3A_1273 : vector<16xi1>
    %and3A_1275 = arith.andi %gt3A_1272, %not3A_1274 : vector<16xi1>
    %convert_element_type3A_1276 = arith.extui %and3A_1275 : vector<16xi1> to vector<16xi32>
    %reduce_sum3A_1277 = arith.constant true
    %reduce_sum3A_1278 = vector.broadcast %reduce_sum3A_1277 : i1 to vector<16xi1>
    %reduce_sum3A_1279 = tpu.scan <sum>, %convert_element_type3A_1276 masked %reduce_sum3A_1278 : vector<16xi32>, vector<16xi1> -> vector<16xi32>
    %reduce_sum3A_1280 = vector.extract %reduce_sum3A_1279[15] : i32 from vector<16xi32>
    %add3A_1281 = arith.addi %add3A_1255, %reduce_sum3A_1280 : i32
    %convert_element_type3A_1282 = arith.extui %gt3A_1269 : vector<16xi1> to vector<16xi32>
    %reduce_sum3A_1283 = arith.constant true
    %reduce_sum3A_1284 = vector.broadcast %reduce_sum3A_1283 : i1 to vector<16xi1>
    %reduce_sum3A_1285 = tpu.scan <sum>, %convert_element_type3A_1282 masked %reduce_sum3A_1284 : vector<16xi32>, vector<16xi1> -> vector<16xi32>
    %reduce_sum3A_1286 = vector.extract %reduce_sum3A_1285[15] : i32 from vector<16xi32>
    %add3A_1287 = arith.addi %add3A_1262, %reduce_sum3A_1286 : i32
    %get3A_1288 = arith.constant 32 : index
    %get3A_1289 = tpu.vector_load %arg5[%get3A_1288] {strides = array<i32>} : memref<512xf32, #tpu.memory_space<vmem>>, vector<16xf32>,
    %get3A_1290 = arith.constant 288 : index
    %get3A_1291 = tpu.vector_load %arg5[%get3A_1290] {strides = array<i32>} : memref<512xf32, #tpu.memory_space<vmem>>, vector<16xf32>,
    %gt3A_1292 = arith.constant 5.000000e-01 : f32
    %gt3A_1293 = vector.broadcast %gt3A_1292 : f32 to vector<16xf32>
    %gt3A_1294 = arith.cmpf ogt, %get3A_1291, %gt3A_1293 : vector<16xf32>
    %gt3A_1295 = arith.constant 5.000000e-01 : f32
    %gt3A_1296 = vector.broadcast %gt3A_1295 : f32 to vector<16xf32>
    %gt3A_1297 = arith.cmpf ogt, %get3A_1289, %gt3A_1296 : vector<16xf32>
    %not3A_1298 = arith.constant dense<true> : vector<16xi1>
    %not3A_1299 = arith.xori %gt3A_1294, %not3A_1298 : vector<16xi1>
    %and3A_1300 = arith.andi %gt3A_1297, %not3A_1299 : vector<16xi1>
    %convert_element_type3A_1301 = arith.extui %and3A_1300 : vector<16xi1> to vector<16xi32>
    %reduce_sum3A_1302 = arith.constant true
    %reduce_sum3A_1303 = vector.broadcast %reduce_sum3A_1302 : i1 to vector<16xi1>
    %reduce_sum3A_1304 = tpu.scan <sum>, %convert_element_type3A_1301 masked %reduce_sum3A_1303 : vector<16xi32>, vector<16xi1> -> vector<16xi32>
    %reduce_sum3A_1305 = vector.extract %reduce_sum3A_1304[15] : i32 from vector<16xi32>
    %add3A_1306 = arith.addi %add3A_1281, %reduce_sum3A_1305 : i32
    %convert_element_type3A_1307 = arith.extui %gt3A_1294 : vector<16xi1> to vector<16xi32>
    %reduce_sum3A_1308 = arith.constant true
    %reduce_sum3A_1309 = vector.broadcast %reduce_sum3A_1308 : i1 to vector<16xi1>
    %reduce_sum3A_1310 = tpu.scan <sum>, %convert_element_type3A_1307 masked %reduce_sum3A_1309 : vector<16xi32>, vector<16xi1> -> vector<16xi32>
    %reduce_sum3A_1311 = vector.extract %reduce_sum3A_1310[15] : i32 from vector<16xi32>
    %add3A_1312 = arith.addi %add3A_1287, %reduce_sum3A_1311 : i32
    %get3A_1313 = arith.constant 48 : index
    %get3A_1314 = tpu.vector_load %arg5[%get3A_1313] {strides = array<i32>} : memref<512xf32, #tpu.memory_space<vmem>>, vector<16xf32>,
    %get3A_1315 = arith.constant 304 : index
    %get3A_1316 = tpu.vector_load %arg5[%get3A_1315] {strides = array<i32>} : memref<512xf32, #tpu.memory_space<vmem>>, vector<16xf32>,
    %gt3A_1317 = arith.constant 5.000000e-01 : f32
    %gt3A_1318 = vector.broadcast %gt3A_1317 : f32 to vector<16xf32>
    %gt3A_1319 = arith.cmpf ogt, %get3A_1316, %gt3A_1318 : vector<16xf32>
    %gt3A_1320 = arith.constant 5.000000e-01 : f32
    %gt3A_1321 = vector.broadcast %gt3A_1320 : f32 to vector<16xf32>
    %gt3A_1322 = arith.cmpf ogt, %get3A_1314, %gt3A_1321 : vector<16xf32>
    %not3A_1323 = arith.constant dense<true> : vector<16xi1>
    %not3A_1324 = arith.xori %gt3A_1319, %not3A_1323 : vector<16xi1>
    %and3A_1325 = arith.andi %gt3A_1322, %not3A_1324 : vector<16xi1>
    %convert_element_type3A_1326 = arith.extui %and3A_1325 : vector<16xi1> to vector<16xi32>
    %reduce_sum3A_1327 = arith.constant true
    %reduce_sum3A_1328 = vector.broadcast %reduce_sum3A_1327 : i1 to vector<16xi1>
    %reduce_sum3A_1329 = tpu.scan <sum>, %convert_element_type3A_1326 masked %reduce_sum3A_1328 : vector<16xi32>, vector<16xi1> -> vector<16xi32>
    %reduce_sum3A_1330 = vector.extract %reduce_sum3A_1329[15] : i32 from vector<16xi32>
    %add3A_1331 = arith.addi %add3A_1306, %reduce_sum3A_1330 : i32
    %convert_element_type3A_1332 = arith.extui %gt3A_1319 : vector<16xi1> to vector<16xi32>
    %reduce_sum3A_1333 = arith.constant true
    %reduce_sum3A_1334 = vector.broadcast %reduce_sum3A_1333 : i1 to vector<16xi1>
    %reduce_sum3A_1335 = tpu.scan <sum>, %convert_element_type3A_1332 masked %reduce_sum3A_1334 : vector<16xi32>, vector<16xi1> -> vector<16xi32>
    %reduce_sum3A_1336 = vector.extract %reduce_sum3A_1335[15] : i32 from vector<16xi32>
    %add3A_1337 = arith.addi %add3A_1312, %reduce_sum3A_1336 : i32
    %get3A_1338 = arith.constant 64 : index
    %get3A_1339 = tpu.vector_load %arg5[%get3A_1338] {strides = array<i32>} : memref<512xf32, #tpu.memory_space<vmem>>, vector<16xf32>,
    %get3A_1340 = arith.constant 320 : index
    %get3A_1341 = tpu.vector_load %arg5[%get3A_1340] {strides = array<i32>} : memref<512xf32, #tpu.memory_space<vmem>>, vector<16xf32>,
    %gt3A_1342 = arith.constant 5.000000e-01 : f32
    %gt3A_1343 = vector.broadcast %gt3A_1342 : f32 to vector<16xf32>
    %gt3A_1344 = arith.cmpf ogt, %get3A_1341, %gt3A_1343 : vector<16xf32>
    %gt3A_1345 = arith.constant 5.000000e-01 : f32
    %gt3A_1346 = vector.broadcast %gt3A_1345 : f32 to vector<16xf32>
    %gt3A_1347 = arith.cmpf ogt, %get3A_1339, %gt3A_1346 : vector<16xf32>
    %not3A_1348 = arith.constant dense<true> : vector<16xi1>
    %not3A_1349 = arith.xori %gt3A_1344, %not3A_1348 : vector<16xi1>
    %and3A_1350 = arith.andi %gt3A_1347, %not3A_1349 : vector<16xi1>
    %convert_element_type3A_1351 = arith.extui %and3A_1350 : vector<16xi1> to vector<16xi32>
    %reduce_sum3A_1352 = arith.constant true
    %reduce_sum3A_1353 = vector.broadcast %reduce_sum3A_1352 : i1 to vector<16xi1>
    %reduce_sum3A_1354 = tpu.scan <sum>, %convert_element_type3A_1351 masked %reduce_sum3A_1353 : vector<16xi32>, vector<16xi1> -> vector<16xi32>
    %reduce_sum3A_1355 = vector.extract %reduce_sum3A_1354[15] : i32 from vector<16xi32>
    %add3A_1356 = arith.addi %add3A_1331, %reduce_sum3A_1355 : i32
    %convert_element_type3A_1357 = arith.extui %gt3A_1344 : vector<16xi1> to vector<16xi32>
    %reduce_sum3A_1358 = arith.constant true
    %reduce_sum3A_1359 = vector.broadcast %reduce_sum3A_1358 : i1 to vector<16xi1>
    %reduce_sum3A_1360 = tpu.scan <sum>, %convert_element_type3A_1357 masked %reduce_sum3A_1359 : vector<16xi32>, vector<16xi1> -> vector<16xi32>
    %reduce_sum3A_1361 = vector.extract %reduce_sum3A_1360[15] : i32 from vector<16xi32>
    %add3A_1362 = arith.addi %add3A_1337, %reduce_sum3A_1361 : i32
    %get3A_1363 = arith.constant 80 : index
    %get3A_1364 = tpu.vector_load %arg5[%get3A_1363] {strides = array<i32>} : memref<512xf32, #tpu.memory_space<vmem>>, vector<16xf32>,
    %get3A_1365 = arith.constant 336 : index
    %get3A_1366 = tpu.vector_load %arg5[%get3A_1365] {strides = array<i32>} : memref<512xf32, #tpu.memory_space<vmem>>, vector<16xf32>,
    %gt3A_1367 = arith.constant 5.000000e-01 : f32
    %gt3A_1368 = vector.broadcast %gt3A_1367 : f32 to vector<16xf32>
    %gt3A_1369 = arith.cmpf ogt, %get3A_1366, %gt3A_1368 : vector<16xf32>
    %gt3A_1370 = arith.constant 5.000000e-01 : f32
    %gt3A_1371 = vector.broadcast %gt3A_1370 : f32 to vector<16xf32>
    %gt3A_1372 = arith.cmpf ogt, %get3A_1364, %gt3A_1371 : vector<16xf32>
    %not3A_1373 = arith.constant dense<true> : vector<16xi1>
    %not3A_1374 = arith.xori %gt3A_1369, %not3A_1373 : vector<16xi1>
    %and3A_1375 = arith.andi %gt3A_1372, %not3A_1374 : vector<16xi1>
    %convert_element_type3A_1376 = arith.extui %and3A_1375 : vector<16xi1> to vector<16xi32>
    %reduce_sum3A_1377 = arith.constant true
    %reduce_sum3A_1378 = vector.broadcast %reduce_sum3A_1377 : i1 to vector<16xi1>
    %reduce_sum3A_1379 = tpu.scan <sum>, %convert_element_type3A_1376 masked %reduce_sum3A_1378 : vector<16xi32>, vector<16xi1> -> vector<16xi32>
    %reduce_sum3A_1380 = vector.extract %reduce_sum3A_1379[15] : i32 from vector<16xi32>
    %add3A_1381 = arith.addi %add3A_1356, %reduce_sum3A_1380 : i32
    %convert_element_type3A_1382 = arith.extui %gt3A_1369 : vector<16xi1> to vector<16xi32>
    %reduce_sum3A_1383 = arith.constant true
    %reduce_sum3A_1384 = vector.broadcast %reduce_sum3A_1383 : i1 to vector<16xi1>
    %reduce_sum3A_1385 = tpu.scan <sum>, %convert_element_type3A_1382 masked %reduce_sum3A_1384 : vector<16xi32>, vector<16xi1> -> vector<16xi32>
    %reduce_sum3A_1386 = vector.extract %reduce_sum3A_1385[15] : i32 from vector<16xi32>
    %add3A_1387 = arith.addi %add3A_1362, %reduce_sum3A_1386 : i32
    %get3A_1388 = arith.constant 96 : index
    %get3A_1389 = tpu.vector_load %arg5[%get3A_1388] {strides = array<i32>} : memref<512xf32, #tpu.memory_space<vmem>>, vector<16xf32>,
    %get3A_1390 = arith.constant 352 : index
    %get3A_1391 = tpu.vector_load %arg5[%get3A_1390] {strides = array<i32>} : memref<512xf32, #tpu.memory_space<vmem>>, vector<16xf32>,
    %gt3A_1392 = arith.constant 5.000000e-01 : f32
    %gt3A_1393 = vector.broadcast %gt3A_1392 : f32 to vector<16xf32>
    %gt3A_1394 = arith.cmpf ogt, %get3A_1391, %gt3A_1393 : vector<16xf32>
    %gt3A_1395 = arith.constant 5.000000e-01 : f32
    %gt3A_1396 = vector.broadcast %gt3A_1395 : f32 to vector<16xf32>
    %gt3A_1397 = arith.cmpf ogt, %get3A_1389, %gt3A_1396 : vector<16xf32>
    %not3A_1398 = arith.constant dense<true> : vector<16xi1>
    %not3A_1399 = arith.xori %gt3A_1394, %not3A_1398 : vector<16xi1>
    %and3A_1400 = arith.andi %gt3A_1397, %not3A_1399 : vector<16xi1>
    %convert_element_type3A_1401 = arith.extui %and3A_1400 : vector<16xi1> to vector<16xi32>
    %reduce_sum3A_1402 = arith.constant true
    %reduce_sum3A_1403 = vector.broadcast %reduce_sum3A_1402 : i1 to vector<16xi1>
    %reduce_sum3A_1404 = tpu.scan <sum>, %convert_element_type3A_1401 masked %reduce_sum3A_1403 : vector<16xi32>, vector<16xi1> -> vector<16xi32>
    %reduce_sum3A_1405 = vector.extract %reduce_sum3A_1404[15] : i32 from vector<16xi32>
    %add3A_1406 = arith.addi %add3A_1381, %reduce_sum3A_1405 : i32
    %convert_element_type3A_1407 = arith.extui %gt3A_1394 : vector<16xi1> to vector<16xi32>
    %reduce_sum3A_1408 = arith.constant true
    %reduce_sum3A_1409 = vector.broadcast %reduce_sum3A_1408 : i1 to vector<16xi1>
    %reduce_sum3A_1410 = tpu.scan <sum>, %convert_element_type3A_1407 masked %reduce_sum3A_1409 : vector<16xi32>, vector<16xi1> -> vector<16xi32>
    %reduce_sum3A_1411 = vector.extract %reduce_sum3A_1410[15] : i32 from vector<16xi32>
    %add3A_1412 = arith.addi %add3A_1387, %reduce_sum3A_1411 : i32
    %get3A_1413 = arith.constant 112 : index
    %get3A_1414 = tpu.vector_load %arg5[%get3A_1413] {strides = array<i32>} : memref<512xf32, #tpu.memory_space<vmem>>, vector<16xf32>,
    %get3A_1415 = arith.constant 368 : index
    %get3A_1416 = tpu.vector_load %arg5[%get3A_1415] {strides = array<i32>} : memref<512xf32, #tpu.memory_space<vmem>>, vector<16xf32>,
    %gt3A_1417 = arith.constant 5.000000e-01 : f32
    %gt3A_1418 = vector.broadcast %gt3A_1417 : f32 to vector<16xf32>
    %gt3A_1419 = arith.cmpf ogt, %get3A_1416, %gt3A_1418 : vector<16xf32>
    %gt3A_1420 = arith.constant 5.000000e-01 : f32
    %gt3A_1421 = vector.broadcast %gt3A_1420 : f32 to vector<16xf32>
    %gt3A_1422 = arith.cmpf ogt, %get3A_1414, %gt3A_1421 : vector<16xf32>
    %not3A_1423 = arith.constant dense<true> : vector<16xi1>
    %not3A_1424 = arith.xori %gt3A_1419, %not3A_1423 : vector<16xi1>
    %and3A_1425 = arith.andi %gt3A_1422, %not3A_1424 : vector<16xi1>
    %convert_element_type3A_1426 = arith.extui %and3A_1425 : vector<16xi1> to vector<16xi32>
    %reduce_sum3A_1427 = arith.constant true
    %reduce_sum3A_1428 = vector.broadcast %reduce_sum3A_1427 : i1 to vector<16xi1>
    %reduce_sum3A_1429 = tpu.scan <sum>, %convert_element_type3A_1426 masked %reduce_sum3A_1428 : vector<16xi32>, vector<16xi1> -> vector<16xi32>
    %reduce_sum3A_1430 = vector.extract %reduce_sum3A_1429[15] : i32 from vector<16xi32>
    %add3A_1431 = arith.addi %add3A_1406, %reduce_sum3A_1430 : i32
    %convert_element_type3A_1432 = arith.extui %gt3A_1419 : vector<16xi1> to vector<16xi32>
    %reduce_sum3A_1433 = arith.constant true
    %reduce_sum3A_1434 = vector.broadcast %reduce_sum3A_1433 : i1 to vector<16xi1>
    %reduce_sum3A_1435 = tpu.scan <sum>, %convert_element_type3A_1432 masked %reduce_sum3A_1434 : vector<16xi32>, vector<16xi1> -> vector<16xi32>
    %reduce_sum3A_1436 = vector.extract %reduce_sum3A_1435[15] : i32 from vector<16xi32>
    %add3A_1437 = arith.addi %add3A_1412, %reduce_sum3A_1436 : i32
    %get3A_1438 = arith.constant 128 : index
    %get3A_1439 = tpu.vector_load %arg5[%get3A_1438] {strides = array<i32>} : memref<512xf32, #tpu.memory_space<vmem>>, vector<16xf32>,
    %get3A_1440 = arith.constant 384 : index
    %get3A_1441 = tpu.vector_load %arg5[%get3A_1440] {strides = array<i32>} : memref<512xf32, #tpu.memory_space<vmem>>, vector<16xf32>,
    %gt3A_1442 = arith.constant 5.000000e-01 : f32
    %gt3A_1443 = vector.broadcast %gt3A_1442 : f32 to vector<16xf32>
    %gt3A_1444 = arith.cmpf ogt, %get3A_1441, %gt3A_1443 : vector<16xf32>
    %gt3A_1445 = arith.constant 5.000000e-01 : f32
    %gt3A_1446 = vector.broadcast %gt3A_1445 : f32 to vector<16xf32>
    %gt3A_1447 = arith.cmpf ogt, %get3A_1439, %gt3A_1446 : vector<16xf32>
    %not3A_1448 = arith.constant dense<true> : vector<16xi1>
    %not3A_1449 = arith.xori %gt3A_1444, %not3A_1448 : vector<16xi1>
    %and3A_1450 = arith.andi %gt3A_1447, %not3A_1449 : vector<16xi1>
    %convert_element_type3A_1451 = arith.extui %and3A_1450 : vector<16xi1> to vector<16xi32>
    %reduce_sum3A_1452 = arith.constant true
    %reduce_sum3A_1453 = vector.broadcast %reduce_sum3A_1452 : i1 to vector<16xi1>
    %reduce_sum3A_1454 = tpu.scan <sum>, %convert_element_type3A_1451 masked %reduce_sum3A_1453 : vector<16xi32>, vector<16xi1> -> vector<16xi32>
    %reduce_sum3A_1455 = vector.extract %reduce_sum3A_1454[15] : i32 from vector<16xi32>
    %add3A_1456 = arith.addi %add3A_1431, %reduce_sum3A_1455 : i32
    %convert_element_type3A_1457 = arith.extui %gt3A_1444 : vector<16xi1> to vector<16xi32>
    %reduce_sum3A_1458 = arith.constant true
    %reduce_sum3A_1459 = vector.broadcast %reduce_sum3A_1458 : i1 to vector<16xi1>
    %reduce_sum3A_1460 = tpu.scan <sum>, %convert_element_type3A_1457 masked %reduce_sum3A_1459 : vector<16xi32>, vector<16xi1> -> vector<16xi32>
    %reduce_sum3A_1461 = vector.extract %reduce_sum3A_1460[15] : i32 from vector<16xi32>
    %add3A_1462 = arith.addi %add3A_1437, %reduce_sum3A_1461 : i32
    %get3A_1463 = arith.constant 144 : index
    %get3A_1464 = tpu.vector_load %arg5[%get3A_1463] {strides = array<i32>} : memref<512xf32, #tpu.memory_space<vmem>>, vector<16xf32>,
    %get3A_1465 = arith.constant 400 : index
    %get3A_1466 = tpu.vector_load %arg5[%get3A_1465] {strides = array<i32>} : memref<512xf32, #tpu.memory_space<vmem>>, vector<16xf32>,
    %gt3A_1467 = arith.constant 5.000000e-01 : f32
    %gt3A_1468 = vector.broadcast %gt3A_1467 : f32 to vector<16xf32>
    %gt3A_1469 = arith.cmpf ogt, %get3A_1466, %gt3A_1468 : vector<16xf32>
    %gt3A_1470 = arith.constant 5.000000e-01 : f32
    %gt3A_1471 = vector.broadcast %gt3A_1470 : f32 to vector<16xf32>
    %gt3A_1472 = arith.cmpf ogt, %get3A_1464, %gt3A_1471 : vector<16xf32>
    %not3A_1473 = arith.constant dense<true> : vector<16xi1>
    %not3A_1474 = arith.xori %gt3A_1469, %not3A_1473 : vector<16xi1>
    %and3A_1475 = arith.andi %gt3A_1472, %not3A_1474 : vector<16xi1>
    %convert_element_type3A_1476 = arith.extui %and3A_1475 : vector<16xi1> to vector<16xi32>
    %reduce_sum3A_1477 = arith.constant true
    %reduce_sum3A_1478 = vector.broadcast %reduce_sum3A_1477 : i1 to vector<16xi1>
    %reduce_sum3A_1479 = tpu.scan <sum>, %convert_element_type3A_1476 masked %reduce_sum3A_1478 : vector<16xi32>, vector<16xi1> -> vector<16xi32>
    %reduce_sum3A_1480 = vector.extract %reduce_sum3A_1479[15] : i32 from vector<16xi32>
    %add3A_1481 = arith.addi %add3A_1456, %reduce_sum3A_1480 : i32
    %convert_element_type3A_1482 = arith.extui %gt3A_1469 : vector<16xi1> to vector<16xi32>
    %reduce_sum3A_1483 = arith.constant true
    %reduce_sum3A_1484 = vector.broadcast %reduce_sum3A_1483 : i1 to vector<16xi1>
    %reduce_sum3A_1485 = tpu.scan <sum>, %convert_element_type3A_1482 masked %reduce_sum3A_1484 : vector<16xi32>, vector<16xi1> -> vector<16xi32>
    %reduce_sum3A_1486 = vector.extract %reduce_sum3A_1485[15] : i32 from vector<16xi32>
    %add3A_1487 = arith.addi %add3A_1462, %reduce_sum3A_1486 : i32
    %get3A_1488 = arith.constant 160 : index
    %get3A_1489 = tpu.vector_load %arg5[%get3A_1488] {strides = array<i32>} : memref<512xf32, #tpu.memory_space<vmem>>, vector<16xf32>,
    %get3A_1490 = arith.constant 416 : index
    %get3A_1491 = tpu.vector_load %arg5[%get3A_1490] {strides = array<i32>} : memref<512xf32, #tpu.memory_space<vmem>>, vector<16xf32>,
    %gt3A_1492 = arith.constant 5.000000e-01 : f32
    %gt3A_1493 = vector.broadcast %gt3A_1492 : f32 to vector<16xf32>
    %gt3A_1494 = arith.cmpf ogt, %get3A_1491, %gt3A_1493 : vector<16xf32>
    %gt3A_1495 = arith.constant 5.000000e-01 : f32
    %gt3A_1496 = vector.broadcast %gt3A_1495 : f32 to vector<16xf32>
    %gt3A_1497 = arith.cmpf ogt, %get3A_1489, %gt3A_1496 : vector<16xf32>
    %not3A_1498 = arith.constant dense<true> : vector<16xi1>
    %not3A_1499 = arith.xori %gt3A_1494, %not3A_1498 : vector<16xi1>
    %and3A_1500 = arith.andi %gt3A_1497, %not3A_1499 : vector<16xi1>
    %convert_element_type3A_1501 = arith.extui %and3A_1500 : vector<16xi1> to vector<16xi32>
    %reduce_sum3A_1502 = arith.constant true
    %reduce_sum3A_1503 = vector.broadcast %reduce_sum3A_1502 : i1 to vector<16xi1>
    %reduce_sum3A_1504 = tpu.scan <sum>, %convert_element_type3A_1501 masked %reduce_sum3A_1503 : vector<16xi32>, vector<16xi1> -> vector<16xi32>
    %reduce_sum3A_1505 = vector.extract %reduce_sum3A_1504[15] : i32 from vector<16xi32>
    %add3A_1506 = arith.addi %add3A_1481, %reduce_sum3A_1505 : i32
    %convert_element_type3A_1507 = arith.extui %gt3A_1494 : vector<16xi1> to vector<16xi32>
    %reduce_sum3A_1508 = arith.constant true
    %reduce_sum3A_1509 = vector.broadcast %reduce_sum3A_1508 : i1 to vector<16xi1>
    %reduce_sum3A_1510 = tpu.scan <sum>, %convert_element_type3A_1507 masked %reduce_sum3A_1509 : vector<16xi32>, vector<16xi1> -> vector<16xi32>
    %reduce_sum3A_1511 = vector.extract %reduce_sum3A_1510[15] : i32 from vector<16xi32>
    %add3A_1512 = arith.addi %add3A_1487, %reduce_sum3A_1511 : i32
    %get3A_1513 = arith.constant 176 : index
    %get3A_1514 = tpu.vector_load %arg5[%get3A_1513] {strides = array<i32>} : memref<512xf32, #tpu.memory_space<vmem>>, vector<16xf32>,
    %get3A_1515 = arith.constant 432 : index
    %get3A_1516 = tpu.vector_load %arg5[%get3A_1515] {strides = array<i32>} : memref<512xf32, #tpu.memory_space<vmem>>, vector<16xf32>,
    %gt3A_1517 = arith.constant 5.000000e-01 : f32
    %gt3A_1518 = vector.broadcast %gt3A_1517 : f32 to vector<16xf32>
    %gt3A_1519 = arith.cmpf ogt, %get3A_1516, %gt3A_1518 : vector<16xf32>
    %gt3A_1520 = arith.constant 5.000000e-01 : f32
    %gt3A_1521 = vector.broadcast %gt3A_1520 : f32 to vector<16xf32>
    %gt3A_1522 = arith.cmpf ogt, %get3A_1514, %gt3A_1521 : vector<16xf32>
    %not3A_1523 = arith.constant dense<true> : vector<16xi1>
    %not3A_1524 = arith.xori %gt3A_1519, %not3A_1523 : vector<16xi1>
    %and3A_1525 = arith.andi %gt3A_1522, %not3A_1524 : vector<16xi1>
    %convert_element_type3A_1526 = arith.extui %and3A_1525 : vector<16xi1> to vector<16xi32>
    %reduce_sum3A_1527 = arith.constant true
    %reduce_sum3A_1528 = vector.broadcast %reduce_sum3A_1527 : i1 to vector<16xi1>
    %reduce_sum3A_1529 = tpu.scan <sum>, %convert_element_type3A_1526 masked %reduce_sum3A_1528 : vector<16xi32>, vector<16xi1> -> vector<16xi32>
    %reduce_sum3A_1530 = vector.extract %reduce_sum3A_1529[15] : i32 from vector<16xi32>
    %add3A_1531 = arith.addi %add3A_1506, %reduce_sum3A_1530 : i32
    %convert_element_type3A_1532 = arith.extui %gt3A_1519 : vector<16xi1> to vector<16xi32>
    %reduce_sum3A_1533 = arith.constant true
    %reduce_sum3A_1534 = vector.broadcast %reduce_sum3A_1533 : i1 to vector<16xi1>
    %reduce_sum3A_1535 = tpu.scan <sum>, %convert_element_type3A_1532 masked %reduce_sum3A_1534 : vector<16xi32>, vector<16xi1> -> vector<16xi32>
    %reduce_sum3A_1536 = vector.extract %reduce_sum3A_1535[15] : i32 from vector<16xi32>
    %add3A_1537 = arith.addi %add3A_1512, %reduce_sum3A_1536 : i32
    %get3A_1538 = arith.constant 192 : index
    %get3A_1539 = tpu.vector_load %arg5[%get3A_1538] {strides = array<i32>} : memref<512xf32, #tpu.memory_space<vmem>>, vector<16xf32>,
    %get3A_1540 = arith.constant 448 : index
    %get3A_1541 = tpu.vector_load %arg5[%get3A_1540] {strides = array<i32>} : memref<512xf32, #tpu.memory_space<vmem>>, vector<16xf32>,
    %gt3A_1542 = arith.constant 5.000000e-01 : f32
    %gt3A_1543 = vector.broadcast %gt3A_1542 : f32 to vector<16xf32>
    %gt3A_1544 = arith.cmpf ogt, %get3A_1541, %gt3A_1543 : vector<16xf32>
    %gt3A_1545 = arith.constant 5.000000e-01 : f32
    %gt3A_1546 = vector.broadcast %gt3A_1545 : f32 to vector<16xf32>
    %gt3A_1547 = arith.cmpf ogt, %get3A_1539, %gt3A_1546 : vector<16xf32>
    %not3A_1548 = arith.constant dense<true> : vector<16xi1>
    %not3A_1549 = arith.xori %gt3A_1544, %not3A_1548 : vector<16xi1>
    %and3A_1550 = arith.andi %gt3A_1547, %not3A_1549 : vector<16xi1>
    %convert_element_type3A_1551 = arith.extui %and3A_1550 : vector<16xi1> to vector<16xi32>
    %reduce_sum3A_1552 = arith.constant true
    %reduce_sum3A_1553 = vector.broadcast %reduce_sum3A_1552 : i1 to vector<16xi1>
    %reduce_sum3A_1554 = tpu.scan <sum>, %convert_element_type3A_1551 masked %reduce_sum3A_1553 : vector<16xi32>, vector<16xi1> -> vector<16xi32>
    %reduce_sum3A_1555 = vector.extract %reduce_sum3A_1554[15] : i32 from vector<16xi32>
    %add3A_1556 = arith.addi %add3A_1531, %reduce_sum3A_1555 : i32
    %convert_element_type3A_1557 = arith.extui %gt3A_1544 : vector<16xi1> to vector<16xi32>
    %reduce_sum3A_1558 = arith.constant true
    %reduce_sum3A_1559 = vector.broadcast %reduce_sum3A_1558 : i1 to vector<16xi1>
    %reduce_sum3A_1560 = tpu.scan <sum>, %convert_element_type3A_1557 masked %reduce_sum3A_1559 : vector<16xi32>, vector<16xi1> -> vector<16xi32>
    %reduce_sum3A_1561 = vector.extract %reduce_sum3A_1560[15] : i32 from vector<16xi32>
    %add3A_1562 = arith.addi %add3A_1537, %reduce_sum3A_1561 : i32
    %get3A_1563 = arith.constant 208 : index
    %get3A_1564 = tpu.vector_load %arg5[%get3A_1563] {strides = array<i32>} : memref<512xf32, #tpu.memory_space<vmem>>, vector<16xf32>,
    %get3A_1565 = arith.constant 464 : index
    %get3A_1566 = tpu.vector_load %arg5[%get3A_1565] {strides = array<i32>} : memref<512xf32, #tpu.memory_space<vmem>>, vector<16xf32>,
    %gt3A_1567 = arith.constant 5.000000e-01 : f32
    %gt3A_1568 = vector.broadcast %gt3A_1567 : f32 to vector<16xf32>
    %gt3A_1569 = arith.cmpf ogt, %get3A_1566, %gt3A_1568 : vector<16xf32>
    %gt3A_1570 = arith.constant 5.000000e-01 : f32
    %gt3A_1571 = vector.broadcast %gt3A_1570 : f32 to vector<16xf32>
    %gt3A_1572 = arith.cmpf ogt, %get3A_1564, %gt3A_1571 : vector<16xf32>
    %not3A_1573 = arith.constant dense<true> : vector<16xi1>
    %not3A_1574 = arith.xori %gt3A_1569, %not3A_1573 : vector<16xi1>
    %and3A_1575 = arith.andi %gt3A_1572, %not3A_1574 : vector<16xi1>
    %convert_element_type3A_1576 = arith.extui %and3A_1575 : vector<16xi1> to vector<16xi32>
    %reduce_sum3A_1577 = arith.constant true
    %reduce_sum3A_1578 = vector.broadcast %reduce_sum3A_1577 : i1 to vector<16xi1>
    %reduce_sum3A_1579 = tpu.scan <sum>, %convert_element_type3A_1576 masked %reduce_sum3A_1578 : vector<16xi32>, vector<16xi1> -> vector<16xi32>
    %reduce_sum3A_1580 = vector.extract %reduce_sum3A_1579[15] : i32 from vector<16xi32>
    %add3A_1581 = arith.addi %add3A_1556, %reduce_sum3A_1580 : i32
    %convert_element_type3A_1582 = arith.extui %gt3A_1569 : vector<16xi1> to vector<16xi32>
    %reduce_sum3A_1583 = arith.constant true
    %reduce_sum3A_1584 = vector.broadcast %reduce_sum3A_1583 : i1 to vector<16xi1>
    %reduce_sum3A_1585 = tpu.scan <sum>, %convert_element_type3A_1582 masked %reduce_sum3A_1584 : vector<16xi32>, vector<16xi1> -> vector<16xi32>
    %reduce_sum3A_1586 = vector.extract %reduce_sum3A_1585[15] : i32 from vector<16xi32>
    %add3A_1587 = arith.addi %add3A_1562, %reduce_sum3A_1586 : i32
    %get3A_1588 = arith.constant 224 : index
    %get3A_1589 = tpu.vector_load %arg5[%get3A_1588] {strides = array<i32>} : memref<512xf32, #tpu.memory_space<vmem>>, vector<16xf32>,
    %get3A_1590 = arith.constant 480 : index
    %get3A_1591 = tpu.vector_load %arg5[%get3A_1590] {strides = array<i32>} : memref<512xf32, #tpu.memory_space<vmem>>, vector<16xf32>,
    %gt3A_1592 = arith.constant 5.000000e-01 : f32
    %gt3A_1593 = vector.broadcast %gt3A_1592 : f32 to vector<16xf32>
    %gt3A_1594 = arith.cmpf ogt, %get3A_1591, %gt3A_1593 : vector<16xf32>
    %gt3A_1595 = arith.constant 5.000000e-01 : f32
    %gt3A_1596 = vector.broadcast %gt3A_1595 : f32 to vector<16xf32>
    %gt3A_1597 = arith.cmpf ogt, %get3A_1589, %gt3A_1596 : vector<16xf32>
    %not3A_1598 = arith.constant dense<true> : vector<16xi1>
    %not3A_1599 = arith.xori %gt3A_1594, %not3A_1598 : vector<16xi1>
    %and3A_1600 = arith.andi %gt3A_1597, %not3A_1599 : vector<16xi1>
    %convert_element_type3A_1601 = arith.extui %and3A_1600 : vector<16xi1> to vector<16xi32>
    %reduce_sum3A_1602 = arith.constant true
    %reduce_sum3A_1603 = vector.broadcast %reduce_sum3A_1602 : i1 to vector<16xi1>
    %reduce_sum3A_1604 = tpu.scan <sum>, %convert_element_type3A_1601 masked %reduce_sum3A_1603 : vector<16xi32>, vector<16xi1> -> vector<16xi32>
    %reduce_sum3A_1605 = vector.extract %reduce_sum3A_1604[15] : i32 from vector<16xi32>
    %add3A_1606 = arith.addi %add3A_1581, %reduce_sum3A_1605 : i32
    %convert_element_type3A_1607 = arith.extui %gt3A_1594 : vector<16xi1> to vector<16xi32>
    %reduce_sum3A_1608 = arith.constant true
    %reduce_sum3A_1609 = vector.broadcast %reduce_sum3A_1608 : i1 to vector<16xi1>
    %reduce_sum3A_1610 = tpu.scan <sum>, %convert_element_type3A_1607 masked %reduce_sum3A_1609 : vector<16xi32>, vector<16xi1> -> vector<16xi32>
    %reduce_sum3A_1611 = vector.extract %reduce_sum3A_1610[15] : i32 from vector<16xi32>
    %add3A_1612 = arith.addi %add3A_1587, %reduce_sum3A_1611 : i32
    %get3A_1613 = arith.constant 240 : index
    %get3A_1614 = tpu.vector_load %arg5[%get3A_1613] {strides = array<i32>} : memref<512xf32, #tpu.memory_space<vmem>>, vector<16xf32>,
    %get3A_1615 = arith.constant 496 : index
    %get3A_1616 = tpu.vector_load %arg5[%get3A_1615] {strides = array<i32>} : memref<512xf32, #tpu.memory_space<vmem>>, vector<16xf32>,
    %gt3A_1617 = arith.constant 5.000000e-01 : f32
    %gt3A_1618 = vector.broadcast %gt3A_1617 : f32 to vector<16xf32>
    %gt3A_1619 = arith.cmpf ogt, %get3A_1616, %gt3A_1618 : vector<16xf32>
    %gt3A_1620 = arith.constant 5.000000e-01 : f32
    %gt3A_1621 = vector.broadcast %gt3A_1620 : f32 to vector<16xf32>
    %gt3A_1622 = arith.cmpf ogt, %get3A_1614, %gt3A_1621 : vector<16xf32>
    %not3A_1623 = arith.constant dense<true> : vector<16xi1>
    %not3A_1624 = arith.xori %gt3A_1619, %not3A_1623 : vector<16xi1>
    %and3A_1625 = arith.andi %gt3A_1622, %not3A_1624 : vector<16xi1>
    %convert_element_type3A_1626 = arith.extui %and3A_1625 : vector<16xi1> to vector<16xi32>
    %reduce_sum3A_1627 = arith.constant true
    %reduce_sum3A_1628 = vector.broadcast %reduce_sum3A_1627 : i1 to vector<16xi1>
    %reduce_sum3A_1629 = tpu.scan <sum>, %convert_element_type3A_1626 masked %reduce_sum3A_1628 : vector<16xi32>, vector<16xi1> -> vector<16xi32>
    %reduce_sum3A_1630 = vector.extract %reduce_sum3A_1629[15] : i32 from vector<16xi32>
    %add3A_1631 = arith.addi %add3A_1606, %reduce_sum3A_1630 : i32
    %convert_element_type3A_1632 = arith.extui %gt3A_1619 : vector<16xi1> to vector<16xi32>
    %reduce_sum3A_1633 = arith.constant true
    %reduce_sum3A_1634 = vector.broadcast %reduce_sum3A_1633 : i1 to vector<16xi1>
    %reduce_sum3A_1635 = tpu.scan <sum>, %convert_element_type3A_1632 masked %reduce_sum3A_1634 : vector<16xi32>, vector<16xi1> -> vector<16xi32>
    %reduce_sum3A_1636 = vector.extract %reduce_sum3A_1635[15] : i32 from vector<16xi32>
    %add3A_1637 = arith.addi %add3A_1612, %reduce_sum3A_1636 : i32
    %sub3A_1638 = arith.constant 256 : i32
    %sub3A_1639 = arith.subi %sub3A_1638, %add3A_1637 : i32
    %iota3A_1640 = tpu.iota {dimensions = array<i32: 0>} : vector<16xi32>
    %get3A_1641 = arith.constant 0 : index
    %get3A_1642 = tpu.vector_load %arg5[%get3A_1641] {strides = array<i32>} : memref<512xf32, #tpu.memory_space<vmem>>, vector<16xf32>,
    %get3A_1643 = arith.constant 256 : index
    %get3A_1644 = tpu.vector_load %arg5[%get3A_1643] {strides = array<i32>} : memref<512xf32, #tpu.memory_space<vmem>>, vector<16xf32>,
    %gt3A_1645 = arith.constant 5.000000e-01 : f32
    %gt3A_1646 = vector.broadcast %gt3A_1645 : f32 to vector<16xf32>
    %gt3A_1647 = arith.cmpf ogt, %get3A_1644, %gt3A_1646 : vector<16xf32>
    %gt3A_1648 = arith.constant 5.000000e-01 : f32
    %gt3A_1649 = vector.broadcast %gt3A_1648 : f32 to vector<16xf32>
    %gt3A_1650 = arith.cmpf ogt, %get3A_1642, %gt3A_1649 : vector<16xf32>
    %not3A_1651 = arith.constant dense<true> : vector<16xi1>
    %not3A_1652 = arith.xori %gt3A_1647, %not3A_1651 : vector<16xi1>
    %and3A_1653 = arith.andi %gt3A_1650, %not3A_1652 : vector<16xi1>
    %convert_element_type3A_1654 = arith.extui %and3A_1653 : vector<16xi1> to vector<16xi32>
    %convert_element_type3A_1655 = arith.extui %gt3A_1647 : vector<16xi1> to vector<16xi32>
    %broadcast_in_dim3A_1656 = arith.constant true
    %broadcast_in_dim3A_1657 = vector.broadcast %broadcast_in_dim3A_1656 : i1 to vector<16xi1>
    %masked_cumsum3A_1658 = tpu.scan <sum>, %convert_element_type3A_1654 masked %broadcast_in_dim3A_1657 : vector<16xi32>, vector<16xi1> -> vector<16xi32>
    %sub3A_1659 = arith.subi %masked_cumsum3A_1658, %convert_element_type3A_1654 : vector<16xi32>
    %broadcast_in_dim3A_1660 = arith.constant true
    %broadcast_in_dim3A_1661 = vector.broadcast %broadcast_in_dim3A_1660 : i1 to vector<16xi1>
    %masked_cumsum3A_1662 = tpu.scan <sum>, %convert_element_type3A_1655 masked %broadcast_in_dim3A_1661 : vector<16xi32>, vector<16xi1> -> vector<16xi32>
    %sub3A_1663 = arith.subi %masked_cumsum3A_1662, %convert_element_type3A_1655 : vector<16xi32>
    %sub3A_1664 = arith.subi %iota3A_1640, %sub3A_1659 : vector<16xi32>
    %sub3A_1665 = arith.subi %sub3A_1664, %sub3A_1663 : vector<16xi32>
    %add3A_1666 = arith.constant 0 : i32
    %add3A_1667 = vector.broadcast %add3A_1666 : i32 to vector<16xi32>
    %add3A_1668 = arith.addi %add3A_1667, %sub3A_1659 : vector<16xi32>
    %add3A_1669 = vector.broadcast %sub3A_1639 : i32 to vector<16xi32>
    %add3A_1670 = arith.addi %add3A_1669, %sub3A_1663 : vector<16xi32>
    %add3A_1671 = vector.broadcast %add3A_1631 : i32 to vector<16xi32>
    %add3A_1672 = arith.addi %add3A_1671, %sub3A_1665 : vector<16xi32>
    %select_n3A_1673 = arith.select %gt3A_1647, %add3A_1670, %add3A_1672 : vector<16xi1>, vector<16xi32>
    %select_n3A_1674 = arith.select %and3A_1653, %add3A_1668, %select_n3A_1673 : vector<16xi1>, vector<16xi32>
    %swap3A_1675 = arith.constant 0 : index
    %swap3A_1676 = tpu.vector_load %arg7[%swap3A_1675] {strides = array<i32>} : memref<256xi32, #tpu.memory_space<vmem>>, vector<16xi32>,
    tpu.vector_store %arg7[%swap3A_1675], %select_n3A_1674 {strides = array<i32>} : memref<256xi32, #tpu.memory_space<vmem>>, vector<16xi32>,
    %add3A_1677 = arith.constant 0 : i32
    %add3A_1678 = vector.broadcast %add3A_1677 : i32 to vector<16xi32>
    %add3A_1679 = arith.addi %iota3A_1640, %add3A_1678 : vector<16xi32>
    tpu.vector_store_idx %arg6[%select_n3A_1674], %add3A_1679 : memref<256xi32, #tpu.memory_space<vmem>>[vector<16xi32>], vector<16xi32>,
    %reduce_sum3A_1680 = arith.constant true
    %reduce_sum3A_1681 = vector.broadcast %reduce_sum3A_1680 : i1 to vector<16xi1>
    %reduce_sum3A_1682 = tpu.scan <sum>, %convert_element_type3A_1654 masked %reduce_sum3A_1681 : vector<16xi32>, vector<16xi1> -> vector<16xi32>
    %reduce_sum3A_1683 = vector.extract %reduce_sum3A_1682[15] : i32 from vector<16xi32>
    %reduce_sum3A_1684 = arith.constant true
    %reduce_sum3A_1685 = vector.broadcast %reduce_sum3A_1684 : i1 to vector<16xi1>
    %reduce_sum3A_1686 = tpu.scan <sum>, %convert_element_type3A_1655 masked %reduce_sum3A_1685 : vector<16xi32>, vector<16xi1> -> vector<16xi32>
    %reduce_sum3A_1687 = vector.extract %reduce_sum3A_1686[15] : i32 from vector<16xi32>
    %add3A_1688 = arith.constant 0 : i32
    %add3A_1689 = arith.addi %add3A_1688, %reduce_sum3A_1683 : i32
    %add3A_1690 = arith.addi %sub3A_1639, %reduce_sum3A_1687 : i32
    %sub3A_1691 = arith.constant 16 : i32
    %sub3A_1692 = arith.subi %sub3A_1691, %reduce_sum3A_1683 : i32
    %sub3A_1693 = arith.subi %sub3A_1692, %reduce_sum3A_1687 : i32
    %add3A_1694 = arith.addi %add3A_1631, %sub3A_1693 : i32
    %get3A_1695 = arith.constant 16 : index
    %get3A_1696 = tpu.vector_load %arg5[%get3A_1695] {strides = array<i32>} : memref<512xf32, #tpu.memory_space<vmem>>, vector<16xf32>,
    %get3A_1697 = arith.constant 272 : index
    %get3A_1698 = tpu.vector_load %arg5[%get3A_1697] {strides = array<i32>} : memref<512xf32, #tpu.memory_space<vmem>>, vector<16xf32>,
    %gt3A_1699 = arith.constant 5.000000e-01 : f32
    %gt3A_1700 = vector.broadcast %gt3A_1699 : f32 to vector<16xf32>
    %gt3A_1701 = arith.cmpf ogt, %get3A_1698, %gt3A_1700 : vector<16xf32>
    %gt3A_1702 = arith.constant 5.000000e-01 : f32
    %gt3A_1703 = vector.broadcast %gt3A_1702 : f32 to vector<16xf32>
    %gt3A_1704 = arith.cmpf ogt, %get3A_1696, %gt3A_1703 : vector<16xf32>
    %not3A_1705 = arith.constant dense<true> : vector<16xi1>
    %not3A_1706 = arith.xori %gt3A_1701, %not3A_1705 : vector<16xi1>
    %and3A_1707 = arith.andi %gt3A_1704, %not3A_1706 : vector<16xi1>
    %convert_element_type3A_1708 = arith.extui %and3A_1707 : vector<16xi1> to vector<16xi32>
    %convert_element_type3A_1709 = arith.extui %gt3A_1701 : vector<16xi1> to vector<16xi32>
    %broadcast_in_dim3A_1710 = arith.constant true
    %broadcast_in_dim3A_1711 = vector.broadcast %broadcast_in_dim3A_1710 : i1 to vector<16xi1>
    %masked_cumsum3A_1712 = tpu.scan <sum>, %convert_element_type3A_1708 masked %broadcast_in_dim3A_1711 : vector<16xi32>, vector<16xi1> -> vector<16xi32>
    %sub3A_1713 = arith.subi %masked_cumsum3A_1712, %convert_element_type3A_1708 : vector<16xi32>
    %broadcast_in_dim3A_1714 = arith.constant true
    %broadcast_in_dim3A_1715 = vector.broadcast %broadcast_in_dim3A_1714 : i1 to vector<16xi1>
    %masked_cumsum3A_1716 = tpu.scan <sum>, %convert_element_type3A_1709 masked %broadcast_in_dim3A_1715 : vector<16xi32>, vector<16xi1> -> vector<16xi32>
    %sub3A_1717 = arith.subi %masked_cumsum3A_1716, %convert_element_type3A_1709 : vector<16xi32>
    %sub3A_1718 = arith.subi %iota3A_1640, %sub3A_1713 : vector<16xi32>
    %sub3A_1719 = arith.subi %sub3A_1718, %sub3A_1717 : vector<16xi32>
    %add3A_1720 = vector.broadcast %add3A_1689 : i32 to vector<16xi32>
    %add3A_1721 = arith.addi %add3A_1720, %sub3A_1713 : vector<16xi32>
    %add3A_1722 = vector.broadcast %add3A_1690 : i32 to vector<16xi32>
    %add3A_1723 = arith.addi %add3A_1722, %sub3A_1717 : vector<16xi32>
    %add3A_1724 = vector.broadcast %add3A_1694 : i32 to vector<16xi32>
    %add3A_1725 = arith.addi %add3A_1724, %sub3A_1719 : vector<16xi32>
    %select_n3A_1726 = arith.select %gt3A_1701, %add3A_1723, %add3A_1725 : vector<16xi1>, vector<16xi32>
    %select_n3A_1727 = arith.select %and3A_1707, %add3A_1721, %select_n3A_1726 : vector<16xi1>, vector<16xi32>
    %swap3A_1728 = arith.constant 16 : index
    %swap3A_1729 = tpu.vector_load %arg7[%swap3A_1728] {strides = array<i32>} : memref<256xi32, #tpu.memory_space<vmem>>, vector<16xi32>,
    tpu.vector_store %arg7[%swap3A_1728], %select_n3A_1727 {strides = array<i32>} : memref<256xi32, #tpu.memory_space<vmem>>, vector<16xi32>,
    %add3A_1730 = arith.constant 16 : i32
    %add3A_1731 = vector.broadcast %add3A_1730 : i32 to vector<16xi32>
    %add3A_1732 = arith.addi %iota3A_1640, %add3A_1731 : vector<16xi32>
    tpu.vector_store_idx %arg6[%select_n3A_1727], %add3A_1732 : memref<256xi32, #tpu.memory_space<vmem>>[vector<16xi32>], vector<16xi32>,
    %reduce_sum3A_1733 = arith.constant true
    %reduce_sum3A_1734 = vector.broadcast %reduce_sum3A_1733 : i1 to vector<16xi1>
    %reduce_sum3A_1735 = tpu.scan <sum>, %convert_element_type3A_1708 masked %reduce_sum3A_1734 : vector<16xi32>, vector<16xi1> -> vector<16xi32>
    %reduce_sum3A_1736 = vector.extract %reduce_sum3A_1735[15] : i32 from vector<16xi32>
    %reduce_sum3A_1737 = arith.constant true
    %reduce_sum3A_1738 = vector.broadcast %reduce_sum3A_1737 : i1 to vector<16xi1>
    %reduce_sum3A_1739 = tpu.scan <sum>, %convert_element_type3A_1709 masked %reduce_sum3A_1738 : vector<16xi32>, vector<16xi1> -> vector<16xi32>
    %reduce_sum3A_1740 = vector.extract %reduce_sum3A_1739[15] : i32 from vector<16xi32>
    %add3A_1741 = arith.addi %add3A_1689, %reduce_sum3A_1736 : i32
    %add3A_1742 = arith.addi %add3A_1690, %reduce_sum3A_1740 : i32
    %sub3A_1743 = arith.constant 16 : i32
    %sub3A_1744 = arith.subi %sub3A_1743, %reduce_sum3A_1736 : i32
    %sub3A_1745 = arith.subi %sub3A_1744, %reduce_sum3A_1740 : i32
    %add3A_1746 = arith.addi %add3A_1694, %sub3A_1745 : i32
    %get3A_1747 = arith.constant 32 : index
    %get3A_1748 = tpu.vector_load %arg5[%get3A_1747] {strides = array<i32>} : memref<512xf32, #tpu.memory_space<vmem>>, vector<16xf32>,
    %get3A_1749 = arith.constant 288 : index
    %get3A_1750 = tpu.vector_load %arg5[%get3A_1749] {strides = array<i32>} : memref<512xf32, #tpu.memory_space<vmem>>, vector<16xf32>,
    %gt3A_1751 = arith.constant 5.000000e-01 : f32
    %gt3A_1752 = vector.broadcast %gt3A_1751 : f32 to vector<16xf32>
    %gt3A_1753 = arith.cmpf ogt, %get3A_1750, %gt3A_1752 : vector<16xf32>
    %gt3A_1754 = arith.constant 5.000000e-01 : f32
    %gt3A_1755 = vector.broadcast %gt3A_1754 : f32 to vector<16xf32>
    %gt3A_1756 = arith.cmpf ogt, %get3A_1748, %gt3A_1755 : vector<16xf32>
    %not3A_1757 = arith.constant dense<true> : vector<16xi1>
    %not3A_1758 = arith.xori %gt3A_1753, %not3A_1757 : vector<16xi1>
    %and3A_1759 = arith.andi %gt3A_1756, %not3A_1758 : vector<16xi1>
    %convert_element_type3A_1760 = arith.extui %and3A_1759 : vector<16xi1> to vector<16xi32>
    %convert_element_type3A_1761 = arith.extui %gt3A_1753 : vector<16xi1> to vector<16xi32>
    %broadcast_in_dim3A_1762 = arith.constant true
    %broadcast_in_dim3A_1763 = vector.broadcast %broadcast_in_dim3A_1762 : i1 to vector<16xi1>
    %masked_cumsum3A_1764 = tpu.scan <sum>, %convert_element_type3A_1760 masked %broadcast_in_dim3A_1763 : vector<16xi32>, vector<16xi1> -> vector<16xi32>
    %sub3A_1765 = arith.subi %masked_cumsum3A_1764, %convert_element_type3A_1760 : vector<16xi32>
    %broadcast_in_dim3A_1766 = arith.constant true
    %broadcast_in_dim3A_1767 = vector.broadcast %broadcast_in_dim3A_1766 : i1 to vector<16xi1>
    %masked_cumsum3A_1768 = tpu.scan <sum>, %convert_element_type3A_1761 masked %broadcast_in_dim3A_1767 : vector<16xi32>, vector<16xi1> -> vector<16xi32>
    %sub3A_1769 = arith.subi %masked_cumsum3A_1768, %convert_element_type3A_1761 : vector<16xi32>
    %sub3A_1770 = arith.subi %iota3A_1640, %sub3A_1765 : vector<16xi32>
    %sub3A_1771 = arith.subi %sub3A_1770, %sub3A_1769 : vector<16xi32>
    %add3A_1772 = vector.broadcast %add3A_1741 : i32 to vector<16xi32>
    %add3A_1773 = arith.addi %add3A_1772, %sub3A_1765 : vector<16xi32>
    %add3A_1774 = vector.broadcast %add3A_1742 : i32 to vector<16xi32>
    %add3A_1775 = arith.addi %add3A_1774, %sub3A_1769 : vector<16xi32>
    %add3A_1776 = vector.broadcast %add3A_1746 : i32 to vector<16xi32>
    %add3A_1777 = arith.addi %add3A_1776, %sub3A_1771 : vector<16xi32>
    %select_n3A_1778 = arith.select %gt3A_1753, %add3A_1775, %add3A_1777 : vector<16xi1>, vector<16xi32>
    %select_n3A_1779 = arith.select %and3A_1759, %add3A_1773, %select_n3A_1778 : vector<16xi1>, vector<16xi32>
    %swap3A_1780 = arith.constant 32 : index
    %swap3A_1781 = tpu.vector_load %arg7[%swap3A_1780] {strides = array<i32>} : memref<256xi32, #tpu.memory_space<vmem>>, vector<16xi32>,
    tpu.vector_store %arg7[%swap3A_1780], %select_n3A_1779 {strides = array<i32>} : memref<256xi32, #tpu.memory_space<vmem>>, vector<16xi32>,
    %add3A_1782 = arith.constant 32 : i32
    %add3A_1783 = vector.broadcast %add3A_1782 : i32 to vector<16xi32>
    %add3A_1784 = arith.addi %iota3A_1640, %add3A_1783 : vector<16xi32>
    tpu.vector_store_idx %arg6[%select_n3A_1779], %add3A_1784 : memref<256xi32, #tpu.memory_space<vmem>>[vector<16xi32>], vector<16xi32>,
    %reduce_sum3A_1785 = arith.constant true
    %reduce_sum3A_1786 = vector.broadcast %reduce_sum3A_1785 : i1 to vector<16xi1>
    %reduce_sum3A_1787 = tpu.scan <sum>, %convert_element_type3A_1760 masked %reduce_sum3A_1786 : vector<16xi32>, vector<16xi1> -> vector<16xi32>
    %reduce_sum3A_1788 = vector.extract %reduce_sum3A_1787[15] : i32 from vector<16xi32>
    %reduce_sum3A_1789 = arith.constant true
    %reduce_sum3A_1790 = vector.broadcast %reduce_sum3A_1789 : i1 to vector<16xi1>
    %reduce_sum3A_1791 = tpu.scan <sum>, %convert_element_type3A_1761 masked %reduce_sum3A_1790 : vector<16xi32>, vector<16xi1> -> vector<16xi32>
    %reduce_sum3A_1792 = vector.extract %reduce_sum3A_1791[15] : i32 from vector<16xi32>
    %add3A_1793 = arith.addi %add3A_1741, %reduce_sum3A_1788 : i32
    %add3A_1794 = arith.addi %add3A_1742, %reduce_sum3A_1792 : i32
    %sub3A_1795 = arith.constant 16 : i32
    %sub3A_1796 = arith.subi %sub3A_1795, %reduce_sum3A_1788 : i32
    %sub3A_1797 = arith.subi %sub3A_1796, %reduce_sum3A_1792 : i32
    %add3A_1798 = arith.addi %add3A_1746, %sub3A_1797 : i32
    %get3A_1799 = arith.constant 48 : index
    %get3A_1800 = tpu.vector_load %arg5[%get3A_1799] {strides = array<i32>} : memref<512xf32, #tpu.memory_space<vmem>>, vector<16xf32>,
    %get3A_1801 = arith.constant 304 : index
    %get3A_1802 = tpu.vector_load %arg5[%get3A_1801] {strides = array<i32>} : memref<512xf32, #tpu.memory_space<vmem>>, vector<16xf32>,
    %gt3A_1803 = arith.constant 5.000000e-01 : f32
    %gt3A_1804 = vector.broadcast %gt3A_1803 : f32 to vector<16xf32>
    %gt3A_1805 = arith.cmpf ogt, %get3A_1802, %gt3A_1804 : vector<16xf32>
    %gt3A_1806 = arith.constant 5.000000e-01 : f32
    %gt3A_1807 = vector.broadcast %gt3A_1806 : f32 to vector<16xf32>
    %gt3A_1808 = arith.cmpf ogt, %get3A_1800, %gt3A_1807 : vector<16xf32>
    %not3A_1809 = arith.constant dense<true> : vector<16xi1>
    %not3A_1810 = arith.xori %gt3A_1805, %not3A_1809 : vector<16xi1>
    %and3A_1811 = arith.andi %gt3A_1808, %not3A_1810 : vector<16xi1>
    %convert_element_type3A_1812 = arith.extui %and3A_1811 : vector<16xi1> to vector<16xi32>
    %convert_element_type3A_1813 = arith.extui %gt3A_1805 : vector<16xi1> to vector<16xi32>
    %broadcast_in_dim3A_1814 = arith.constant true
    %broadcast_in_dim3A_1815 = vector.broadcast %broadcast_in_dim3A_1814 : i1 to vector<16xi1>
    %masked_cumsum3A_1816 = tpu.scan <sum>, %convert_element_type3A_1812 masked %broadcast_in_dim3A_1815 : vector<16xi32>, vector<16xi1> -> vector<16xi32>
    %sub3A_1817 = arith.subi %masked_cumsum3A_1816, %convert_element_type3A_1812 : vector<16xi32>
    %broadcast_in_dim3A_1818 = arith.constant true
    %broadcast_in_dim3A_1819 = vector.broadcast %broadcast_in_dim3A_1818 : i1 to vector<16xi1>
    %masked_cumsum3A_1820 = tpu.scan <sum>, %convert_element_type3A_1813 masked %broadcast_in_dim3A_1819 : vector<16xi32>, vector<16xi1> -> vector<16xi32>
    %sub3A_1821 = arith.subi %masked_cumsum3A_1820, %convert_element_type3A_1813 : vector<16xi32>
    %sub3A_1822 = arith.subi %iota3A_1640, %sub3A_1817 : vector<16xi32>
    %sub3A_1823 = arith.subi %sub3A_1822, %sub3A_1821 : vector<16xi32>
    %add3A_1824 = vector.broadcast %add3A_1793 : i32 to vector<16xi32>
    %add3A_1825 = arith.addi %add3A_1824, %sub3A_1817 : vector<16xi32>
    %add3A_1826 = vector.broadcast %add3A_1794 : i32 to vector<16xi32>
    %add3A_1827 = arith.addi %add3A_1826, %sub3A_1821 : vector<16xi32>
    %add3A_1828 = vector.broadcast %add3A_1798 : i32 to vector<16xi32>
    %add3A_1829 = arith.addi %add3A_1828, %sub3A_1823 : vector<16xi32>
    %select_n3A_1830 = arith.select %gt3A_1805, %add3A_1827, %add3A_1829 : vector<16xi1>, vector<16xi32>
    %select_n3A_1831 = arith.select %and3A_1811, %add3A_1825, %select_n3A_1830 : vector<16xi1>, vector<16xi32>
    %swap3A_1832 = arith.constant 48 : index
    %swap3A_1833 = tpu.vector_load %arg7[%swap3A_1832] {strides = array<i32>} : memref<256xi32, #tpu.memory_space<vmem>>, vector<16xi32>,
    tpu.vector_store %arg7[%swap3A_1832], %select_n3A_1831 {strides = array<i32>} : memref<256xi32, #tpu.memory_space<vmem>>, vector<16xi32>,
    %add3A_1834 = arith.constant 48 : i32
    %add3A_1835 = vector.broadcast %add3A_1834 : i32 to vector<16xi32>
    %add3A_1836 = arith.addi %iota3A_1640, %add3A_1835 : vector<16xi32>
    tpu.vector_store_idx %arg6[%select_n3A_1831], %add3A_1836 : memref<256xi32, #tpu.memory_space<vmem>>[vector<16xi32>], vector<16xi32>,
    %reduce_sum3A_1837 = arith.constant true
    %reduce_sum3A_1838 = vector.broadcast %reduce_sum3A_1837 : i1 to vector<16xi1>
    %reduce_sum3A_1839 = tpu.scan <sum>, %convert_element_type3A_1812 masked %reduce_sum3A_1838 : vector<16xi32>, vector<16xi1> -> vector<16xi32>
    %reduce_sum3A_1840 = vector.extract %reduce_sum3A_1839[15] : i32 from vector<16xi32>
    %reduce_sum3A_1841 = arith.constant true
    %reduce_sum3A_1842 = vector.broadcast %reduce_sum3A_1841 : i1 to vector<16xi1>
    %reduce_sum3A_1843 = tpu.scan <sum>, %convert_element_type3A_1813 masked %reduce_sum3A_1842 : vector<16xi32>, vector<16xi1> -> vector<16xi32>
    %reduce_sum3A_1844 = vector.extract %reduce_sum3A_1843[15] : i32 from vector<16xi32>
    %add3A_1845 = arith.addi %add3A_1793, %reduce_sum3A_1840 : i32
    %add3A_1846 = arith.addi %add3A_1794, %reduce_sum3A_1844 : i32
    %sub3A_1847 = arith.constant 16 : i32
    %sub3A_1848 = arith.subi %sub3A_1847, %reduce_sum3A_1840 : i32
    %sub3A_1849 = arith.subi %sub3A_1848, %reduce_sum3A_1844 : i32
    %add3A_1850 = arith.addi %add3A_1798, %sub3A_1849 : i32
    %get3A_1851 = arith.constant 64 : index
    %get3A_1852 = tpu.vector_load %arg5[%get3A_1851] {strides = array<i32>} : memref<512xf32, #tpu.memory_space<vmem>>, vector<16xf32>,
    %get3A_1853 = arith.constant 320 : index
    %get3A_1854 = tpu.vector_load %arg5[%get3A_1853] {strides = array<i32>} : memref<512xf32, #tpu.memory_space<vmem>>, vector<16xf32>,
    %gt3A_1855 = arith.constant 5.000000e-01 : f32
    %gt3A_1856 = vector.broadcast %gt3A_1855 : f32 to vector<16xf32>
    %gt3A_1857 = arith.cmpf ogt, %get3A_1854, %gt3A_1856 : vector<16xf32>
    %gt3A_1858 = arith.constant 5.000000e-01 : f32
    %gt3A_1859 = vector.broadcast %gt3A_1858 : f32 to vector<16xf32>
    %gt3A_1860 = arith.cmpf ogt, %get3A_1852, %gt3A_1859 : vector<16xf32>
    %not3A_1861 = arith.constant dense<true> : vector<16xi1>
    %not3A_1862 = arith.xori %gt3A_1857, %not3A_1861 : vector<16xi1>
    %and3A_1863 = arith.andi %gt3A_1860, %not3A_1862 : vector<16xi1>
    %convert_element_type3A_1864 = arith.extui %and3A_1863 : vector<16xi1> to vector<16xi32>
    %convert_element_type3A_1865 = arith.extui %gt3A_1857 : vector<16xi1> to vector<16xi32>
    %broadcast_in_dim3A_1866 = arith.constant true
    %broadcast_in_dim3A_1867 = vector.broadcast %broadcast_in_dim3A_1866 : i1 to vector<16xi1>
    %masked_cumsum3A_1868 = tpu.scan <sum>, %convert_element_type3A_1864 masked %broadcast_in_dim3A_1867 : vector<16xi32>, vector<16xi1> -> vector<16xi32>
    %sub3A_1869 = arith.subi %masked_cumsum3A_1868, %convert_element_type3A_1864 : vector<16xi32>
    %broadcast_in_dim3A_1870 = arith.constant true
    %broadcast_in_dim3A_1871 = vector.broadcast %broadcast_in_dim3A_1870 : i1 to vector<16xi1>
    %masked_cumsum3A_1872 = tpu.scan <sum>, %convert_element_type3A_1865 masked %broadcast_in_dim3A_1871 : vector<16xi32>, vector<16xi1> -> vector<16xi32>
    %sub3A_1873 = arith.subi %masked_cumsum3A_1872, %convert_element_type3A_1865 : vector<16xi32>
    %sub3A_1874 = arith.subi %iota3A_1640, %sub3A_1869 : vector<16xi32>
    %sub3A_1875 = arith.subi %sub3A_1874, %sub3A_1873 : vector<16xi32>
    %add3A_1876 = vector.broadcast %add3A_1845 : i32 to vector<16xi32>
    %add3A_1877 = arith.addi %add3A_1876, %sub3A_1869 : vector<16xi32>
    %add3A_1878 = vector.broadcast %add3A_1846 : i32 to vector<16xi32>
    %add3A_1879 = arith.addi %add3A_1878, %sub3A_1873 : vector<16xi32>
    %add3A_1880 = vector.broadcast %add3A_1850 : i32 to vector<16xi32>
    %add3A_1881 = arith.addi %add3A_1880, %sub3A_1875 : vector<16xi32>
    %select_n3A_1882 = arith.select %gt3A_1857, %add3A_1879, %add3A_1881 : vector<16xi1>, vector<16xi32>
    %select_n3A_1883 = arith.select %and3A_1863, %add3A_1877, %select_n3A_1882 : vector<16xi1>, vector<16xi32>
    %swap3A_1884 = arith.constant 64 : index
    %swap3A_1885 = tpu.vector_load %arg7[%swap3A_1884] {strides = array<i32>} : memref<256xi32, #tpu.memory_space<vmem>>, vector<16xi32>,
    tpu.vector_store %arg7[%swap3A_1884], %select_n3A_1883 {strides = array<i32>} : memref<256xi32, #tpu.memory_space<vmem>>, vector<16xi32>,
    %add3A_1886 = arith.constant 64 : i32
    %add3A_1887 = vector.broadcast %add3A_1886 : i32 to vector<16xi32>
    %add3A_1888 = arith.addi %iota3A_1640, %add3A_1887 : vector<16xi32>
    tpu.vector_store_idx %arg6[%select_n3A_1883], %add3A_1888 : memref<256xi32, #tpu.memory_space<vmem>>[vector<16xi32>], vector<16xi32>,
    %reduce_sum3A_1889 = arith.constant true
    %reduce_sum3A_1890 = vector.broadcast %reduce_sum3A_1889 : i1 to vector<16xi1>
    %reduce_sum3A_1891 = tpu.scan <sum>, %convert_element_type3A_1864 masked %reduce_sum3A_1890 : vector<16xi32>, vector<16xi1> -> vector<16xi32>
    %reduce_sum3A_1892 = vector.extract %reduce_sum3A_1891[15] : i32 from vector<16xi32>
    %reduce_sum3A_1893 = arith.constant true
    %reduce_sum3A_1894 = vector.broadcast %reduce_sum3A_1893 : i1 to vector<16xi1>
    %reduce_sum3A_1895 = tpu.scan <sum>, %convert_element_type3A_1865 masked %reduce_sum3A_1894 : vector<16xi32>, vector<16xi1> -> vector<16xi32>
    %reduce_sum3A_1896 = vector.extract %reduce_sum3A_1895[15] : i32 from vector<16xi32>
    %add3A_1897 = arith.addi %add3A_1845, %reduce_sum3A_1892 : i32
    %add3A_1898 = arith.addi %add3A_1846, %reduce_sum3A_1896 : i32
    %sub3A_1899 = arith.constant 16 : i32
    %sub3A_1900 = arith.subi %sub3A_1899, %reduce_sum3A_1892 : i32
    %sub3A_1901 = arith.subi %sub3A_1900, %reduce_sum3A_1896 : i32
    %add3A_1902 = arith.addi %add3A_1850, %sub3A_1901 : i32
    %get3A_1903 = arith.constant 80 : index
    %get3A_1904 = tpu.vector_load %arg5[%get3A_1903] {strides = array<i32>} : memref<512xf32, #tpu.memory_space<vmem>>, vector<16xf32>,
    %get3A_1905 = arith.constant 336 : index
    %get3A_1906 = tpu.vector_load %arg5[%get3A_1905] {strides = array<i32>} : memref<512xf32, #tpu.memory_space<vmem>>, vector<16xf32>,
    %gt3A_1907 = arith.constant 5.000000e-01 : f32
    %gt3A_1908 = vector.broadcast %gt3A_1907 : f32 to vector<16xf32>
    %gt3A_1909 = arith.cmpf ogt, %get3A_1906, %gt3A_1908 : vector<16xf32>
    %gt3A_1910 = arith.constant 5.000000e-01 : f32
    %gt3A_1911 = vector.broadcast %gt3A_1910 : f32 to vector<16xf32>
    %gt3A_1912 = arith.cmpf ogt, %get3A_1904, %gt3A_1911 : vector<16xf32>
    %not3A_1913 = arith.constant dense<true> : vector<16xi1>
    %not3A_1914 = arith.xori %gt3A_1909, %not3A_1913 : vector<16xi1>
    %and3A_1915 = arith.andi %gt3A_1912, %not3A_1914 : vector<16xi1>
    %convert_element_type3A_1916 = arith.extui %and3A_1915 : vector<16xi1> to vector<16xi32>
    %convert_element_type3A_1917 = arith.extui %gt3A_1909 : vector<16xi1> to vector<16xi32>
    %broadcast_in_dim3A_1918 = arith.constant true
    %broadcast_in_dim3A_1919 = vector.broadcast %broadcast_in_dim3A_1918 : i1 to vector<16xi1>
    %masked_cumsum3A_1920 = tpu.scan <sum>, %convert_element_type3A_1916 masked %broadcast_in_dim3A_1919 : vector<16xi32>, vector<16xi1> -> vector<16xi32>
    %sub3A_1921 = arith.subi %masked_cumsum3A_1920, %convert_element_type3A_1916 : vector<16xi32>
    %broadcast_in_dim3A_1922 = arith.constant true
    %broadcast_in_dim3A_1923 = vector.broadcast %broadcast_in_dim3A_1922 : i1 to vector<16xi1>
    %masked_cumsum3A_1924 = tpu.scan <sum>, %convert_element_type3A_1917 masked %broadcast_in_dim3A_1923 : vector<16xi32>, vector<16xi1> -> vector<16xi32>
    %sub3A_1925 = arith.subi %masked_cumsum3A_1924, %convert_element_type3A_1917 : vector<16xi32>
    %sub3A_1926 = arith.subi %iota3A_1640, %sub3A_1921 : vector<16xi32>
    %sub3A_1927 = arith.subi %sub3A_1926, %sub3A_1925 : vector<16xi32>
    %add3A_1928 = vector.broadcast %add3A_1897 : i32 to vector<16xi32>
    %add3A_1929 = arith.addi %add3A_1928, %sub3A_1921 : vector<16xi32>
    %add3A_1930 = vector.broadcast %add3A_1898 : i32 to vector<16xi32>
    %add3A_1931 = arith.addi %add3A_1930, %sub3A_1925 : vector<16xi32>
    %add3A_1932 = vector.broadcast %add3A_1902 : i32 to vector<16xi32>
    %add3A_1933 = arith.addi %add3A_1932, %sub3A_1927 : vector<16xi32>
    %select_n3A_1934 = arith.select %gt3A_1909, %add3A_1931, %add3A_1933 : vector<16xi1>, vector<16xi32>
    %select_n3A_1935 = arith.select %and3A_1915, %add3A_1929, %select_n3A_1934 : vector<16xi1>, vector<16xi32>
    %swap3A_1936 = arith.constant 80 : index
    %swap3A_1937 = tpu.vector_load %arg7[%swap3A_1936] {strides = array<i32>} : memref<256xi32, #tpu.memory_space<vmem>>, vector<16xi32>,
    tpu.vector_store %arg7[%swap3A_1936], %select_n3A_1935 {strides = array<i32>} : memref<256xi32, #tpu.memory_space<vmem>>, vector<16xi32>,
    %add3A_1938 = arith.constant 80 : i32
    %add3A_1939 = vector.broadcast %add3A_1938 : i32 to vector<16xi32>
    %add3A_1940 = arith.addi %iota3A_1640, %add3A_1939 : vector<16xi32>
    tpu.vector_store_idx %arg6[%select_n3A_1935], %add3A_1940 : memref<256xi32, #tpu.memory_space<vmem>>[vector<16xi32>], vector<16xi32>,
    %reduce_sum3A_1941 = arith.constant true
    %reduce_sum3A_1942 = vector.broadcast %reduce_sum3A_1941 : i1 to vector<16xi1>
    %reduce_sum3A_1943 = tpu.scan <sum>, %convert_element_type3A_1916 masked %reduce_sum3A_1942 : vector<16xi32>, vector<16xi1> -> vector<16xi32>
    %reduce_sum3A_1944 = vector.extract %reduce_sum3A_1943[15] : i32 from vector<16xi32>
    %reduce_sum3A_1945 = arith.constant true
    %reduce_sum3A_1946 = vector.broadcast %reduce_sum3A_1945 : i1 to vector<16xi1>
    %reduce_sum3A_1947 = tpu.scan <sum>, %convert_element_type3A_1917 masked %reduce_sum3A_1946 : vector<16xi32>, vector<16xi1> -> vector<16xi32>
    %reduce_sum3A_1948 = vector.extract %reduce_sum3A_1947[15] : i32 from vector<16xi32>
    %add3A_1949 = arith.addi %add3A_1897, %reduce_sum3A_1944 : i32
    %add3A_1950 = arith.addi %add3A_1898, %reduce_sum3A_1948 : i32
    %sub3A_1951 = arith.constant 16 : i32
    %sub3A_1952 = arith.subi %sub3A_1951, %reduce_sum3A_1944 : i32
    %sub3A_1953 = arith.subi %sub3A_1952, %reduce_sum3A_1948 : i32
    %add3A_1954 = arith.addi %add3A_1902, %sub3A_1953 : i32
    %get3A_1955 = arith.constant 96 : index
    %get3A_1956 = tpu.vector_load %arg5[%get3A_1955] {strides = array<i32>} : memref<512xf32, #tpu.memory_space<vmem>>, vector<16xf32>,
    %get3A_1957 = arith.constant 352 : index
    %get3A_1958 = tpu.vector_load %arg5[%get3A_1957] {strides = array<i32>} : memref<512xf32, #tpu.memory_space<vmem>>, vector<16xf32>,
    %gt3A_1959 = arith.constant 5.000000e-01 : f32
    %gt3A_1960 = vector.broadcast %gt3A_1959 : f32 to vector<16xf32>
    %gt3A_1961 = arith.cmpf ogt, %get3A_1958, %gt3A_1960 : vector<16xf32>
    %gt3A_1962 = arith.constant 5.000000e-01 : f32
    %gt3A_1963 = vector.broadcast %gt3A_1962 : f32 to vector<16xf32>
    %gt3A_1964 = arith.cmpf ogt, %get3A_1956, %gt3A_1963 : vector<16xf32>
    %not3A_1965 = arith.constant dense<true> : vector<16xi1>
    %not3A_1966 = arith.xori %gt3A_1961, %not3A_1965 : vector<16xi1>
    %and3A_1967 = arith.andi %gt3A_1964, %not3A_1966 : vector<16xi1>
    %convert_element_type3A_1968 = arith.extui %and3A_1967 : vector<16xi1> to vector<16xi32>
    %convert_element_type3A_1969 = arith.extui %gt3A_1961 : vector<16xi1> to vector<16xi32>
    %broadcast_in_dim3A_1970 = arith.constant true
    %broadcast_in_dim3A_1971 = vector.broadcast %broadcast_in_dim3A_1970 : i1 to vector<16xi1>
    %masked_cumsum3A_1972 = tpu.scan <sum>, %convert_element_type3A_1968 masked %broadcast_in_dim3A_1971 : vector<16xi32>, vector<16xi1> -> vector<16xi32>
    %sub3A_1973 = arith.subi %masked_cumsum3A_1972, %convert_element_type3A_1968 : vector<16xi32>
    %broadcast_in_dim3A_1974 = arith.constant true
    %broadcast_in_dim3A_1975 = vector.broadcast %broadcast_in_dim3A_1974 : i1 to vector<16xi1>
    %masked_cumsum3A_1976 = tpu.scan <sum>, %convert_element_type3A_1969 masked %broadcast_in_dim3A_1975 : vector<16xi32>, vector<16xi1> -> vector<16xi32>
    %sub3A_1977 = arith.subi %masked_cumsum3A_1976, %convert_element_type3A_1969 : vector<16xi32>
    %sub3A_1978 = arith.subi %iota3A_1640, %sub3A_1973 : vector<16xi32>
    %sub3A_1979 = arith.subi %sub3A_1978, %sub3A_1977 : vector<16xi32>
    %add3A_1980 = vector.broadcast %add3A_1949 : i32 to vector<16xi32>
    %add3A_1981 = arith.addi %add3A_1980, %sub3A_1973 : vector<16xi32>
    %add3A_1982 = vector.broadcast %add3A_1950 : i32 to vector<16xi32>
    %add3A_1983 = arith.addi %add3A_1982, %sub3A_1977 : vector<16xi32>
    %add3A_1984 = vector.broadcast %add3A_1954 : i32 to vector<16xi32>
    %add3A_1985 = arith.addi %add3A_1984, %sub3A_1979 : vector<16xi32>
    %select_n3A_1986 = arith.select %gt3A_1961, %add3A_1983, %add3A_1985 : vector<16xi1>, vector<16xi32>
    %select_n3A_1987 = arith.select %and3A_1967, %add3A_1981, %select_n3A_1986 : vector<16xi1>, vector<16xi32>
    %swap3A_1988 = arith.constant 96 : index
    %swap3A_1989 = tpu.vector_load %arg7[%swap3A_1988] {strides = array<i32>} : memref<256xi32, #tpu.memory_space<vmem>>, vector<16xi32>,
    tpu.vector_store %arg7[%swap3A_1988], %select_n3A_1987 {strides = array<i32>} : memref<256xi32, #tpu.memory_space<vmem>>, vector<16xi32>,
    %add3A_1990 = arith.constant 96 : i32
    %add3A_1991 = vector.broadcast %add3A_1990 : i32 to vector<16xi32>
    %add3A_1992 = arith.addi %iota3A_1640, %add3A_1991 : vector<16xi32>
    tpu.vector_store_idx %arg6[%select_n3A_1987], %add3A_1992 : memref<256xi32, #tpu.memory_space<vmem>>[vector<16xi32>], vector<16xi32>,
    %reduce_sum3A_1993 = arith.constant true
    %reduce_sum3A_1994 = vector.broadcast %reduce_sum3A_1993 : i1 to vector<16xi1>
    %reduce_sum3A_1995 = tpu.scan <sum>, %convert_element_type3A_1968 masked %reduce_sum3A_1994 : vector<16xi32>, vector<16xi1> -> vector<16xi32>
    %reduce_sum3A_1996 = vector.extract %reduce_sum3A_1995[15] : i32 from vector<16xi32>
    %reduce_sum3A_1997 = arith.constant true
    %reduce_sum3A_1998 = vector.broadcast %reduce_sum3A_1997 : i1 to vector<16xi1>
    %reduce_sum3A_1999 = tpu.scan <sum>, %convert_element_type3A_1969 masked %reduce_sum3A_1998 : vector<16xi32>, vector<16xi1> -> vector<16xi32>
    %reduce_sum3A_2000 = vector.extract %reduce_sum3A_1999[15] : i32 from vector<16xi32>
    %add3A_2001 = arith.addi %add3A_1949, %reduce_sum3A_1996 : i32
    %add3A_2002 = arith.addi %add3A_1950, %reduce_sum3A_2000 : i32
    %sub3A_2003 = arith.constant 16 : i32
    %sub3A_2004 = arith.subi %sub3A_2003, %reduce_sum3A_1996 : i32
    %sub3A_2005 = arith.subi %sub3A_2004, %reduce_sum3A_2000 : i32
    %add3A_2006 = arith.addi %add3A_1954, %sub3A_2005 : i32
    %get3A_2007 = arith.constant 112 : index
    %get3A_2008 = tpu.vector_load %arg5[%get3A_2007] {strides = array<i32>} : memref<512xf32, #tpu.memory_space<vmem>>, vector<16xf32>,
    %get3A_2009 = arith.constant 368 : index
    %get3A_2010 = tpu.vector_load %arg5[%get3A_2009] {strides = array<i32>} : memref<512xf32, #tpu.memory_space<vmem>>, vector<16xf32>,
    %gt3A_2011 = arith.constant 5.000000e-01 : f32
    %gt3A_2012 = vector.broadcast %gt3A_2011 : f32 to vector<16xf32>
    %gt3A_2013 = arith.cmpf ogt, %get3A_2010, %gt3A_2012 : vector<16xf32>
    %gt3A_2014 = arith.constant 5.000000e-01 : f32
    %gt3A_2015 = vector.broadcast %gt3A_2014 : f32 to vector<16xf32>
    %gt3A_2016 = arith.cmpf ogt, %get3A_2008, %gt3A_2015 : vector<16xf32>
    %not3A_2017 = arith.constant dense<true> : vector<16xi1>
    %not3A_2018 = arith.xori %gt3A_2013, %not3A_2017 : vector<16xi1>
    %and3A_2019 = arith.andi %gt3A_2016, %not3A_2018 : vector<16xi1>
    %convert_element_type3A_2020 = arith.extui %and3A_2019 : vector<16xi1> to vector<16xi32>
    %convert_element_type3A_2021 = arith.extui %gt3A_2013 : vector<16xi1> to vector<16xi32>
    %broadcast_in_dim3A_2022 = arith.constant true
    %broadcast_in_dim3A_2023 = vector.broadcast %broadcast_in_dim3A_2022 : i1 to vector<16xi1>
    %masked_cumsum3A_2024 = tpu.scan <sum>, %convert_element_type3A_2020 masked %broadcast_in_dim3A_2023 : vector<16xi32>, vector<16xi1> -> vector<16xi32>
    %sub3A_2025 = arith.subi %masked_cumsum3A_2024, %convert_element_type3A_2020 : vector<16xi32>
    %broadcast_in_dim3A_2026 = arith.constant true
    %broadcast_in_dim3A_2027 = vector.broadcast %broadcast_in_dim3A_2026 : i1 to vector<16xi1>
    %masked_cumsum3A_2028 = tpu.scan <sum>, %convert_element_type3A_2021 masked %broadcast_in_dim3A_2027 : vector<16xi32>, vector<16xi1> -> vector<16xi32>
    %sub3A_2029 = arith.subi %masked_cumsum3A_2028, %convert_element_type3A_2021 : vector<16xi32>
    %sub3A_2030 = arith.subi %iota3A_1640, %sub3A_2025 : vector<16xi32>
    %sub3A_2031 = arith.subi %sub3A_2030, %sub3A_2029 : vector<16xi32>
    %add3A_2032 = vector.broadcast %add3A_2001 : i32 to vector<16xi32>
    %add3A_2033 = arith.addi %add3A_2032, %sub3A_2025 : vector<16xi32>
    %add3A_2034 = vector.broadcast %add3A_2002 : i32 to vector<16xi32>
    %add3A_2035 = arith.addi %add3A_2034, %sub3A_2029 : vector<16xi32>
    %add3A_2036 = vector.broadcast %add3A_2006 : i32 to vector<16xi32>
    %add3A_2037 = arith.addi %add3A_2036, %sub3A_2031 : vector<16xi32>
    %select_n3A_2038 = arith.select %gt3A_2013, %add3A_2035, %add3A_2037 : vector<16xi1>, vector<16xi32>
    %select_n3A_2039 = arith.select %and3A_2019, %add3A_2033, %select_n3A_2038 : vector<16xi1>, vector<16xi32>
    %swap3A_2040 = arith.constant 112 : index
    %swap3A_2041 = tpu.vector_load %arg7[%swap3A_2040] {strides = array<i32>} : memref<256xi32, #tpu.memory_space<vmem>>, vector<16xi32>,
    tpu.vector_store %arg7[%swap3A_2040], %select_n3A_2039 {strides = array<i32>} : memref<256xi32, #tpu.memory_space<vmem>>, vector<16xi32>,
    %add3A_2042 = arith.constant 112 : i32
    %add3A_2043 = vector.broadcast %add3A_2042 : i32 to vector<16xi32>
    %add3A_2044 = arith.addi %iota3A_1640, %add3A_2043 : vector<16xi32>
    tpu.vector_store_idx %arg6[%select_n3A_2039], %add3A_2044 : memref<256xi32, #tpu.memory_space<vmem>>[vector<16xi32>], vector<16xi32>,
    %reduce_sum3A_2045 = arith.constant true
    %reduce_sum3A_2046 = vector.broadcast %reduce_sum3A_2045 : i1 to vector<16xi1>
    %reduce_sum3A_2047 = tpu.scan <sum>, %convert_element_type3A_2020 masked %reduce_sum3A_2046 : vector<16xi32>, vector<16xi1> -> vector<16xi32>
    %reduce_sum3A_2048 = vector.extract %reduce_sum3A_2047[15] : i32 from vector<16xi32>
    %reduce_sum3A_2049 = arith.constant true
    %reduce_sum3A_2050 = vector.broadcast %reduce_sum3A_2049 : i1 to vector<16xi1>
    %reduce_sum3A_2051 = tpu.scan <sum>, %convert_element_type3A_2021 masked %reduce_sum3A_2050 : vector<16xi32>, vector<16xi1> -> vector<16xi32>
    %reduce_sum3A_2052 = vector.extract %reduce_sum3A_2051[15] : i32 from vector<16xi32>
    %add3A_2053 = arith.addi %add3A_2001, %reduce_sum3A_2048 : i32
    %add3A_2054 = arith.addi %add3A_2002, %reduce_sum3A_2052 : i32
    %sub3A_2055 = arith.constant 16 : i32
    %sub3A_2056 = arith.subi %sub3A_2055, %reduce_sum3A_2048 : i32
    %sub3A_2057 = arith.subi %sub3A_2056, %reduce_sum3A_2052 : i32
    %add3A_2058 = arith.addi %add3A_2006, %sub3A_2057 : i32
    %get3A_2059 = arith.constant 128 : index
    %get3A_2060 = tpu.vector_load %arg5[%get3A_2059] {strides = array<i32>} : memref<512xf32, #tpu.memory_space<vmem>>, vector<16xf32>,
    %get3A_2061 = arith.constant 384 : index
    %get3A_2062 = tpu.vector_load %arg5[%get3A_2061] {strides = array<i32>} : memref<512xf32, #tpu.memory_space<vmem>>, vector<16xf32>,
    %gt3A_2063 = arith.constant 5.000000e-01 : f32
    %gt3A_2064 = vector.broadcast %gt3A_2063 : f32 to vector<16xf32>
    %gt3A_2065 = arith.cmpf ogt, %get3A_2062, %gt3A_2064 : vector<16xf32>
    %gt3A_2066 = arith.constant 5.000000e-01 : f32
    %gt3A_2067 = vector.broadcast %gt3A_2066 : f32 to vector<16xf32>
    %gt3A_2068 = arith.cmpf ogt, %get3A_2060, %gt3A_2067 : vector<16xf32>
    %not3A_2069 = arith.constant dense<true> : vector<16xi1>
    %not3A_2070 = arith.xori %gt3A_2065, %not3A_2069 : vector<16xi1>
    %and3A_2071 = arith.andi %gt3A_2068, %not3A_2070 : vector<16xi1>
    %convert_element_type3A_2072 = arith.extui %and3A_2071 : vector<16xi1> to vector<16xi32>
    %convert_element_type3A_2073 = arith.extui %gt3A_2065 : vector<16xi1> to vector<16xi32>
    %broadcast_in_dim3A_2074 = arith.constant true
    %broadcast_in_dim3A_2075 = vector.broadcast %broadcast_in_dim3A_2074 : i1 to vector<16xi1>
    %masked_cumsum3A_2076 = tpu.scan <sum>, %convert_element_type3A_2072 masked %broadcast_in_dim3A_2075 : vector<16xi32>, vector<16xi1> -> vector<16xi32>
    %sub3A_2077 = arith.subi %masked_cumsum3A_2076, %convert_element_type3A_2072 : vector<16xi32>
    %broadcast_in_dim3A_2078 = arith.constant true
    %broadcast_in_dim3A_2079 = vector.broadcast %broadcast_in_dim3A_2078 : i1 to vector<16xi1>
    %masked_cumsum3A_2080 = tpu.scan <sum>, %convert_element_type3A_2073 masked %broadcast_in_dim3A_2079 : vector<16xi32>, vector<16xi1> -> vector<16xi32>
    %sub3A_2081 = arith.subi %masked_cumsum3A_2080, %convert_element_type3A_2073 : vector<16xi32>
    %sub3A_2082 = arith.subi %iota3A_1640, %sub3A_2077 : vector<16xi32>
    %sub3A_2083 = arith.subi %sub3A_2082, %sub3A_2081 : vector<16xi32>
    %add3A_2084 = vector.broadcast %add3A_2053 : i32 to vector<16xi32>
    %add3A_2085 = arith.addi %add3A_2084, %sub3A_2077 : vector<16xi32>
    %add3A_2086 = vector.broadcast %add3A_2054 : i32 to vector<16xi32>
    %add3A_2087 = arith.addi %add3A_2086, %sub3A_2081 : vector<16xi32>
    %add3A_2088 = vector.broadcast %add3A_2058 : i32 to vector<16xi32>
    %add3A_2089 = arith.addi %add3A_2088, %sub3A_2083 : vector<16xi32>
    %select_n3A_2090 = arith.select %gt3A_2065, %add3A_2087, %add3A_2089 : vector<16xi1>, vector<16xi32>
    %select_n3A_2091 = arith.select %and3A_2071, %add3A_2085, %select_n3A_2090 : vector<16xi1>, vector<16xi32>
    %swap3A_2092 = arith.constant 128 : index
    %swap3A_2093 = tpu.vector_load %arg7[%swap3A_2092] {strides = array<i32>} : memref<256xi32, #tpu.memory_space<vmem>>, vector<16xi32>,
    tpu.vector_store %arg7[%swap3A_2092], %select_n3A_2091 {strides = array<i32>} : memref<256xi32, #tpu.memory_space<vmem>>, vector<16xi32>,
    %add3A_2094 = arith.constant 128 : i32
    %add3A_2095 = vector.broadcast %add3A_2094 : i32 to vector<16xi32>
    %add3A_2096 = arith.addi %iota3A_1640, %add3A_2095 : vector<16xi32>
    tpu.vector_store_idx %arg6[%select_n3A_2091], %add3A_2096 : memref<256xi32, #tpu.memory_space<vmem>>[vector<16xi32>], vector<16xi32>,
    %reduce_sum3A_2097 = arith.constant true
    %reduce_sum3A_2098 = vector.broadcast %reduce_sum3A_2097 : i1 to vector<16xi1>
    %reduce_sum3A_2099 = tpu.scan <sum>, %convert_element_type3A_2072 masked %reduce_sum3A_2098 : vector<16xi32>, vector<16xi1> -> vector<16xi32>
    %reduce_sum3A_2100 = vector.extract %reduce_sum3A_2099[15] : i32 from vector<16xi32>
    %reduce_sum3A_2101 = arith.constant true
    %reduce_sum3A_2102 = vector.broadcast %reduce_sum3A_2101 : i1 to vector<16xi1>
    %reduce_sum3A_2103 = tpu.scan <sum>, %convert_element_type3A_2073 masked %reduce_sum3A_2102 : vector<16xi32>, vector<16xi1> -> vector<16xi32>
    %reduce_sum3A_2104 = vector.extract %reduce_sum3A_2103[15] : i32 from vector<16xi32>
    %add3A_2105 = arith.addi %add3A_2053, %reduce_sum3A_2100 : i32
    %add3A_2106 = arith.addi %add3A_2054, %reduce_sum3A_2104 : i32
    %sub3A_2107 = arith.constant 16 : i32
    %sub3A_2108 = arith.subi %sub3A_2107, %reduce_sum3A_2100 : i32
    %sub3A_2109 = arith.subi %sub3A_2108, %reduce_sum3A_2104 : i32
    %add3A_2110 = arith.addi %add3A_2058, %sub3A_2109 : i32
    %get3A_2111 = arith.constant 144 : index
    %get3A_2112 = tpu.vector_load %arg5[%get3A_2111] {strides = array<i32>} : memref<512xf32, #tpu.memory_space<vmem>>, vector<16xf32>,
    %get3A_2113 = arith.constant 400 : index
    %get3A_2114 = tpu.vector_load %arg5[%get3A_2113] {strides = array<i32>} : memref<512xf32, #tpu.memory_space<vmem>>, vector<16xf32>,
    %gt3A_2115 = arith.constant 5.000000e-01 : f32
    %gt3A_2116 = vector.broadcast %gt3A_2115 : f32 to vector<16xf32>
    %gt3A_2117 = arith.cmpf ogt, %get3A_2114, %gt3A_2116 : vector<16xf32>
    %gt3A_2118 = arith.constant 5.000000e-01 : f32
    %gt3A_2119 = vector.broadcast %gt3A_2118 : f32 to vector<16xf32>
    %gt3A_2120 = arith.cmpf ogt, %get3A_2112, %gt3A_2119 : vector<16xf32>
    %not3A_2121 = arith.constant dense<true> : vector<16xi1>
    %not3A_2122 = arith.xori %gt3A_2117, %not3A_2121 : vector<16xi1>
    %and3A_2123 = arith.andi %gt3A_2120, %not3A_2122 : vector<16xi1>
    %convert_element_type3A_2124 = arith.extui %and3A_2123 : vector<16xi1> to vector<16xi32>
    %convert_element_type3A_2125 = arith.extui %gt3A_2117 : vector<16xi1> to vector<16xi32>
    %broadcast_in_dim3A_2126 = arith.constant true
    %broadcast_in_dim3A_2127 = vector.broadcast %broadcast_in_dim3A_2126 : i1 to vector<16xi1>
    %masked_cumsum3A_2128 = tpu.scan <sum>, %convert_element_type3A_2124 masked %broadcast_in_dim3A_2127 : vector<16xi32>, vector<16xi1> -> vector<16xi32>
    %sub3A_2129 = arith.subi %masked_cumsum3A_2128, %convert_element_type3A_2124 : vector<16xi32>
    %broadcast_in_dim3A_2130 = arith.constant true
    %broadcast_in_dim3A_2131 = vector.broadcast %broadcast_in_dim3A_2130 : i1 to vector<16xi1>
    %masked_cumsum3A_2132 = tpu.scan <sum>, %convert_element_type3A_2125 masked %broadcast_in_dim3A_2131 : vector<16xi32>, vector<16xi1> -> vector<16xi32>
    %sub3A_2133 = arith.subi %masked_cumsum3A_2132, %convert_element_type3A_2125 : vector<16xi32>
    %sub3A_2134 = arith.subi %iota3A_1640, %sub3A_2129 : vector<16xi32>
    %sub3A_2135 = arith.subi %sub3A_2134, %sub3A_2133 : vector<16xi32>
    %add3A_2136 = vector.broadcast %add3A_2105 : i32 to vector<16xi32>
    %add3A_2137 = arith.addi %add3A_2136, %sub3A_2129 : vector<16xi32>
    %add3A_2138 = vector.broadcast %add3A_2106 : i32 to vector<16xi32>
    %add3A_2139 = arith.addi %add3A_2138, %sub3A_2133 : vector<16xi32>
    %add3A_2140 = vector.broadcast %add3A_2110 : i32 to vector<16xi32>
    %add3A_2141 = arith.addi %add3A_2140, %sub3A_2135 : vector<16xi32>
    %select_n3A_2142 = arith.select %gt3A_2117, %add3A_2139, %add3A_2141 : vector<16xi1>, vector<16xi32>
    %select_n3A_2143 = arith.select %and3A_2123, %add3A_2137, %select_n3A_2142 : vector<16xi1>, vector<16xi32>
    %swap3A_2144 = arith.constant 144 : index
    %swap3A_2145 = tpu.vector_load %arg7[%swap3A_2144] {strides = array<i32>} : memref<256xi32, #tpu.memory_space<vmem>>, vector<16xi32>,
    tpu.vector_store %arg7[%swap3A_2144], %select_n3A_2143 {strides = array<i32>} : memref<256xi32, #tpu.memory_space<vmem>>, vector<16xi32>,
    %add3A_2146 = arith.constant 144 : i32
    %add3A_2147 = vector.broadcast %add3A_2146 : i32 to vector<16xi32>
    %add3A_2148 = arith.addi %iota3A_1640, %add3A_2147 : vector<16xi32>
    tpu.vector_store_idx %arg6[%select_n3A_2143], %add3A_2148 : memref<256xi32, #tpu.memory_space<vmem>>[vector<16xi32>], vector<16xi32>,
    %reduce_sum3A_2149 = arith.constant true
    %reduce_sum3A_2150 = vector.broadcast %reduce_sum3A_2149 : i1 to vector<16xi1>
    %reduce_sum3A_2151 = tpu.scan <sum>, %convert_element_type3A_2124 masked %reduce_sum3A_2150 : vector<16xi32>, vector<16xi1> -> vector<16xi32>
    %reduce_sum3A_2152 = vector.extract %reduce_sum3A_2151[15] : i32 from vector<16xi32>
    %reduce_sum3A_2153 = arith.constant true
    %reduce_sum3A_2154 = vector.broadcast %reduce_sum3A_2153 : i1 to vector<16xi1>
    %reduce_sum3A_2155 = tpu.scan <sum>, %convert_element_type3A_2125 masked %reduce_sum3A_2154 : vector<16xi32>, vector<16xi1> -> vector<16xi32>
    %reduce_sum3A_2156 = vector.extract %reduce_sum3A_2155[15] : i32 from vector<16xi32>
    %add3A_2157 = arith.addi %add3A_2105, %reduce_sum3A_2152 : i32
    %add3A_2158 = arith.addi %add3A_2106, %reduce_sum3A_2156 : i32
    %sub3A_2159 = arith.constant 16 : i32
    %sub3A_2160 = arith.subi %sub3A_2159, %reduce_sum3A_2152 : i32
    %sub3A_2161 = arith.subi %sub3A_2160, %reduce_sum3A_2156 : i32
    %add3A_2162 = arith.addi %add3A_2110, %sub3A_2161 : i32
    %get3A_2163 = arith.constant 160 : index
    %get3A_2164 = tpu.vector_load %arg5[%get3A_2163] {strides = array<i32>} : memref<512xf32, #tpu.memory_space<vmem>>, vector<16xf32>,
    %get3A_2165 = arith.constant 416 : index
    %get3A_2166 = tpu.vector_load %arg5[%get3A_2165] {strides = array<i32>} : memref<512xf32, #tpu.memory_space<vmem>>, vector<16xf32>,
    %gt3A_2167 = arith.constant 5.000000e-01 : f32
    %gt3A_2168 = vector.broadcast %gt3A_2167 : f32 to vector<16xf32>
    %gt3A_2169 = arith.cmpf ogt, %get3A_2166, %gt3A_2168 : vector<16xf32>
    %gt3A_2170 = arith.constant 5.000000e-01 : f32
    %gt3A_2171 = vector.broadcast %gt3A_2170 : f32 to vector<16xf32>
    %gt3A_2172 = arith.cmpf ogt, %get3A_2164, %gt3A_2171 : vector<16xf32>
    %not3A_2173 = arith.constant dense<true> : vector<16xi1>
    %not3A_2174 = arith.xori %gt3A_2169, %not3A_2173 : vector<16xi1>
    %and3A_2175 = arith.andi %gt3A_2172, %not3A_2174 : vector<16xi1>
    %convert_element_type3A_2176 = arith.extui %and3A_2175 : vector<16xi1> to vector<16xi32>
    %convert_element_type3A_2177 = arith.extui %gt3A_2169 : vector<16xi1> to vector<16xi32>
    %broadcast_in_dim3A_2178 = arith.constant true
    %broadcast_in_dim3A_2179 = vector.broadcast %broadcast_in_dim3A_2178 : i1 to vector<16xi1>
    %masked_cumsum3A_2180 = tpu.scan <sum>, %convert_element_type3A_2176 masked %broadcast_in_dim3A_2179 : vector<16xi32>, vector<16xi1> -> vector<16xi32>
    %sub3A_2181 = arith.subi %masked_cumsum3A_2180, %convert_element_type3A_2176 : vector<16xi32>
    %broadcast_in_dim3A_2182 = arith.constant true
    %broadcast_in_dim3A_2183 = vector.broadcast %broadcast_in_dim3A_2182 : i1 to vector<16xi1>
    %masked_cumsum3A_2184 = tpu.scan <sum>, %convert_element_type3A_2177 masked %broadcast_in_dim3A_2183 : vector<16xi32>, vector<16xi1> -> vector<16xi32>
    %sub3A_2185 = arith.subi %masked_cumsum3A_2184, %convert_element_type3A_2177 : vector<16xi32>
    %sub3A_2186 = arith.subi %iota3A_1640, %sub3A_2181 : vector<16xi32>
    %sub3A_2187 = arith.subi %sub3A_2186, %sub3A_2185 : vector<16xi32>
    %add3A_2188 = vector.broadcast %add3A_2157 : i32 to vector<16xi32>
    %add3A_2189 = arith.addi %add3A_2188, %sub3A_2181 : vector<16xi32>
    %add3A_2190 = vector.broadcast %add3A_2158 : i32 to vector<16xi32>
    %add3A_2191 = arith.addi %add3A_2190, %sub3A_2185 : vector<16xi32>
    %add3A_2192 = vector.broadcast %add3A_2162 : i32 to vector<16xi32>
    %add3A_2193 = arith.addi %add3A_2192, %sub3A_2187 : vector<16xi32>
    %select_n3A_2194 = arith.select %gt3A_2169, %add3A_2191, %add3A_2193 : vector<16xi1>, vector<16xi32>
    %select_n3A_2195 = arith.select %and3A_2175, %add3A_2189, %select_n3A_2194 : vector<16xi1>, vector<16xi32>
    %swap3A_2196 = arith.constant 160 : index
    %swap3A_2197 = tpu.vector_load %arg7[%swap3A_2196] {strides = array<i32>} : memref<256xi32, #tpu.memory_space<vmem>>, vector<16xi32>,
    tpu.vector_store %arg7[%swap3A_2196], %select_n3A_2195 {strides = array<i32>} : memref<256xi32, #tpu.memory_space<vmem>>, vector<16xi32>,
    %add3A_2198 = arith.constant 160 : i32
    %add3A_2199 = vector.broadcast %add3A_2198 : i32 to vector<16xi32>
    %add3A_2200 = arith.addi %iota3A_1640, %add3A_2199 : vector<16xi32>
    tpu.vector_store_idx %arg6[%select_n3A_2195], %add3A_2200 : memref<256xi32, #tpu.memory_space<vmem>>[vector<16xi32>], vector<16xi32>,
    %reduce_sum3A_2201 = arith.constant true
    %reduce_sum3A_2202 = vector.broadcast %reduce_sum3A_2201 : i1 to vector<16xi1>
    %reduce_sum3A_2203 = tpu.scan <sum>, %convert_element_type3A_2176 masked %reduce_sum3A_2202 : vector<16xi32>, vector<16xi1> -> vector<16xi32>
    %reduce_sum3A_2204 = vector.extract %reduce_sum3A_2203[15] : i32 from vector<16xi32>
    %reduce_sum3A_2205 = arith.constant true
    %reduce_sum3A_2206 = vector.broadcast %reduce_sum3A_2205 : i1 to vector<16xi1>
    %reduce_sum3A_2207 = tpu.scan <sum>, %convert_element_type3A_2177 masked %reduce_sum3A_2206 : vector<16xi32>, vector<16xi1> -> vector<16xi32>
    %reduce_sum3A_2208 = vector.extract %reduce_sum3A_2207[15] : i32 from vector<16xi32>
    %add3A_2209 = arith.addi %add3A_2157, %reduce_sum3A_2204 : i32
    %add3A_2210 = arith.addi %add3A_2158, %reduce_sum3A_2208 : i32
    %sub3A_2211 = arith.constant 16 : i32
    %sub3A_2212 = arith.subi %sub3A_2211, %reduce_sum3A_2204 : i32
    %sub3A_2213 = arith.subi %sub3A_2212, %reduce_sum3A_2208 : i32
    %add3A_2214 = arith.addi %add3A_2162, %sub3A_2213 : i32
    %get3A_2215 = arith.constant 176 : index
    %get3A_2216 = tpu.vector_load %arg5[%get3A_2215] {strides = array<i32>} : memref<512xf32, #tpu.memory_space<vmem>>, vector<16xf32>,
    %get3A_2217 = arith.constant 432 : index
    %get3A_2218 = tpu.vector_load %arg5[%get3A_2217] {strides = array<i32>} : memref<512xf32, #tpu.memory_space<vmem>>, vector<16xf32>,
    %gt3A_2219 = arith.constant 5.000000e-01 : f32
    %gt3A_2220 = vector.broadcast %gt3A_2219 : f32 to vector<16xf32>
    %gt3A_2221 = arith.cmpf ogt, %get3A_2218, %gt3A_2220 : vector<16xf32>
    %gt3A_2222 = arith.constant 5.000000e-01 : f32
    %gt3A_2223 = vector.broadcast %gt3A_2222 : f32 to vector<16xf32>
    %gt3A_2224 = arith.cmpf ogt, %get3A_2216, %gt3A_2223 : vector<16xf32>
    %not3A_2225 = arith.constant dense<true> : vector<16xi1>
    %not3A_2226 = arith.xori %gt3A_2221, %not3A_2225 : vector<16xi1>
    %and3A_2227 = arith.andi %gt3A_2224, %not3A_2226 : vector<16xi1>
    %convert_element_type3A_2228 = arith.extui %and3A_2227 : vector<16xi1> to vector<16xi32>
    %convert_element_type3A_2229 = arith.extui %gt3A_2221 : vector<16xi1> to vector<16xi32>
    %broadcast_in_dim3A_2230 = arith.constant true
    %broadcast_in_dim3A_2231 = vector.broadcast %broadcast_in_dim3A_2230 : i1 to vector<16xi1>
    %masked_cumsum3A_2232 = tpu.scan <sum>, %convert_element_type3A_2228 masked %broadcast_in_dim3A_2231 : vector<16xi32>, vector<16xi1> -> vector<16xi32>
    %sub3A_2233 = arith.subi %masked_cumsum3A_2232, %convert_element_type3A_2228 : vector<16xi32>
    %broadcast_in_dim3A_2234 = arith.constant true
    %broadcast_in_dim3A_2235 = vector.broadcast %broadcast_in_dim3A_2234 : i1 to vector<16xi1>
    %masked_cumsum3A_2236 = tpu.scan <sum>, %convert_element_type3A_2229 masked %broadcast_in_dim3A_2235 : vector<16xi32>, vector<16xi1> -> vector<16xi32>
    %sub3A_2237 = arith.subi %masked_cumsum3A_2236, %convert_element_type3A_2229 : vector<16xi32>
    %sub3A_2238 = arith.subi %iota3A_1640, %sub3A_2233 : vector<16xi32>
    %sub3A_2239 = arith.subi %sub3A_2238, %sub3A_2237 : vector<16xi32>
    %add3A_2240 = vector.broadcast %add3A_2209 : i32 to vector<16xi32>
    %add3A_2241 = arith.addi %add3A_2240, %sub3A_2233 : vector<16xi32>
    %add3A_2242 = vector.broadcast %add3A_2210 : i32 to vector<16xi32>
    %add3A_2243 = arith.addi %add3A_2242, %sub3A_2237 : vector<16xi32>
    %add3A_2244 = vector.broadcast %add3A_2214 : i32 to vector<16xi32>
    %add3A_2245 = arith.addi %add3A_2244, %sub3A_2239 : vector<16xi32>
    %select_n3A_2246 = arith.select %gt3A_2221, %add3A_2243, %add3A_2245 : vector<16xi1>, vector<16xi32>
    %select_n3A_2247 = arith.select %and3A_2227, %add3A_2241, %select_n3A_2246 : vector<16xi1>, vector<16xi32>
    %swap3A_2248 = arith.constant 176 : index
    %swap3A_2249 = tpu.vector_load %arg7[%swap3A_2248] {strides = array<i32>} : memref<256xi32, #tpu.memory_space<vmem>>, vector<16xi32>,
    tpu.vector_store %arg7[%swap3A_2248], %select_n3A_2247 {strides = array<i32>} : memref<256xi32, #tpu.memory_space<vmem>>, vector<16xi32>,
    %add3A_2250 = arith.constant 176 : i32
    %add3A_2251 = vector.broadcast %add3A_2250 : i32 to vector<16xi32>
    %add3A_2252 = arith.addi %iota3A_1640, %add3A_2251 : vector<16xi32>
    tpu.vector_store_idx %arg6[%select_n3A_2247], %add3A_2252 : memref<256xi32, #tpu.memory_space<vmem>>[vector<16xi32>], vector<16xi32>,
    %reduce_sum3A_2253 = arith.constant true
    %reduce_sum3A_2254 = vector.broadcast %reduce_sum3A_2253 : i1 to vector<16xi1>
    %reduce_sum3A_2255 = tpu.scan <sum>, %convert_element_type3A_2228 masked %reduce_sum3A_2254 : vector<16xi32>, vector<16xi1> -> vector<16xi32>
    %reduce_sum3A_2256 = vector.extract %reduce_sum3A_2255[15] : i32 from vector<16xi32>
    %reduce_sum3A_2257 = arith.constant true
    %reduce_sum3A_2258 = vector.broadcast %reduce_sum3A_2257 : i1 to vector<16xi1>
    %reduce_sum3A_2259 = tpu.scan <sum>, %convert_element_type3A_2229 masked %reduce_sum3A_2258 : vector<16xi32>, vector<16xi1> -> vector<16xi32>
    %reduce_sum3A_2260 = vector.extract %reduce_sum3A_2259[15] : i32 from vector<16xi32>
    %add3A_2261 = arith.addi %add3A_2209, %reduce_sum3A_2256 : i32
    %add3A_2262 = arith.addi %add3A_2210, %reduce_sum3A_2260 : i32
    %sub3A_2263 = arith.constant 16 : i32
    %sub3A_2264 = arith.subi %sub3A_2263, %reduce_sum3A_2256 : i32
    %sub3A_2265 = arith.subi %sub3A_2264, %reduce_sum3A_2260 : i32
    %add3A_2266 = arith.addi %add3A_2214, %sub3A_2265 : i32
    %get3A_2267 = arith.constant 192 : index
    %get3A_2268 = tpu.vector_load %arg5[%get3A_2267] {strides = array<i32>} : memref<512xf32, #tpu.memory_space<vmem>>, vector<16xf32>,
    %get3A_2269 = arith.constant 448 : index
    %get3A_2270 = tpu.vector_load %arg5[%get3A_2269] {strides = array<i32>} : memref<512xf32, #tpu.memory_space<vmem>>, vector<16xf32>,
    %gt3A_2271 = arith.constant 5.000000e-01 : f32
    %gt3A_2272 = vector.broadcast %gt3A_2271 : f32 to vector<16xf32>
    %gt3A_2273 = arith.cmpf ogt, %get3A_2270, %gt3A_2272 : vector<16xf32>
    %gt3A_2274 = arith.constant 5.000000e-01 : f32
    %gt3A_2275 = vector.broadcast %gt3A_2274 : f32 to vector<16xf32>
    %gt3A_2276 = arith.cmpf ogt, %get3A_2268, %gt3A_2275 : vector<16xf32>
    %not3A_2277 = arith.constant dense<true> : vector<16xi1>
    %not3A_2278 = arith.xori %gt3A_2273, %not3A_2277 : vector<16xi1>
    %and3A_2279 = arith.andi %gt3A_2276, %not3A_2278 : vector<16xi1>
    %convert_element_type3A_2280 = arith.extui %and3A_2279 : vector<16xi1> to vector<16xi32>
    %convert_element_type3A_2281 = arith.extui %gt3A_2273 : vector<16xi1> to vector<16xi32>
    %broadcast_in_dim3A_2282 = arith.constant true
    %broadcast_in_dim3A_2283 = vector.broadcast %broadcast_in_dim3A_2282 : i1 to vector<16xi1>
    %masked_cumsum3A_2284 = tpu.scan <sum>, %convert_element_type3A_2280 masked %broadcast_in_dim3A_2283 : vector<16xi32>, vector<16xi1> -> vector<16xi32>
    %sub3A_2285 = arith.subi %masked_cumsum3A_2284, %convert_element_type3A_2280 : vector<16xi32>
    %broadcast_in_dim3A_2286 = arith.constant true
    %broadcast_in_dim3A_2287 = vector.broadcast %broadcast_in_dim3A_2286 : i1 to vector<16xi1>
    %masked_cumsum3A_2288 = tpu.scan <sum>, %convert_element_type3A_2281 masked %broadcast_in_dim3A_2287 : vector<16xi32>, vector<16xi1> -> vector<16xi32>
    %sub3A_2289 = arith.subi %masked_cumsum3A_2288, %convert_element_type3A_2281 : vector<16xi32>
    %sub3A_2290 = arith.subi %iota3A_1640, %sub3A_2285 : vector<16xi32>
    %sub3A_2291 = arith.subi %sub3A_2290, %sub3A_2289 : vector<16xi32>
    %add3A_2292 = vector.broadcast %add3A_2261 : i32 to vector<16xi32>
    %add3A_2293 = arith.addi %add3A_2292, %sub3A_2285 : vector<16xi32>
    %add3A_2294 = vector.broadcast %add3A_2262 : i32 to vector<16xi32>
    %add3A_2295 = arith.addi %add3A_2294, %sub3A_2289 : vector<16xi32>
    %add3A_2296 = vector.broadcast %add3A_2266 : i32 to vector<16xi32>
    %add3A_2297 = arith.addi %add3A_2296, %sub3A_2291 : vector<16xi32>
    %select_n3A_2298 = arith.select %gt3A_2273, %add3A_2295, %add3A_2297 : vector<16xi1>, vector<16xi32>
    %select_n3A_2299 = arith.select %and3A_2279, %add3A_2293, %select_n3A_2298 : vector<16xi1>, vector<16xi32>
    %swap3A_2300 = arith.constant 192 : index
    %swap3A_2301 = tpu.vector_load %arg7[%swap3A_2300] {strides = array<i32>} : memref<256xi32, #tpu.memory_space<vmem>>, vector<16xi32>,
    tpu.vector_store %arg7[%swap3A_2300], %select_n3A_2299 {strides = array<i32>} : memref<256xi32, #tpu.memory_space<vmem>>, vector<16xi32>,
    %add3A_2302 = arith.constant 192 : i32
    %add3A_2303 = vector.broadcast %add3A_2302 : i32 to vector<16xi32>
    %add3A_2304 = arith.addi %iota3A_1640, %add3A_2303 : vector<16xi32>
    tpu.vector_store_idx %arg6[%select_n3A_2299], %add3A_2304 : memref<256xi32, #tpu.memory_space<vmem>>[vector<16xi32>], vector<16xi32>,
    %reduce_sum3A_2305 = arith.constant true
    %reduce_sum3A_2306 = vector.broadcast %reduce_sum3A_2305 : i1 to vector<16xi1>
    %reduce_sum3A_2307 = tpu.scan <sum>, %convert_element_type3A_2280 masked %reduce_sum3A_2306 : vector<16xi32>, vector<16xi1> -> vector<16xi32>
    %reduce_sum3A_2308 = vector.extract %reduce_sum3A_2307[15] : i32 from vector<16xi32>
    %reduce_sum3A_2309 = arith.constant true
    %reduce_sum3A_2310 = vector.broadcast %reduce_sum3A_2309 : i1 to vector<16xi1>
    %reduce_sum3A_2311 = tpu.scan <sum>, %convert_element_type3A_2281 masked %reduce_sum3A_2310 : vector<16xi32>, vector<16xi1> -> vector<16xi32>
    %reduce_sum3A_2312 = vector.extract %reduce_sum3A_2311[15] : i32 from vector<16xi32>
    %add3A_2313 = arith.addi %add3A_2261, %reduce_sum3A_2308 : i32
    %add3A_2314 = arith.addi %add3A_2262, %reduce_sum3A_2312 : i32
    %sub3A_2315 = arith.constant 16 : i32
    %sub3A_2316 = arith.subi %sub3A_2315, %reduce_sum3A_2308 : i32
    %sub3A_2317 = arith.subi %sub3A_2316, %reduce_sum3A_2312 : i32
    %add3A_2318 = arith.addi %add3A_2266, %sub3A_2317 : i32
    %get3A_2319 = arith.constant 208 : index
    %get3A_2320 = tpu.vector_load %arg5[%get3A_2319] {strides = array<i32>} : memref<512xf32, #tpu.memory_space<vmem>>, vector<16xf32>,
    %get3A_2321 = arith.constant 464 : index
    %get3A_2322 = tpu.vector_load %arg5[%get3A_2321] {strides = array<i32>} : memref<512xf32, #tpu.memory_space<vmem>>, vector<16xf32>,
    %gt3A_2323 = arith.constant 5.000000e-01 : f32
    %gt3A_2324 = vector.broadcast %gt3A_2323 : f32 to vector<16xf32>
    %gt3A_2325 = arith.cmpf ogt, %get3A_2322, %gt3A_2324 : vector<16xf32>
    %gt3A_2326 = arith.constant 5.000000e-01 : f32
    %gt3A_2327 = vector.broadcast %gt3A_2326 : f32 to vector<16xf32>
    %gt3A_2328 = arith.cmpf ogt, %get3A_2320, %gt3A_2327 : vector<16xf32>
    %not3A_2329 = arith.constant dense<true> : vector<16xi1>
    %not3A_2330 = arith.xori %gt3A_2325, %not3A_2329 : vector<16xi1>
    %and3A_2331 = arith.andi %gt3A_2328, %not3A_2330 : vector<16xi1>
    %convert_element_type3A_2332 = arith.extui %and3A_2331 : vector<16xi1> to vector<16xi32>
    %convert_element_type3A_2333 = arith.extui %gt3A_2325 : vector<16xi1> to vector<16xi32>
    %broadcast_in_dim3A_2334 = arith.constant true
    %broadcast_in_dim3A_2335 = vector.broadcast %broadcast_in_dim3A_2334 : i1 to vector<16xi1>
    %masked_cumsum3A_2336 = tpu.scan <sum>, %convert_element_type3A_2332 masked %broadcast_in_dim3A_2335 : vector<16xi32>, vector<16xi1> -> vector<16xi32>
    %sub3A_2337 = arith.subi %masked_cumsum3A_2336, %convert_element_type3A_2332 : vector<16xi32>
    %broadcast_in_dim3A_2338 = arith.constant true
    %broadcast_in_dim3A_2339 = vector.broadcast %broadcast_in_dim3A_2338 : i1 to vector<16xi1>
    %masked_cumsum3A_2340 = tpu.scan <sum>, %convert_element_type3A_2333 masked %broadcast_in_dim3A_2339 : vector<16xi32>, vector<16xi1> -> vector<16xi32>
    %sub3A_2341 = arith.subi %masked_cumsum3A_2340, %convert_element_type3A_2333 : vector<16xi32>
    %sub3A_2342 = arith.subi %iota3A_1640, %sub3A_2337 : vector<16xi32>
    %sub3A_2343 = arith.subi %sub3A_2342, %sub3A_2341 : vector<16xi32>
    %add3A_2344 = vector.broadcast %add3A_2313 : i32 to vector<16xi32>
    %add3A_2345 = arith.addi %add3A_2344, %sub3A_2337 : vector<16xi32>
    %add3A_2346 = vector.broadcast %add3A_2314 : i32 to vector<16xi32>
    %add3A_2347 = arith.addi %add3A_2346, %sub3A_2341 : vector<16xi32>
    %add3A_2348 = vector.broadcast %add3A_2318 : i32 to vector<16xi32>
    %add3A_2349 = arith.addi %add3A_2348, %sub3A_2343 : vector<16xi32>
    %select_n3A_2350 = arith.select %gt3A_2325, %add3A_2347, %add3A_2349 : vector<16xi1>, vector<16xi32>
    %select_n3A_2351 = arith.select %and3A_2331, %add3A_2345, %select_n3A_2350 : vector<16xi1>, vector<16xi32>
    %swap3A_2352 = arith.constant 208 : index
    %swap3A_2353 = tpu.vector_load %arg7[%swap3A_2352] {strides = array<i32>} : memref<256xi32, #tpu.memory_space<vmem>>, vector<16xi32>,
    tpu.vector_store %arg7[%swap3A_2352], %select_n3A_2351 {strides = array<i32>} : memref<256xi32, #tpu.memory_space<vmem>>, vector<16xi32>,
    %add3A_2354 = arith.constant 208 : i32
    %add3A_2355 = vector.broadcast %add3A_2354 : i32 to vector<16xi32>
    %add3A_2356 = arith.addi %iota3A_1640, %add3A_2355 : vector<16xi32>
    tpu.vector_store_idx %arg6[%select_n3A_2351], %add3A_2356 : memref<256xi32, #tpu.memory_space<vmem>>[vector<16xi32>], vector<16xi32>,
    %reduce_sum3A_2357 = arith.constant true
    %reduce_sum3A_2358 = vector.broadcast %reduce_sum3A_2357 : i1 to vector<16xi1>
    %reduce_sum3A_2359 = tpu.scan <sum>, %convert_element_type3A_2332 masked %reduce_sum3A_2358 : vector<16xi32>, vector<16xi1> -> vector<16xi32>
    %reduce_sum3A_2360 = vector.extract %reduce_sum3A_2359[15] : i32 from vector<16xi32>
    %reduce_sum3A_2361 = arith.constant true
    %reduce_sum3A_2362 = vector.broadcast %reduce_sum3A_2361 : i1 to vector<16xi1>
    %reduce_sum3A_2363 = tpu.scan <sum>, %convert_element_type3A_2333 masked %reduce_sum3A_2362 : vector<16xi32>, vector<16xi1> -> vector<16xi32>
    %reduce_sum3A_2364 = vector.extract %reduce_sum3A_2363[15] : i32 from vector<16xi32>
    %add3A_2365 = arith.addi %add3A_2313, %reduce_sum3A_2360 : i32
    %add3A_2366 = arith.addi %add3A_2314, %reduce_sum3A_2364 : i32
    %sub3A_2367 = arith.constant 16 : i32
    %sub3A_2368 = arith.subi %sub3A_2367, %reduce_sum3A_2360 : i32
    %sub3A_2369 = arith.subi %sub3A_2368, %reduce_sum3A_2364 : i32
    %add3A_2370 = arith.addi %add3A_2318, %sub3A_2369 : i32
    %get3A_2371 = arith.constant 224 : index
    %get3A_2372 = tpu.vector_load %arg5[%get3A_2371] {strides = array<i32>} : memref<512xf32, #tpu.memory_space<vmem>>, vector<16xf32>,
    %get3A_2373 = arith.constant 480 : index
    %get3A_2374 = tpu.vector_load %arg5[%get3A_2373] {strides = array<i32>} : memref<512xf32, #tpu.memory_space<vmem>>, vector<16xf32>,
    %gt3A_2375 = arith.constant 5.000000e-01 : f32
    %gt3A_2376 = vector.broadcast %gt3A_2375 : f32 to vector<16xf32>
    %gt3A_2377 = arith.cmpf ogt, %get3A_2374, %gt3A_2376 : vector<16xf32>
    %gt3A_2378 = arith.constant 5.000000e-01 : f32
    %gt3A_2379 = vector.broadcast %gt3A_2378 : f32 to vector<16xf32>
    %gt3A_2380 = arith.cmpf ogt, %get3A_2372, %gt3A_2379 : vector<16xf32>
    %not3A_2381 = arith.constant dense<true> : vector<16xi1>
    %not3A_2382 = arith.xori %gt3A_2377, %not3A_2381 : vector<16xi1>
    %and3A_2383 = arith.andi %gt3A_2380, %not3A_2382 : vector<16xi1>
    %convert_element_type3A_2384 = arith.extui %and3A_2383 : vector<16xi1> to vector<16xi32>
    %convert_element_type3A_2385 = arith.extui %gt3A_2377 : vector<16xi1> to vector<16xi32>
    %broadcast_in_dim3A_2386 = arith.constant true
    %broadcast_in_dim3A_2387 = vector.broadcast %broadcast_in_dim3A_2386 : i1 to vector<16xi1>
    %masked_cumsum3A_2388 = tpu.scan <sum>, %convert_element_type3A_2384 masked %broadcast_in_dim3A_2387 : vector<16xi32>, vector<16xi1> -> vector<16xi32>
    %sub3A_2389 = arith.subi %masked_cumsum3A_2388, %convert_element_type3A_2384 : vector<16xi32>
    %broadcast_in_dim3A_2390 = arith.constant true
    %broadcast_in_dim3A_2391 = vector.broadcast %broadcast_in_dim3A_2390 : i1 to vector<16xi1>
    %masked_cumsum3A_2392 = tpu.scan <sum>, %convert_element_type3A_2385 masked %broadcast_in_dim3A_2391 : vector<16xi32>, vector<16xi1> -> vector<16xi32>
    %sub3A_2393 = arith.subi %masked_cumsum3A_2392, %convert_element_type3A_2385 : vector<16xi32>
    %sub3A_2394 = arith.subi %iota3A_1640, %sub3A_2389 : vector<16xi32>
    %sub3A_2395 = arith.subi %sub3A_2394, %sub3A_2393 : vector<16xi32>
    %add3A_2396 = vector.broadcast %add3A_2365 : i32 to vector<16xi32>
    %add3A_2397 = arith.addi %add3A_2396, %sub3A_2389 : vector<16xi32>
    %add3A_2398 = vector.broadcast %add3A_2366 : i32 to vector<16xi32>
    %add3A_2399 = arith.addi %add3A_2398, %sub3A_2393 : vector<16xi32>
    %add3A_2400 = vector.broadcast %add3A_2370 : i32 to vector<16xi32>
    %add3A_2401 = arith.addi %add3A_2400, %sub3A_2395 : vector<16xi32>
    %select_n3A_2402 = arith.select %gt3A_2377, %add3A_2399, %add3A_2401 : vector<16xi1>, vector<16xi32>
    %select_n3A_2403 = arith.select %and3A_2383, %add3A_2397, %select_n3A_2402 : vector<16xi1>, vector<16xi32>
    %swap3A_2404 = arith.constant 224 : index
    %swap3A_2405 = tpu.vector_load %arg7[%swap3A_2404] {strides = array<i32>} : memref<256xi32, #tpu.memory_space<vmem>>, vector<16xi32>,
    tpu.vector_store %arg7[%swap3A_2404], %select_n3A_2403 {strides = array<i32>} : memref<256xi32, #tpu.memory_space<vmem>>, vector<16xi32>,
    %add3A_2406 = arith.constant 224 : i32
    %add3A_2407 = vector.broadcast %add3A_2406 : i32 to vector<16xi32>
    %add3A_2408 = arith.addi %iota3A_1640, %add3A_2407 : vector<16xi32>
    tpu.vector_store_idx %arg6[%select_n3A_2403], %add3A_2408 : memref<256xi32, #tpu.memory_space<vmem>>[vector<16xi32>], vector<16xi32>,
    %reduce_sum3A_2409 = arith.constant true
    %reduce_sum3A_2410 = vector.broadcast %reduce_sum3A_2409 : i1 to vector<16xi1>
    %reduce_sum3A_2411 = tpu.scan <sum>, %convert_element_type3A_2384 masked %reduce_sum3A_2410 : vector<16xi32>, vector<16xi1> -> vector<16xi32>
    %reduce_sum3A_2412 = vector.extract %reduce_sum3A_2411[15] : i32 from vector<16xi32>
    %reduce_sum3A_2413 = arith.constant true
    %reduce_sum3A_2414 = vector.broadcast %reduce_sum3A_2413 : i1 to vector<16xi1>
    %reduce_sum3A_2415 = tpu.scan <sum>, %convert_element_type3A_2385 masked %reduce_sum3A_2414 : vector<16xi32>, vector<16xi1> -> vector<16xi32>
    %reduce_sum3A_2416 = vector.extract %reduce_sum3A_2415[15] : i32 from vector<16xi32>
    %add3A_2417 = arith.addi %add3A_2365, %reduce_sum3A_2412 : i32
    %add3A_2418 = arith.addi %add3A_2366, %reduce_sum3A_2416 : i32
    %sub3A_2419 = arith.constant 16 : i32
    %sub3A_2420 = arith.subi %sub3A_2419, %reduce_sum3A_2412 : i32
    %sub3A_2421 = arith.subi %sub3A_2420, %reduce_sum3A_2416 : i32
    %add3A_2422 = arith.addi %add3A_2370, %sub3A_2421 : i32
    %get3A_2423 = arith.constant 240 : index
    %get3A_2424 = tpu.vector_load %arg5[%get3A_2423] {strides = array<i32>} : memref<512xf32, #tpu.memory_space<vmem>>, vector<16xf32>,
    %get3A_2425 = arith.constant 496 : index
    %get3A_2426 = tpu.vector_load %arg5[%get3A_2425] {strides = array<i32>} : memref<512xf32, #tpu.memory_space<vmem>>, vector<16xf32>,
    %gt3A_2427 = arith.constant 5.000000e-01 : f32
    %gt3A_2428 = vector.broadcast %gt3A_2427 : f32 to vector<16xf32>
    %gt3A_2429 = arith.cmpf ogt, %get3A_2426, %gt3A_2428 : vector<16xf32>
    %gt3A_2430 = arith.constant 5.000000e-01 : f32
    %gt3A_2431 = vector.broadcast %gt3A_2430 : f32 to vector<16xf32>
    %gt3A_2432 = arith.cmpf ogt, %get3A_2424, %gt3A_2431 : vector<16xf32>
    %not3A_2433 = arith.constant dense<true> : vector<16xi1>
    %not3A_2434 = arith.xori %gt3A_2429, %not3A_2433 : vector<16xi1>
    %and3A_2435 = arith.andi %gt3A_2432, %not3A_2434 : vector<16xi1>
    %convert_element_type3A_2436 = arith.extui %and3A_2435 : vector<16xi1> to vector<16xi32>
    %convert_element_type3A_2437 = arith.extui %gt3A_2429 : vector<16xi1> to vector<16xi32>
    %broadcast_in_dim3A_2438 = arith.constant true
    %broadcast_in_dim3A_2439 = vector.broadcast %broadcast_in_dim3A_2438 : i1 to vector<16xi1>
    %masked_cumsum3A_2440 = tpu.scan <sum>, %convert_element_type3A_2436 masked %broadcast_in_dim3A_2439 : vector<16xi32>, vector<16xi1> -> vector<16xi32>
    %sub3A_2441 = arith.subi %masked_cumsum3A_2440, %convert_element_type3A_2436 : vector<16xi32>
    %broadcast_in_dim3A_2442 = arith.constant true
    %broadcast_in_dim3A_2443 = vector.broadcast %broadcast_in_dim3A_2442 : i1 to vector<16xi1>
    %masked_cumsum3A_2444 = tpu.scan <sum>, %convert_element_type3A_2437 masked %broadcast_in_dim3A_2443 : vector<16xi32>, vector<16xi1> -> vector<16xi32>
    %sub3A_2445 = arith.subi %masked_cumsum3A_2444, %convert_element_type3A_2437 : vector<16xi32>
    %sub3A_2446 = arith.subi %iota3A_1640, %sub3A_2441 : vector<16xi32>
    %sub3A_2447 = arith.subi %sub3A_2446, %sub3A_2445 : vector<16xi32>
    %add3A_2448 = vector.broadcast %add3A_2417 : i32 to vector<16xi32>
    %add3A_2449 = arith.addi %add3A_2448, %sub3A_2441 : vector<16xi32>
    %add3A_2450 = vector.broadcast %add3A_2418 : i32 to vector<16xi32>
    %add3A_2451 = arith.addi %add3A_2450, %sub3A_2445 : vector<16xi32>
    %add3A_2452 = vector.broadcast %add3A_2422 : i32 to vector<16xi32>
    %add3A_2453 = arith.addi %add3A_2452, %sub3A_2447 : vector<16xi32>
    %select_n3A_2454 = arith.select %gt3A_2429, %add3A_2451, %add3A_2453 : vector<16xi1>, vector<16xi32>
    %select_n3A_2455 = arith.select %and3A_2435, %add3A_2449, %select_n3A_2454 : vector<16xi1>, vector<16xi32>
    %swap3A_2456 = arith.constant 240 : index
    %swap3A_2457 = tpu.vector_load %arg7[%swap3A_2456] {strides = array<i32>} : memref<256xi32, #tpu.memory_space<vmem>>, vector<16xi32>,
    tpu.vector_store %arg7[%swap3A_2456], %select_n3A_2455 {strides = array<i32>} : memref<256xi32, #tpu.memory_space<vmem>>, vector<16xi32>,
    %add3A_2458 = arith.constant 240 : i32
    %add3A_2459 = vector.broadcast %add3A_2458 : i32 to vector<16xi32>
    %add3A_2460 = arith.addi %iota3A_1640, %add3A_2459 : vector<16xi32>
    tpu.vector_store_idx %arg6[%select_n3A_2455], %add3A_2460 : memref<256xi32, #tpu.memory_space<vmem>>[vector<16xi32>], vector<16xi32>,
    %reduce_sum3A_2461 = arith.constant true
    %reduce_sum3A_2462 = vector.broadcast %reduce_sum3A_2461 : i1 to vector<16xi1>
    %reduce_sum3A_2463 = tpu.scan <sum>, %convert_element_type3A_2436 masked %reduce_sum3A_2462 : vector<16xi32>, vector<16xi1> -> vector<16xi32>
    %reduce_sum3A_2464 = vector.extract %reduce_sum3A_2463[15] : i32 from vector<16xi32>
    %reduce_sum3A_2465 = arith.constant true
    %reduce_sum3A_2466 = vector.broadcast %reduce_sum3A_2465 : i1 to vector<16xi1>
    %reduce_sum3A_2467 = tpu.scan <sum>, %convert_element_type3A_2437 masked %reduce_sum3A_2466 : vector<16xi32>, vector<16xi1> -> vector<16xi32>
    %reduce_sum3A_2468 = vector.extract %reduce_sum3A_2467[15] : i32 from vector<16xi32>
    %add3A_2469 = arith.addi %add3A_2417, %reduce_sum3A_2464 : i32
    %add3A_2470 = arith.addi %add3A_2418, %reduce_sum3A_2468 : i32
    %sub3A_2471 = arith.constant 16 : i32
    %sub3A_2472 = arith.subi %sub3A_2471, %reduce_sum3A_2464 : i32
    %sub3A_2473 = arith.subi %sub3A_2472, %reduce_sum3A_2468 : i32
    %add3A_2474 = arith.addi %add3A_2422, %sub3A_2473 : i32
    "tpu.region"() ({
      %run_scoped3A = tpu.sem_alloc : memref<!tpu.dma_semaphore, #tpu.memory_space<semaphore_mem>>
      %dma_start3A = arith.constant 0 : i32
      %dma_start3A_2475 = tpu.memref_slice %arg3[%add3A_1235, %dma_start3A] : memref<64x256xi32, #tpu.memory_space<hbm>> -> memref<1x256xi32, #tpu.memory_space<hbm>>
      %dma_start3A_2476 = tpu.memref_squeeze %dma_start3A_2475 : memref<1x256xi32, #tpu.memory_space<hbm>> -> memref<256xi32, #tpu.memory_space<hbm>>
      %dma_start3A_2477 = arith.constant 0 : i32
      %dma_start3A_2478 = tpu.memref_slice %arg3[%add3A_1235, %dma_start3A_2477] : memref<64x256xi32, #tpu.memory_space<hbm>> -> memref<1x256xi32, #tpu.memory_space<hbm>>
      %dma_start3A_2479 = tpu.memref_squeeze %dma_start3A_2478 : memref<1x256xi32, #tpu.memory_space<hbm>> -> memref<256xi32, #tpu.memory_space<hbm>>
      tpu.enqueue_dma source(%arg6 : memref<256xi32, #tpu.memory_space<vmem>>) target(%dma_start3A_2479 : memref<256xi32, #tpu.memory_space<hbm>>) target_semaphore(%run_scoped3A : memref<!tpu.dma_semaphore, #tpu.memory_space<semaphore_mem>>)
      %dma_wait3A = arith.constant 0 : i32
      %dma_wait3A_2480 = tpu.memref_slice %arg3[%add3A_1235, %dma_wait3A] : memref<64x256xi32, #tpu.memory_space<hbm>> -> memref<1x256xi32, #tpu.memory_space<hbm>>
      %dma_wait3A_2481 = tpu.memref_squeeze %dma_wait3A_2480 : memref<1x256xi32, #tpu.memory_space<hbm>> -> memref<256xi32, #tpu.memory_space<hbm>>
      %dma_wait3A_2482 = arith.constant 0 : i32
      %dma_wait3A_2483 = tpu.memref_slice %arg3[%add3A_1235, %dma_wait3A_2482] : memref<64x256xi32, #tpu.memory_space<hbm>> -> memref<1x256xi32, #tpu.memory_space<hbm>>
      %dma_wait3A_2484 = tpu.memref_squeeze %dma_wait3A_2483 : memref<1x256xi32, #tpu.memory_space<hbm>> -> memref<256xi32, #tpu.memory_space<hbm>>
      tpu.wait_dma2 semaphore(%run_scoped3A : memref<!tpu.dma_semaphore, #tpu.memory_space<semaphore_mem>>) src(%arg6 : memref<256xi32, #tpu.memory_space<vmem>>) dst(%dma_wait3A_2484 : memref<256xi32, #tpu.memory_space<hbm>>)
      tpu.yield
    }) : () -> ()
    "tpu.region"() ({
      %run_scoped3A = tpu.sem_alloc : memref<!tpu.dma_semaphore, #tpu.memory_space<semaphore_mem>>
      %dma_start3A = arith.constant 0 : i32
      %dma_start3A_2475 = tpu.memref_slice %arg4[%add3A_1235, %dma_start3A] : memref<64x256xi32, #tpu.memory_space<hbm>> -> memref<1x256xi32, #tpu.memory_space<hbm>>
      %dma_start3A_2476 = tpu.memref_squeeze %dma_start3A_2475 : memref<1x256xi32, #tpu.memory_space<hbm>> -> memref<256xi32, #tpu.memory_space<hbm>>
      %dma_start3A_2477 = arith.constant 0 : i32
      %dma_start3A_2478 = tpu.memref_slice %arg4[%add3A_1235, %dma_start3A_2477] : memref<64x256xi32, #tpu.memory_space<hbm>> -> memref<1x256xi32, #tpu.memory_space<hbm>>
      %dma_start3A_2479 = tpu.memref_squeeze %dma_start3A_2478 : memref<1x256xi32, #tpu.memory_space<hbm>> -> memref<256xi32, #tpu.memory_space<hbm>>
      tpu.enqueue_dma source(%arg7 : memref<256xi32, #tpu.memory_space<vmem>>) target(%dma_start3A_2479 : memref<256xi32, #tpu.memory_space<hbm>>) target_semaphore(%run_scoped3A : memref<!tpu.dma_semaphore, #tpu.memory_space<semaphore_mem>>)
      %dma_wait3A = arith.constant 0 : i32
      %dma_wait3A_2480 = tpu.memref_slice %arg4[%add3A_1235, %dma_wait3A] : memref<64x256xi32, #tpu.memory_space<hbm>> -> memref<1x256xi32, #tpu.memory_space<hbm>>
      %dma_wait3A_2481 = tpu.memref_squeeze %dma_wait3A_2480 : memref<1x256xi32, #tpu.memory_space<hbm>> -> memref<256xi32, #tpu.memory_space<hbm>>
      %dma_wait3A_2482 = arith.constant 0 : i32
      %dma_wait3A_2483 = tpu.memref_slice %arg4[%add3A_1235, %dma_wait3A_2482] : memref<64x256xi32, #tpu.memory_space<hbm>> -> memref<1x256xi32, #tpu.memory_space<hbm>>
      %dma_wait3A_2484 = tpu.memref_squeeze %dma_wait3A_2483 : memref<1x256xi32, #tpu.memory_space<hbm>> -> memref<256xi32, #tpu.memory_space<hbm>>
      tpu.wait_dma2 semaphore(%run_scoped3A : memref<!tpu.dma_semaphore, #tpu.memory_space<semaphore_mem>>) src(%arg7 : memref<256xi32, #tpu.memory_space<vmem>>) dst(%dma_wait3A_2484 : memref<256xi32, #tpu.memory_space<hbm>>)
      tpu.yield
    }) : () -> ()
    return
  }
}

module attributes {stable_mosaic.version = 14 : i64} {
  func.func @_pool_body(%arg0: i32, %arg1: memref<4x2x512x512xf32, #tpu.memory_space<vmem>>, %arg2: memref<512x16xbf16, #tpu.memory_space<vmem>>, %arg3: memref<4x2x16x16xf32, #tpu.memory_space<vmem>>) attributes {dimension_semantics = [#tpu.dimension_semantics<arbitrary>], iteration_bounds = array<i64: 16>, scalar_prefetch = 0 : i64, scratch_operands = 0 : i64, tpu.core_type = #tpu.core_type<tc>, window_params = [{transform_indices = @transform_0, window_bounds = array<i64: 4, 2, 512, 512>}, {pipeline_mode = #tpu.pipeline_mode<synchronous>, transform_indices = @transform_1, window_bounds = array<i64: 512, 16>}, {transform_indices = @transform_2, window_bounds = array<i64: 4, 2, 16, 16>}]} {
    %get3A = arith.constant 0 : index
    %get3A_0 = arith.constant 0 : index
    %get3A_1 = arith.constant 0 : index
    %get3A_2 = arith.constant 0 : index
    %get3A_3 = vector.load %arg1[%get3A, %get3A_0, %get3A_1, %get3A_2] : memref<4x2x512x512xf32, #tpu.memory_space<vmem>>, vector<4x2x512x512xf32>
    %reshape3A = vector.shape_cast %get3A_3 : vector<4x2x512x512xf32> to vector<128x32x512xf32>
    %reduce_max3A = arith.constant dense<0xFF800000> : vector<128x512xf32>
    %reduce_max3A_4 = vector.multi_reduction <maximumf>, %reshape3A, %reduce_max3A [1] : vector<128x32x512xf32> to vector<128x512xf32>
    %gt3A = arith.constant 4.000000e-01 : f32
    %gt3A_5 = vector.broadcast %gt3A : f32 to vector<128x512xf32>
    %gt3A_6 = arith.cmpf ogt, %reduce_max3A_4, %gt3A_5 : vector<128x512xf32>
    %convert_element_type3A = arith.extui %gt3A_6 : vector<128x512xi1> to vector<128x512xi32>
    %convert_element_type3A_7 = arith.sitofp %convert_element_type3A : vector<128x512xi32> to vector<128x512xf32>
    %convert_element_type3A_8 = arith.truncf %convert_element_type3A_7 : vector<128x512xf32> to vector<128x512xbf16>
    %get3A_9 = arith.constant 0 : index
    %get3A_10 = arith.constant 0 : index
    %get3A_11 = vector.load %arg2[%get3A_9, %get3A_10] : memref<512x16xbf16, #tpu.memory_space<vmem>>, vector<512x16xbf16>
    %dot_general3A = arith.constant dense<0.000000e+00> : vector<128x16xf32>
    %dot_general3A_12 = tpu.matmul %convert_element_type3A_8, %get3A_11, %dot_general3A {dimension_numbers = #tpu.dot_dimension_numbers<[1], [0], [0], [1], [0, 0, 1, 1], [], []>, transpose_lhs_hint = false} : vector<128x512xbf16>, vector<512x16xbf16>, vector<128x16xf32> -> vector<128x16xf32>
    %reshape3A_13 = vector.shape_cast %dot_general3A_12 : vector<128x16xf32> to vector<4x2x16x16xf32>
    %swap3A = arith.constant 0 : index
    %swap3A_14 = arith.constant 0 : index
    %swap3A_15 = arith.constant 0 : index
    %swap3A_16 = arith.constant 0 : index
    %swap3A_17 = vector.load %arg3[%swap3A, %swap3A_14, %swap3A_15, %swap3A_16] : memref<4x2x16x16xf32, #tpu.memory_space<vmem>>, vector<4x2x16x16xf32>
    tpu.vector_store %arg3[%swap3A, %swap3A_14, %swap3A_15, %swap3A_16], %reshape3A_13 {strides = array<i32>} : memref<4x2x16x16xf32, #tpu.memory_space<vmem>>, vector<4x2x16x16xf32>,
    return
  }
  func.func @transform_0(%arg0: i32) -> (i32, i32, i32, i32) {
    %c0_i32 = arith.constant 0 : i32
    %c0_i32_0 = arith.constant 0 : i32
    %c0_i32_1 = arith.constant 0 : i32
    %c0_i32_2 = arith.constant 0 : i32
    return %arg0, %c0_i32, %c0_i32_0, %c0_i32_1 : i32, i32, i32, i32
  }
  func.func @transform_1(%arg0: i32) -> (i32, i32) {
    %c0_i32 = arith.constant 0 : i32
    %c0_i32_0 = arith.constant 0 : i32
    %c0_i32_1 = arith.constant 0 : i32
    return %c0_i32, %c0_i32_0 : i32, i32
  }
  func.func @transform_2(%arg0: i32) -> (i32, i32, i32, i32) {
    %c0_i32 = arith.constant 0 : i32
    %c0_i32_0 = arith.constant 0 : i32
    %c0_i32_1 = arith.constant 0 : i32
    %c0_i32_2 = arith.constant 0 : i32
    return %arg0, %c0_i32, %c0_i32_0, %c0_i32_1 : i32, i32, i32, i32
  }
}

</mosaic_0001>

<sc_bundles>
// kernel: kernel.4.cloned.1.call-start
scs
__scs_entry_jumppad:
0x0: {  	(pc) =	sbr.rel $0x88, $3  }
0x1: {  	(tag) =	ssettag $0x0;
	lr =	simm.s32 $0x1  }
0x2: {  	[smem:$0x3FA0] =	sst lr;
	_ =	strace $0xD0000000  }
0x3: {  	_ = 	snop  }
0x4: {  	_ = 	snop  }
0x5: {  	_ = 	snop  }
0x6: {  	_ = 	snop  }
0x7: {  	_ = 	snop  }
__scs_overlays_trampoline_lowered:
0x8: {  	[smem:$0x3FAF] =	sst s0  }
0x9: {  	[smem:$0x3FB0] =	sst s1  }
0xa: {  	[smem:$0x3FB1] =	sst s2  }
0xb: {  	[smem:$0x3FB2] =	sst s3  }
0xc: {  	[smem:$0x3FB3] =	sst s4  }
0xd: {  	[smem:$0x3FB4] =	sst s5  }
0xe: {  	[smem:$0x3FB5] =	sst s6  }
0xf: {  	[smem:$0x3FB6] =	sst s7  }
0x10: {  	[smem:$0x3FB7] =	sst s8  }
0x11: {  	[smem:$0x3FB8] =	sst s9;
	s0 =	simm.s32 @!p0 $0x0  }
0x12: {  	s1 =	sld [smem:$0x3F9E];
	s0 =	simm.s32 @p0 $0x1  }
0x13: {  	[smem:$0x3FB9] =	sst s0;
	s0 =	simm.s32 @!p1 $0x0  }
0x14: {  	s2 =	sld [smem:$0x3F9D];
	s0 =	simm.s32 @p1 $0x1  }
0x15: {  	[smem:$0x3FBA] =	sst s0;
	s0 =	simm.s32 @!p2 $0x0  }
0x16: {  	s3 =	sld [smem:$0x3FDB];
	s0 =	simm.s32 @p2 $0x1  }
0x17: {  	s4 =	simm.s32 $0x1BF5;
	[smem:$0x3FBC] =	sst s0  }
0x18: {  	s0 =	sld [smem:$0x3F9F];
	_ =	swait.ge [sflag:s4], $0x0  }
0x19: {  	s7 =	sld [smem:$0x3FA0]  }
0x1a: {  	s8 =	sadd.s32 $0xFFFFE003, lr  }
0x1b: {  	s9 =	sadd.s32 $0xFFFFFEF7, lr;
	s5 =	simm.s32 $0xFFFFFFFF;
	p2 =	slt.u32 s8, $0xFFFFF086  }
0x1c: {  	p1 =	slt.u32 s9, $0xF7A;
	s5 =	simm.s32 @!p2 $0x0  }
0x1d: {  	s5 =	simm.s32 @p1 $0x1;
	p0 =	seq.s32 s7, s2  }
0x1e: {  	s7 =	smul.u32 @!p0 $0xF7A, s2;
	p2 =	seq.s32 @!p0 s5, $0x0  }
0x1f: {  	s9 =	smul.u32 $0xF7A, s1;
	s8 =	simm.s32 @!p0 $0x1BF5;
	p2 =	por !p2, p0  }
0x20: {  	[sflag:s8] =	ssyncset.s32 @!p0 $0xFFFFF086;
	s6 =	sadd.s32 @!p0 s3, s7;
	s7 =	simm.s32 @!p0 $0x108  }
0x21: {  	s3 =	sadd.s32 s3, s9;
	s6 =	sadd.s32 @!p0 $0x88, s6;
	s7 =	simm.s32 @p2 $0x1082  }
0x22: {  	[simem:s7], [sflag:s8] =	dma.local @!p0 [hbm:s6], $0xF7A  }
0x23: {  	s9 =	sor.u32 $0xD0000000, s2;
	s6 =	simm.s32 $0x108;
	_ =	swait.ge @!p0 [sflag:s8], $0x0  }
0x24: {  	s3 =	sadd.s32 $0x88, s3;
	s6 =	simm.s32 @!p1 $0x1082;
	[sflag:s4] =	ssyncset.s32 $0xFFFFF086  }
0x25: {  	[simem:s6], [sflag:s4] =	dma.local [hbm:s3], $0xF7A  }
0x26: {  	[smem:$0x3FA0] =	sst s1;
	(tag) =	ssettag s2;
	_ =	strace s9  }
0x27: {  	s1 =	sld [smem:$0x3FB0]  }
0x28: {  	s2 =	sld [smem:$0x3FB1]  }
0x29: {  	s4 =	sld [smem:$0x3FB3]  }
0x2a: {  	p0 =	seq.s32 s5, $0x0;
	s5 =	sld [smem:$0x3FB4]  }
0x2b: {  	s6 =	sld [smem:$0x3FB5]  }
0x2c: {  	s7 =	sld [smem:$0x3FB6]  }
0x2d: {  	s3 =	simm.s32 $0x108;
	s8 =	sld [smem:$0x3FB7]  }
0x2e: {  	s3 =	simm.s32 @!p0 $0x1082;
	s9 =	sld [smem:$0x3FB8]  }
0x2f: {  	lr =	sadd.s32 s0, s3;
	s0 =	sld [smem:$0x3FAF]  }
0x30: {  	s3 =	sld [smem:$0x3FB2]  }
0x31: {  	[smem:$0x3FBB] =	sst s10  }
0x32: {  	s10 =	sld [smem:$0x3FB9];
	_ =	sdelay $0x3  }
0x33: {  	p0 =	seq.s32 s10, $0x1;
	s10 =	sld [smem:$0x3FBB];
	_ =	sdelay $0x3  }
0x34: {  	[smem:$0x3FBB] =	sst s10  }
0x35: {  	s10 =	sld [smem:$0x3FBA];
	_ =	sdelay $0x3  }
0x36: {  	p1 =	seq.s32 s10, $0x1;
	s10 =	sld [smem:$0x3FBB];
	_ =	sdelay $0x3  }
0x37: {  	[smem:$0x3FBB] =	sst s10  }
0x38: {  	s10 =	sld [smem:$0x3FBC]  }
0x39: {  	_ = 	snop;
	(pc) =	sbr.ind lr, $3  }
0x3a: {  	_ = 	snop  }
0x3b: {  	_ = 	snop  }
0x3c: {  	p2 =	seq.s32 s10, $0x1;
	s10 =	sld [smem:$0x3FBB]  }
0x3d: {  	_ =	shalt  }
0x3e: {  	_ =	shalt  }
0x3f: {  	_ =	shalt  }
0x40: {  	_ =	shalt  }
0x41: {  	_ =	shalt  }
0x42: {  	_ =	shalt  }
0x43: {  	_ =	shalt  }
0x44: {  	_ =	shalt  }
0x45: {  	_ =	shalt  }
0x46: {  	_ =	shalt  }
0x47: {  	_ =	shalt  }
0x48: {  	_ =	shalt  }
0x49: {  	_ =	shalt  }
0x4a: {  	_ =	shalt  }
0x4b: {  	_ =	shalt  }
0x4c: {  	_ =	shalt  }
0x4d: {  	_ =	shalt  }
0x4e: {  	_ =	shalt  }
0x4f: {  	_ =	shalt  }
0x50: {  	_ =	shalt  }
0x51: {  	_ =	shalt  }
0x52: {  	_ =	shalt  }
0x53: {  	_ =	shalt  }
0x54: {  	_ =	shalt  }
0x55: {  	_ =	shalt  }
0x56: {  	_ =	shalt  }
0x57: {  	_ =	shalt  }
0x58: {  	_ =	shalt  }
0x59: {  	_ =	shalt  }
0x5a: {  	_ =	shalt  }
0x5b: {  	_ =	shalt  }
0x5c: {  	_ =	shalt  }
0x5d: {  	_ =	shalt  }
0x5e: {  	_ =	shalt  }
0x5f: {  	_ =	shalt  }
0x60: {  	_ =	shalt  }
0x61: {  	_ =	shalt  }
0x62: {  	_ =	shalt  }
0x63: {  	_ =	shalt  }
0x64: {  	_ =	shalt  }
0x65: {  	_ =	shalt  }
0x66: {  	_ =	shalt  }
0x67: {  	_ =	shalt  }
0x68: {  	_ =	shalt  }
0x69: {  	_ =	shalt  }
0x6a: {  	_ =	shalt  }
0x6b: {  	_ =	shalt  }
0x6c: {  	_ =	shalt  }
0x6d: {  	_ =	shalt  }
0x6e: {  	_ =	shalt  }
0x6f: {  	_ =	shalt  }
0x70: {  	_ =	shalt  }
0x71: {  	_ =	shalt  }
0x72: {  	_ =	shalt  }
0x73: {  	_ =	shalt  }
0x74: {  	_ =	shalt  }
0x75: {  	_ =	shalt  }
0x76: {  	_ =	shalt  }
0x77: {  	_ =	shalt  }
0x78: {  	_ =	shalt  }
0x79: {  	_ =	shalt  }
0x7a: {  	_ =	shalt  }
0x7b: {  	_ =	shalt  }
0x7c: {  	_ =	shalt  }
0x7d: {  	_ =	shalt  }
0x7e: {  	_ =	shalt  }
0x7f: {  	_ =	shalt  }
0x80: {  	_ =	shalt  }
0x81: {  	_ =	shalt  }
0x82: {  	_ =	shalt  }
0x83: {  	_ =	shalt  }
0x84: {  	_ =	shalt  }
0x85: {  	_ =	shalt  }
0x86: {  	_ =	shalt  }
0x87: {  	_ =	shalt  }
.Lfunc_end0:
.L_simem_size_0:
called_computation_lowered:
.L_overlay_start_0:
0x88: {  	s2 =	sld [smem:$0x3FD9]  }
0x89: {  	s3 =	sld [smem:$0x3FFE];
	_ =	sdelay $0x1  }
0x8a: {  	s1 =	srdreg.scid  }
0x8b: {  	s0 =	sand.u32 $0x1, s1  }
0x8c: {  	s14 =	sshll.u32 s0, $0xA;
	s2 =	sadd.s32 s3, s2  }
0x8d: {  	s2 =	sadd.s32 s2, s14  }
0x8e: {  	[smem:$0x3FC7] =	sst s2  }
0x8f: {  	_ = 	snop  }
0x90: {  	s2 =	sld [smem:$0x3FD0];
	_ =	sdelay $0x2  }
0x91: {  	s15 =	simm.s32 $0xA;
	s4 =	simm.s32 $0x10  }
0x92: {  	[smem:s4], [sflag:s15] =	dma.local [hbm:s2], $0x1  }
0x93: {  	_ =	swait.eq [sflag:s15], $0x1  }
0x94: {  	[sflag:s15] =	ssyncset.done $0x0  }
0x95: {  	s16 =	sld [smem:$0x11];
	[sflag:s15] =	ssyncadd.s32 $0xFFFFFFFF  }
0x96: {  	s17 =	sld [smem:$0x12];
	(tm) =	ssettm $0x1  }
0x97: {  	s18 =	sld [smem:$0x3FFB];
	_ =	sdelay $0x3  }
0x98: {  	_ =	strace s18  }
0x99: {  	s4 =	sld [smem:$0x3FFC];
	_ =	sdelay $0x3  }
0x9a: {  	_ =	strace s4  }
0x9b: {  	s4 =	sld [smem:$0x3FFD];
	_ =	sdelay $0x3  }
0x9c: {  	_ =	strace s4  }
0x9d: {  	_ =	strace $0x8FFFFFFF  }
0x9e: {  	s19 =	sld [smem:$0x3FDB];
	_ =	sdelay $0x1  }
0x9f: {  	s5 =	simm.s32 $_scs_section_size  }
0xa0: {  	s6 =	simm.s32 $_size__tile_overlayer_lowered;
	s7 =	simm.s32 $_tile_overlayer_lowered  }
0xa1: {  	s22 =	simm.s32 $0x1BFF;
	s21 =	sshll.u32 s7, $0x1;
	s4 =	sadd.s32 s5, s19  }
0xa2: {  	s8 =	simm.s32 $0x0;
	s20 =	sshll.u32 s6, $0x1;
	s6 =	sadd.s32 s21, s4  }
0xa3: {  	[timem:s8], [sflag:s22] =	dma.local [hbm:s6], s20  }
0xa4: {  	_ =	swait.ge [sflag:s22], s20  }
0xa5: {  	s5 =	ssub.s32 $0x0, s20;
	[sflag:s22] =	ssyncset.done $0x0  }
0xa6: {  	[sflag:s22] =	ssyncadd.s32 s5;
	_ =	sdelay $0x1  }
0xa7: {  	s23 =	simm.s32 $0x1B8B  }
0xa8: {  	_ =	swait.ge [sflag:s23], $0x1  }
0xa9: {  	[sflag:s23] =	ssyncset.done $0x0  }
0xaa: {  	s25 =	simm.s32 $0x1B8E;
	s24 =	sld [smem:$0x3FFE];
	[sflag:s23] =	ssyncadd.s32 $0xFFFFFFFF  }
0xab: {  	s26 =	simm.s32 $execute0_lowered;
	[smem:$0x3FD2] =	sst s25  }
0xac: {  	s6 =	sshll.u32 s26, $0x1;
	_ =	strace $0x80000046;
	[dreg:$0x1] =	wrdreg $0xFFFFFFFF  }
0xad: {  	s28 =	simm.s32 $_size_execute0_lowered;
	s4 =	sadd.s32 s4, s6;
	[dreg:$0x0] =	wrdreg $0x0  }
0xae: {  	s6 =	sshll.u32 s28, $0x1;
	[dreg:$0x2] =	wrdreg s4  }
0xaf: {  	[dreg:$0x3] =	wrdreg s6  }
0xb0: {  	[dreg:$0x4] =	wrdreg $0xC0  }
0xb1: {  	_ =	task [dreg:s8], $0x5FFFF  }
0xb2: {  	[dreg:$0x1] =	wrdreg $0xFFFFFFFF  }
0xb3: {  	[dreg:$0x0] =	wrdreg $0x60  }
0xb4: {  	[dreg:$0x2] =	wrdreg s24  }
0xb5: {  	[dreg:$0x3] =	wrdreg s16  }
0xb6: {  	[dreg:$0x4] =	wrdreg s17  }
0xb7: {  	[dreg:$0x5] =	wrdreg $0x9  }
0xb8: {  	_ =	task.clear_ibuf [dreg:s8], $0x6FFFF;
	_ =	strace $0x90000046  }
0xb9: {  	s29 =	simm.s32 $0x9;
	_ =	strace $0x80000048  }
0xba: {  	_ =	swait.ge [sflag:s29], $0x1  }
0xbb: {  	[sflag:s29] =	ssyncadd.s32 $0xFFFFFFFF  }
0xbc: {  	_ =	strace $0x90000048  }
0xbd: {  	_ =	sfence  }
0xbe: {  	s30 =	sld [smem:$0x0];
	_ =	sdelay $0x2  }
0xbf: {  	s31 =	sshll.u32 s1, $0xD;
	s1 =	sshrl.u32 s1, $0x2  }
0xc0: {  	s3 =	sand.u32 $0x4000, s31;
	s1 =	sadd.s32 s1, s30  }
0xc1: {  	s0 =	sor.u32 s3, s0;
	s1 =	sshll.u32 s1, $0x11  }
0xc2: {  	s0 =	sor.u32 s1, s0  }
0xc3: {  	s0 =	sadd.s32 $0x8F2B, s0  }
0xc4: {  	[sflag:s0] =	ssyncadd.remote.s32 $0x1  }
0xc5: {  	_ =	sfence.sel $0xFFFF  }
0xc6: {  	[dreg:$0x0] =	wrdreg $0xFFFFFFFF;
	(pc) =	sbr.abs _section_cstart, $3  }
0xc7: {  	[dreg:$0x1] =	wrdreg $0xFFFFFFFF  }
0xc8: {  	_ =	task.clear_ibuf [dreg:s8], $0x2FFFF;
	_ =	strace $0x9FFFFFFF  }
0xc9: {  	(tm) =	ssettm $0x7FFFFFFF  }
tec
execute0_lowered:
.L_overlay_start_1:
0x0: {  	(tag) =	ssettag $0x1  }
0x1: {  	s3 =	rddreg [dreg:$0x0]  }
0x2: {  	s4 =	rddreg [dreg:$0x1]  }
0x3: {  	s5 =	rddreg [dreg:$0x2];
	s2 =	srdreg.scid  }
0x4: {  	s1 =	stileid.u32;
	s0 =	rddreg [dreg:$0x3]  }
0x5: {  	s6 =	sand.u32 $0x1, s2;
	s24 =	sshll.u32 s1, $0x9;
	s8 =	sshrl.u32 s1, $0x1  }
0x6: {  	s2 =	simm.s32 $0x0;
	s3 =	sadd.s32 $0xA00, s3;
	s7 =	sshll.u32 s6, $0x8  }
0x7: {  	s9 =	sand.u32 $0x200, s24;
	s10 =	sshll.u32 s8, $0xC;
	[smem:$0x7FF] =	sst s2  }
0x8: {  	s8 =	sshll.u32 s8, $0xB;
	s6 =	ssub.s32 $0x2, s6;
	s7 =	sor.u32 s7, s9  }
0x9: {  	_ =	strace $0x80000047;
	s30 =	sshrl.u32 s6, $0x1;
	s9 =	sor.u32 s10, s7  }
0xa: {  	s11 =	sor.u32 s8, s7;
	s7 =	sor.u32 $0x80, s7;
	s9 =	sshrl.u32 s9, $0x3  }
0xb: {  	s11 =	sshrl.u32 s11, $0x3;
	s26 =	sor.u32 s10, s7;
	s9 =	sadd.s32 s3, s9  }
0xc: {  	s7 =	sor.u32 s8, s7;
	s25 =	sadd.s32 s4, s11;
	[dreg:$0x4] =	wrdreg s9  }
0xd: {  	v0 =	vimm.s32 $0x0;
	v1 =	vlaneseq.u32;
	s8 =	simm.s32 $0x300;
	s28 =	sadd.s32 s5, s11;
	[dreg:$0x5] =	wrdreg s25  }
0xe: {  	v2 =	vor.u32 $0x10, v1;
	v3 =	vor.u32 $0x20, v1;
	v4 =	vor.u32 $0x30, v1;
	s7 =	sshrl.u32 s7, $0x3;
	s9 =	sshrl.u32 s26, $0x3;
	[dreg:$0x6] =	wrdreg s28  }
0xf: {  	v5 =	vor.u32 $0x40, v1;
	v6 =	vor.u32 $0x50, v1;
	v7 =	vor.u32 $0x60, v1;
	s29 =	sadd.s32 s4, s7;
	s31 =	sadd.s32 s5, s7;
	s4 =	ssub.s32 s6, s30  }
0x10: {  	v8 =	vor.u32 $0x70, v1;
	v9 =	vor.u32 $0x80, v1;
	v10 =	vor.u32 $0x90, v1;
	s5 =	simm.s32 $0x400;
	s6 =	simm.s32 $0x1;
	[dreg:$0x8] =	wrdreg s29  }
0x11: {  	v11 =	vor.u32 $0xA0, v1;
	v12 =	vor.u32 $0xB0, v1;
	v13 =	vor.u32 $0xC0, v1;
	s7 =	simm.s32 $0x200;
	s3 =	sadd.s32 s3, s9;
	[dreg:$0x9] =	wrdreg s31  }
0x12: {  	v14 =	vor.u32 $0xD0, v1;
	v15 =	vor.u32 $0xE0, v1;
	v16 =	vor.u32 $0xF0, v1;
	[dreg:$0x7] =	wrdreg s3;
	s3 =	smax.u32 s4, $0x1;
	s4 =	simm.s32 $0x80  }
.LBB2_1:
0x13: {  	s9 =	rddreg [dreg:$0x4]  }
0x14: {  	[tilespmem:s2], [sflag:$0x1] =	stream.strided.gather [hbm4b:s9+s4], $0x200, s5, s4, $0x38;
	[tilespmem:$0x400] =	vst v63  }
0x15: {  	_ =	swait.ge [sflag:s6], $0x200  }
0x16: {  	[sflag:s6] =	ssyncset.done $0x0  }
0x17: {  	[sflag:s6] =	ssyncadd.s32 $0xFFFFFE00  }
0x18: {  	v17 =	vld [tilespmem:$0x100]  }
0x19: {  	v18 =	vld [tilespmem:$0x0]  }
0x1a: {  	v19 =	vld [tilespmem:$0x110]  }
0x1b: {  	v20 =	vld [tilespmem:$0x10]  }
0x1c: {  	v21 =	vld [tilespmem:$0x120]  }
0x1d: {  	v22 =	vld [tilespmem:$0x20]  }
0x1e: {  	v23 =	vld [tilespmem:$0x130];
	vm0 =	vgt.f32 v17, $5.000000000e-01  }
0x1f: {  	v24 =	vld [tilespmem:$0x30];
	vm1 =	vgt.f32 v18, $5.000000000e-01;
	vm2 =	vmneg vm0  }
0x20: {  	v63 =	vld [tilespmem:$0x140];
	vm2 =	vmand vm1, vm2  }
0x21: {  	v18 =	vsel vm2, $0x1, v0  }
0x22: {  	v28 =	vld [tilespmem:$0x40];
	(xrf0) =	vadd.scan.msk.s32 $0xffff, v18  }
0x23: {  	v29 =	vld [tilespmem:$0x150];
	vm9 =	vgt.f32 v19, $5.000000000e-01;
	vm4 =	vgt.f32 v20, $5.000000000e-01;
	vm10 =	vgt.f32 v21, $5.000000000e-01  }
0x24: {  	v31 =	vld [tilespmem:$0x50];
	vm5 =	vgt.f32 v22, $5.000000000e-01;
	vm13 =	vgt.f32 v23, $5.000000000e-01;
	vm15 =	vgt.f32 v24, $5.000000000e-01  }
0x25: {  	v45 =	vld [tilespmem:$0x60];
	vm8 =	vgt.f32 v63, $5.000000000e-01;
	vm3 =	vmneg vm9;
	v19 =	vsel vm0, $0x1, v0  }
0x26: {  	v43 =	vld [tilespmem:$0x160];
	vm11 =	vmneg vm10;
	v30 =	vsel vm9, $0x1, v0;
	vm14 =	vmneg vm13  }
0x27: {  	v47 =	vld [tilespmem:$0x170];
	v33 =	vsel vm10, $0x1, v0;
	vm9 =	vmneg vm8;
	vm3 =	vmand vm4, vm3  }
0x28: {  	v49 =	vld [tilespmem:$0x70];
	vm10 =	vgt.f32 v28, $5.000000000e-01;
	v35 =	vsel vm13, $0x1, v0;
	v25 =	vsel vm3, $0x1, v0;
	v17, _, _ =	vpop (xrf0);
	(xrf0) =	vadd.scan.msk.s32 $0xffff, v19  }
0x29: {  	v26 =	vld [tilespmem:$0x180];
	v38 =	vsel vm8, $0x1, v0;
	vm12 =	vmand vm5, vm11;
	vm11 =	vmand vm10, vm9;
	(xrf0) =	vadd.scan.msk.s32 $0xffff, v25  }
0x2a: {  	v55 =	vld [tilespmem:$0x90];
	vm9 =	vgt.f32 v45, $5.000000000e-01;
	v32 =	vsel vm12, $0x1, v0;
	vm2 =	vmand vm15, vm14;
	(xrf0) =	vadd.scan.msk.s32 $0xffff, v30  }
0x2b: {  	v52 =	vld [tilespmem:$0x80];
	vm12 =	vgt.f32 v29, $5.000000000e-01;
	v36 =	vsel vm11, $0x1, v0;
	vm14 =	vgt.f32 v31, $5.000000000e-01;
	(xrf0) =	vadd.scan.msk.s32 $0xffff, v32  }
0x2c: {  	v53 =	vld [tilespmem:$0x190];
	vm15 =	vgt.f32 v43, $5.000000000e-01;
	vm11 =	vgt.f32 v47, $5.000000000e-01;
	v34 =	vsel vm2, $0x1, v0;
	(xrf0) =	vadd.scan.msk.s32 $0xffff, v33  }
0x2d: {  	vm13 =	vmneg vm12;
	vm8 =	vmneg vm15;
	v54 =	vsel vm12, $0x1, v0;
	(xrf0) =	vadd.scan.msk.s32 $0xffff, v34  }
0x2e: {  	vm12 =	vmneg vm11;
	v58 =	vsel vm15, $0x1, v0;
	v61 =	vsel vm11, $0x1, v0;
	v20, _, _ =	vpop (xrf0);
	(xrf0) =	vadd.scan.msk.s32 $0xffff, v35  }
0x2f: {  	v57 =	vld [tilespmem:$0x1A0];
	vm11 =	vgt.f32 v55, $5.000000000e-01;
	vm3 =	vmand vm14, vm13;
	vm10 =	vmand vm9, vm8;
	v37, _, _ =	vpop (xrf0);
	(xrf0) =	vadd.scan.msk.s32 $0xffff, v36  }
0x30: {  	vm13 =	vgt.f32 v49, $5.000000000e-01;
	vm14 =	vgt.f32 v26, $5.000000000e-01;
	v40 =	vsel vm3, $0x1, v0;
	v39, _, _ =	vpop (xrf0);
	(xrf0) =	vadd.scan.msk.s32 $0xffff, v38  }
0x31: {  	vm8 =	vgt.f32 v52, $5.000000000e-01;
	vm9 =	vgt.f32 v53, $5.000000000e-01;
	v56 =	vsel vm10, $0x1, v0;
	v41, _, _ =	vpop (xrf0);
	(xrf0) =	vadd.scan.msk.s32 $0xffff, v40  }
0x32: {  	v59 =	vld [tilespmem:$0xA0];
	vm2 =	vmand vm13, vm12;
	vm15 =	vmneg vm14;
	(v2sf) =	vpush v17, $0xF;
	v42, _, _ =	vpop (xrf0)  }
0x33: {  	vm10 =	vmneg vm9;
	v63 =	vsel vm14, $0x1, v0;
	(v2sf) =	vpush v20, $0xF;
	v44, _, _ =	vpop (xrf0)  }
0x34: {  	vm13 =	vgt.f32 v57, $5.000000000e-01;
	v28 =	vsel vm9, $0x1, v0;
	v33 =	vld [tilespmem:$0x1B0];
	(v2sf) =	vpush v37, $0xF;
	v46, _, _ =	vpop (xrf0);
	(xrf0) =	vadd.scan.msk.s32 $0xffff, v54  }
0x35: {  	v60 =	vsel vm2, $0x1, v0;
	vm2 =	vmand vm8, vm15;
	(v2sf) =	vpush v39, $0xF;
	v48, _, _ =	vpop (xrf0);
	(xrf0) =	vadd.scan.msk.s32 $0xffff, v56  }
0x36: {  	vm12 =	vmand vm11, vm10;
	vm14 =	vmneg vm13;
	v35 =	vld [tilespmem:$0xB0];
	(v2sf) =	vpush v41, $0xF;
	v50, _, _ =	vpop (xrf0);
	(xrf0) =	vadd.scan.msk.s32 $0xffff, v58  }
0x37: {  	v43 =	vld [tilespmem:$0xD0];
	vm15 =	vgt.f32 v59, $5.000000000e-01;
	v45 =	vsel vm13, $0x1, v0;
	(v2sf) =	vpush v42, $0xF;
	v51, _, _ =	vpop (xrf0);
	(xrf0) =	vadd.scan.msk.s32 $0xffff, v60  }
0x38: {  	v62 =	vsel vm2, $0x1, v0;
	vm3 =	vmand vm15, vm14;
	v37 =	vld [tilespmem:$0x1C0];
	(v2sf) =	vpush v44, $0xF;
	(xrf0) =	vadd.scan.msk.s32 $0xffff, v61  }
0x39: {  	v25 =	vsel vm12, $0x1, v0;
	v39 =	vld [tilespmem:$0xC0];
	vm8 =	vgt.f32 v33, $5.000000000e-01;
	(v2sf) =	vpush v46, $0xF;
	(xrf0) =	vadd.scan.msk.s32 $0xffff, v62  }
0x3a: {  	v30 =	vsel vm3, $0x1, v0;
	vm9 =	vmneg vm8;
	(v2sf) =	vpush v48, $0xF;
	v24, _, _ =	vpop (xrf0);
	(xrf0) =	vadd.scan.msk.s32 $0xffff, v63  }
0x3b: {  	v41 =	vld [tilespmem:$0x1D0];
	v49 =	vsel vm8, $0x1, v0;
	vm10 =	vgt.f32 v35, $5.000000000e-01;
	(v2sf) =	vpush v50, $0xF;
	v27, _, _ =	vpop (xrf0);
	(xrf0) =	vadd.scan.msk.s32 $0xffff, v25  }
0x3c: {  	vm11 =	vmand vm10, vm9;
	vm9 =	vgt.f32 v43, $5.000000000e-01;
	(v2sf) =	vpush v51, $0xF;
	v29, _, _ =	vpop (xrf0);
	(xrf0) =	vadd.scan.msk.s32 $0xffff, v28  }
0x3d: {  	v44 =	vld [tilespmem:$0x1E0];
	vm12 =	vgt.f32 v37, $5.000000000e-01;
	v47 =	vsel vm11, $0x1, v0;
	(v2sf) =	vpush v24, $0xF;
	v31, _, _ =	vpop (xrf0);
	(xrf0) =	vadd.scan.msk.s32 $0xffff, v30  }
0x3e: {  	v46 =	vld [tilespmem:$0xE0];
	vm13 =	vmneg vm12;
	vm14 =	vgt.f32 v39, $5.000000000e-01;
	(v2sf) =	vpush v27, $0xF;
	v32, _, _ =	vpop (xrf0)  }
0x3f: {  	v52 =	vsel vm12, $0x1, v0;
	vm2 =	vmand vm14, vm13;
	(v2sf) =	vpush v29, $0xF;
	v34, _, _ =	vpop (xrf0)  }
0x40: {  	v48 =	vld [tilespmem:$0x1F0];
	vm15 =	vgt.f32 v41, $5.000000000e-01;
	v51 =	vsel vm2, $0x1, v0;
	(v2sf) =	vpush v31, $0xF;
	v36, _, _ =	vpop (xrf0);
	(xrf0) =	vadd.scan.msk.s32 $0xffff, v45  }
0x41: {  	v50 =	vld [tilespmem:$0xF0];
	s9 =	spop (v2sf);
	vm8 =	vmneg vm15;
	v54 =	vsel vm15, $0x1, v0;
	(v2sf) =	vpush v32, $0xF;
	v38, _, _ =	vpop (xrf0);
	(xrf0) =	vadd.scan.msk.s32 $0xffff, v47  }
0x42: {  	vm2 =	vmand vm9, vm8;
	vm10 =	vgt.f32 v44, $5.000000000e-01;
	s10 =	spop (v2sf);
	(v2sf) =	vpush v34, $0xF;
	v40, _, _ =	vpop (xrf0);
	(xrf0) =	vadd.scan.msk.s32 $0xffff, v49  }
0x43: {  	vm11 =	vmneg vm10;
	vm12 =	vgt.f32 v46, $5.000000000e-01;
	s11 =	spop (v2sf);
	(v2sf) =	vpush v36, $0xF;
	v42, _, _ =	vpop (xrf0);
	(xrf0) =	vadd.scan.msk.s32 $0xffff, v51  }
0x44: {  	v53 =	vsel vm2, $0x1, v0;
	vm2 =	vmand vm12, vm11;
	s12 =	spop (v2sf);
	(v2sf) =	vpush v38, $0xF;
	(xrf0) =	vadd.scan.msk.s32 $0xffff, v52  }
0x45: {  	vm13 =	vgt.f32 v48, $5.000000000e-01;
	v56 =	vsel vm2, $0x1, v0;
	s13 =	spop (v2sf);
	(v2sf) =	vpush v40, $0xF;
	(xrf0) =	vadd.scan.msk.s32 $0xffff, v53  }
0x46: {  	vm14 =	vmneg vm13;
	vm15 =	vgt.f32 v50, $5.000000000e-01;
	s14 =	spop (v2sf);
	(v2sf) =	vpush v42, $0xF;
	v55, _, _ =	vpop (xrf0);
	(xrf0) =	vadd.scan.msk.s32 $0xffff, v54  }
0x47: {  	v58 =	vsel vm10, $0x1, v0;
	vm2 =	vmand vm15, vm14;
	s15 =	spop (v2sf);
	(v2sf) =	vpush v55, $0xF;
	v57, _, _ =	vpop (xrf0);
	(xrf0) =	vadd.scan.msk.s32 $0xffff, v56  }
0x48: {  	v60 =	vsel vm2, $0x1, v0;
	s16 =	spop (v2sf);
	(v2sf) =	vpush v57, $0xF;
	v59, _, _ =	vpop (xrf0);
	(xrf0) =	vadd.scan.msk.s32 $0xffff, v58  }
0x49: {  	v62 =	vsel vm13, $0x1, v0;
	s17 =	spop (v2sf);
	(v2sf) =	vpush v59, $0xF;
	v61, _, _ =	vpop (xrf0);
	(xrf0) =	vadd.scan.msk.s32 $0xffff, v60  }
0x4a: {  	s18 =	spop (v2sf);
	(v2sf) =	vpush v61, $0xF;
	v63, _, _ =	vpop (xrf0);
	(xrf0) =	vadd.scan.msk.s32 $0xffff, v62  }
0x4b: {  	s19 =	spop (v2sf);
	(v2sf) =	vpush v63, $0xF;
	v24, _, _ =	vpop (xrf0)  }
0x4c: {  	s20 =	spop (v2sf);
	(v2sf) =	vpush v24, $0xF;
	v25, _, _ =	vpop (xrf0)  }
0x4d: {  	s21 =	spop (v2sf);
	(v2sf) =	vpush v25, $0xF;
	v26, _, _ =	vpop (xrf0)  }
0x4e: {  	s22 =	spop (v2sf);
	(v2sf) =	vpush v26, $0xF;
	v27, _, _ =	vpop (xrf0)  }
0x4f: {  	s23 =	spop (v2sf);
	(v2sf) =	vpush v27, $0xF;
	v28, _, _ =	vpop (xrf0)  }
0x50: {  	s24 =	spop (v2sf);
	(v2sf) =	vpush v28, $0xF;
	v29, _, _ =	vpop (xrf0)  }
0x51: {  	s25 =	spop (v2sf);
	(v2sf) =	vpush v29, $0xF  }
0x52: {  	s11 =	sadd.s32 s9, s11;
	s26 =	spop (v2sf)  }
0x53: {  	s12 =	sadd.s32 s12, s10;
	s11 =	sadd.s32 s13, s11;
	s30 =	spop (v2sf)  }
0x54: {  	s12 =	sadd.s32 s14, s12;
	s11 =	sadd.s32 s15, s11;
	s31 =	spop (v2sf)  }
0x55: {  	s12 =	sadd.s32 s16, s12;
	s11 =	sadd.s32 s17, s11;
	s17 =	spop (v2sf)  }
0x56: {  	s12 =	sadd.s32 s18, s12;
	s11 =	sadd.s32 s19, s11;
	s19 =	spop (v2sf)  }
0x57: {  	s12 =	sadd.s32 s20, s12;
	s11 =	sadd.s32 s21, s11;
	s21 =	spop (v2sf)  }
0x58: {  	s12 =	sadd.s32 s22, s12;
	s11 =	sadd.s32 s23, s11;
	s23 =	spop (v2sf)  }
0x59: {  	s12 =	sadd.s32 s24, s12;
	s11 =	sadd.s32 s25, s11;
	s28 =	spop (v2sf)  }
0x5a: {  	s12 =	sadd.s32 s26, s12;
	s11 =	sadd.s32 s30, s11;
	s29 =	spop (v2sf)  }
0x5b: {  	s12 =	sadd.s32 s31, s12;
	s11 =	sadd.s32 s17, s11;
	s30 =	spop (v2sf)  }
0x5c: {  	s12 =	sadd.s32 s19, s12;
	s11 =	sadd.s32 s21, s11;
	s31 =	spop (v2sf)  }
0x5d: {  	s12 =	sadd.s32 s23, s12;
	s11 =	sadd.s32 s28, s11;
	s17 =	spop (v2sf)  }
0x5e: {  	s12 =	sadd.s32 s29, s12;
	s11 =	sadd.s32 s30, s11;
	s18 =	spop (v2sf)  }
0x5f: {  	v18 =	vsub.s32 v17, v18;
	v19 =	vsub.s32 v20, v19;
	s12 =	sadd.s32 s31, s12;
	s11 =	sadd.s32 s17, s11;
	s19 =	spop (v2sf)  }
0x60: {  	v20 =	vadd.s32 v18, v19;
	s12 =	sadd.s32 s18, s12;
	s11 =	sadd.s32 s19, s11;
	s20 =	spop (v2sf)  }
0x61: {  	s12 =	sadd.s32 s20, s12;
	v20 =	vsub.s32 s11, v20  }
0x62: {  	s12 =	ssub.s32 $0x100, s12;
	v20 =	vadd.s32 v1, v20  }
0x63: {  	v19 =	vadd.s32 s12, v19;
	v18 =	vsel vm1, v18, v20  }
0x64: {  	v18 =	vsel vm0, v19, v18;
	_ =	sdelay $0x3  }
0x65: {  	[tilespmem:$0x300] =	vst v18  }
0x66: {  	[tilespmem:v18+s7+$0x0] =	vst.idx.msk $0xffff, v1  }
0x67: {  	v18 =	vld [tilespmem:$0x110]  }
0x68: {  	v19 =	vld [tilespmem:$0x10];
	_ =	sdelay $0x3  }
0x69: {  	vm5 =	vgt.f32 v18, $5.000000000e-01  }
0x6a: {  	vm7 =	vgt.f32 v19, $5.000000000e-01;
	vm6 =	vmneg vm5  }
0x6b: {  	vm1 =	vmand vm7, vm6  }
0x6c: {  	v18 =	vsel vm1, $0x1, v0  }
0x6d: {  	v19 =	vsel vm5, $0x1, v0;
	(xrf0) =	vadd.scan.msk.s32 $0xffff, v18  }
0x6e: {  	(xrf0) =	vadd.scan.msk.s32 $0xffff, v19;
	_ =	sdelay $0x4  }
0x6f: {  	v30, _, _ =	vpop (xrf0)  }
0x70: {  	s21 =	sadd.s32 s10, s9;
	v31, _, _ =	vpop (xrf0)  }
0x71: {  	s11 =	ssub.s32 s11, s21;
	v18 =	vsub.s32 v30, v18;
	v19 =	vsub.s32 v31, v19  }
0x72: {  	v17 =	vbroadcast v17, $0xF;
	s13 =	sadd.s32 $0x10, s11;
	v32 =	vadd.s32 v18, v19  }
0x73: {  	v22 =	vsub.s32 s13, v32  }
0x74: {  	s10 =	sadd.s32 s10, s12;
	v17 =	vadd.s32 v17, v18;
	v18 =	vadd.s32 v1, v22  }
0x75: {  	v19 =	vadd.s32 s10, v19;
	v17 =	vsel vm7, v17, v18  }
0x76: {  	v17 =	vsel vm5, v19, v17;
	_ =	sdelay $0x3  }
0x77: {  	[tilespmem:$0x310] =	vst v17  }
0x78: {  	(v2sf) =	vpush v30, $0xF;
	[tilespmem:v17+s7+$0x0] =	vst.idx.msk $0xffff, v2  }
0x79: {  	(v2sf) =	vpush v31, $0xF;
	v17 =	vld [tilespmem:$0x120]  }
0x7a: {  	v18 =	vld [tilespmem:$0x20];
	_ =	sdelay $0x3  }
0x7b: {  	vm8 =	vgt.f32 v17, $5.000000000e-01  }
0x7c: {  	vm10 =	vgt.f32 v18, $5.000000000e-01;
	vm9 =	vmneg vm8  }
0x7d: {  	vm1 =	vmand vm10, vm9  }
0x7e: {  	v17 =	vsel vm1, $0x1, v0  }
0x7f: {  	v18 =	vsel vm8, $0x1, v0;
	(xrf0) =	vadd.scan.msk.s32 $0xffff, v17  }
0x80: {  	(xrf0) =	vadd.scan.msk.s32 $0xffff, v18;
	_ =	sdelay $0x3  }
0x81: {  	s22 =	spop (v2sf)  }
0x82: {  	s23 =	spop (v2sf);
	v19, _, _ =	vpop (xrf0)  }
0x83: {  	s24 =	sadd.s32 s22, s23;
	v33, _, _ =	vpop (xrf0)  }
0x84: {  	s11 =	ssub.s32 s11, s24;
	v17 =	vsub.s32 v19, v17;
	v18 =	vsub.s32 v33, v18  }
0x85: {  	s14 =	sadd.s32 $0x20, s11;
	v34 =	vadd.s32 v17, v18  }
0x86: {  	s9 =	sadd.s32 s9, s22;
	v21 =	vsub.s32 s14, v34  }
0x87: {  	s10 =	sadd.s32 s10, s23;
	v17 =	vadd.s32 s9, v17;
	v21 =	vadd.s32 v1, v21  }
0x88: {  	v18 =	vadd.s32 s10, v18;
	v17 =	vsel vm10, v17, v21  }
0x89: {  	v17 =	vsel vm8, v18, v17;
	_ =	sdelay $0x3  }
0x8a: {  	[tilespmem:$0x320] =	vst v17  }
0x8b: {  	[tilespmem:v17+s7+$0x0] =	vst.idx.msk $0xffff, v3  }
0x8c: {  	v17 =	vld [tilespmem:$0x130]  }
0x8d: {  	v18 =	vld [tilespmem:$0x30];
	_ =	sdelay $0x1  }
0x8e: {  	(v2sf) =	vpush v19, $0xF  }
0x8f: {  	(v2sf) =	vpush v33, $0xF  }
0x90: {  	vm11 =	vgt.f32 v17, $5.000000000e-01  }
0x91: {  	vm13 =	vgt.f32 v18, $5.000000000e-01;
	vm12 =	vmneg vm11  }
0x92: {  	vm1 =	vmand vm13, vm12  }
0x93: {  	v17 =	vsel vm1, $0x1, v0  }
0x94: {  	(xrf0) =	vadd.scan.msk.s32 $0xffff, v17;
	_ =	sdelay $0x3  }
0x95: {  	v18 =	vsel vm11, $0x1, v0  }
0x96: {  	(xrf0) =	vadd.scan.msk.s32 $0xffff, v18  }
0x97: {  	v19, _, _ =	vpop (xrf0)  }
0x98: {  	(v2sf) =	vpush v19, $0xF;
	_ =	sdelay $0x1  }
0x99: {  	s25 =	spop (v2sf)  }
0x9a: {  	s26 =	spop (v2sf)  }
0x9b: {  	s28 =	sadd.s32 s25, s26;
	v35, _, _ =	vpop (xrf0)  }
0x9c: {  	s11 =	ssub.s32 s11, s28;
	v17 =	vsub.s32 v19, v17;
	v18 =	vsub.s32 v35, v18  }
0x9d: {  	s14 =	sadd.s32 $0x30, s11;
	v19 =	vadd.s32 v17, v18  }
0x9e: {  	s9 =	sadd.s32 s9, s25;
	v19 =	vsub.s32 s14, v19  }
0x9f: {  	s10 =	sadd.s32 s10, s26;
	v17 =	vadd.s32 s9, v17;
	v19 =	vadd.s32 v1, v19  }
0xa0: {  	v18 =	vadd.s32 s10, v18;
	v17 =	vsel vm13, v17, v19  }
0xa1: {  	v17 =	vsel vm11, v18, v17;
	_ =	sdelay $0x3  }
0xa2: {  	[tilespmem:$0x330] =	vst v17  }
0xa3: {  	[tilespmem:v17+s7+$0x0] =	vst.idx.msk $0xffff, v4;
	s29 =	spop (v2sf)  }
0xa4: {  	(v2sf) =	vpush v35, $0xF  }
0xa5: {  	v17 =	vld [tilespmem:$0x140]  }
0xa6: {  	v18 =	vld [tilespmem:$0x40];
	_ =	sdelay $0x3  }
0xa7: {  	vm14 =	vgt.f32 v17, $5.000000000e-01  }
0xa8: {  	vm4 =	vgt.f32 v18, $5.000000000e-01;
	vm15 =	vmneg vm14  }
0xa9: {  	vm1 =	vmand vm4, vm15  }
0xaa: {  	v17 =	vsel vm1, $0x1, v0  }
0xab: {  	v18 =	vsel vm14, $0x1, v0;
	(xrf0) =	vadd.scan.msk.s32 $0xffff, v17  }
0xac: {  	(xrf0) =	vadd.scan.msk.s32 $0xffff, v18;
	_ =	sdelay $0x4  }
0xad: {  	s30 =	spop (v2sf);
	v19, _, _ =	vpop (xrf0)  }
0xae: {  	s31 =	sadd.s32 s29, s30;
	v20, _, _ =	vpop (xrf0)  }
0xaf: {  	s11 =	ssub.s32 s11, s31;
	v17 =	vsub.s32 v19, v17;
	v18 =	vsub.s32 v20, v18  }
0xb0: {  	s14 =	sadd.s32 $0x40, s11;
	v36 =	vadd.s32 v17, v18  }
0xb1: {  	s9 =	sadd.s32 s9, s29;
	v21 =	vsub.s32 s14, v36  }
0xb2: {  	s10 =	sadd.s32 s10, s30;
	v17 =	vadd.s32 s9, v17;
	v21 =	vadd.s32 v1, v21  }
0xb3: {  	v18 =	vadd.s32 s10, v18;
	v17 =	vsel vm4, v17, v21  }
0xb4: {  	v17 =	vsel vm14, v18, v17;
	_ =	sdelay $0x3  }
0xb5: {  	[tilespmem:$0x340] =	vst v17  }
0xb6: {  	(v2sf) =	vpush v19, $0xF;
	[tilespmem:v17+s7+$0x0] =	vst.idx.msk $0xffff, v5  }
0xb7: {  	(v2sf) =	vpush v20, $0xF;
	v17 =	vld [tilespmem:$0x150]  }
0xb8: {  	v18 =	vld [tilespmem:$0x50];
	_ =	sdelay $0x3  }
0xb9: {  	vm5 =	vgt.f32 v17, $5.000000000e-01  }
0xba: {  	vm7 =	vgt.f32 v18, $5.000000000e-01;
	vm6 =	vmneg vm5  }
0xbb: {  	vm1 =	vmand vm7, vm6  }
0xbc: {  	v17 =	vsel vm1, $0x1, v0  }
0xbd: {  	v18 =	vsel vm5, $0x1, v0;
	(xrf0) =	vadd.scan.msk.s32 $0xffff, v17  }
0xbe: {  	(xrf0) =	vadd.scan.msk.s32 $0xffff, v18;
	_ =	sdelay $0x3  }
0xbf: {  	s13 =	spop (v2sf)  }
0xc0: {  	s15 =	spop (v2sf);
	v19, _, _ =	vpop (xrf0)  }
0xc1: {  	s16 =	sadd.s32 s13, s15;
	v37, _, _ =	vpop (xrf0)  }
0xc2: {  	s11 =	ssub.s32 s11, s16;
	v17 =	vsub.s32 v19, v17;
	v18 =	vsub.s32 v37, v18  }
0xc3: {  	s14 =	sadd.s32 $0x50, s11;
	v38 =	vadd.s32 v17, v18  }
0xc4: {  	s9 =	sadd.s32 s9, s13;
	v21 =	vsub.s32 s14, v38  }
0xc5: {  	s10 =	sadd.s32 s10, s15;
	v17 =	vadd.s32 s9, v17;
	v21 =	vadd.s32 v1, v21  }
0xc6: {  	v18 =	vadd.s32 s10, v18;
	v17 =	vsel vm7, v17, v21  }
0xc7: {  	v17 =	vsel vm5, v18, v17;
	_ =	sdelay $0x3  }
0xc8: {  	[tilespmem:$0x350] =	vst v17  }
0xc9: {  	(v2sf) =	vpush v19, $0xF;
	[tilespmem:v17+s7+$0x0] =	vst.idx.msk $0xffff, v6  }
0xca: {  	(v2sf) =	vpush v37, $0xF;
	v17 =	vld [tilespmem:$0x160]  }
0xcb: {  	v18 =	vld [tilespmem:$0x60];
	_ =	sdelay $0x3  }
0xcc: {  	vm8 =	vgt.f32 v17, $5.000000000e-01  }
0xcd: {  	vm10 =	vgt.f32 v18, $5.000000000e-01;
	vm9 =	vmneg vm8  }
0xce: {  	vm1 =	vmand vm10, vm9  }
0xcf: {  	v17 =	vsel vm1, $0x1, v0  }
0xd0: {  	v18 =	vsel vm8, $0x1, v0;
	(xrf0) =	vadd.scan.msk.s32 $0xffff, v17  }
0xd1: {  	(xrf0) =	vadd.scan.msk.s32 $0xffff, v18;
	_ =	sdelay $0x3  }
0xd2: {  	s17 =	spop (v2sf)  }
0xd3: {  	s18 =	spop (v2sf);
	v19, _, _ =	vpop (xrf0)  }
0xd4: {  	s19 =	sadd.s32 s17, s18;
	v39, _, _ =	vpop (xrf0)  }
0xd5: {  	s11 =	ssub.s32 s11, s19;
	v17 =	vsub.s32 v19, v17;
	v18 =	vsub.s32 v39, v18  }
0xd6: {  	s14 =	sadd.s32 $0x60, s11;
	v40 =	vadd.s32 v17, v18  }
0xd7: {  	s9 =	sadd.s32 s9, s17;
	v21 =	vsub.s32 s14, v40  }
0xd8: {  	s10 =	sadd.s32 s10, s18;
	v17 =	vadd.s32 s9, v17;
	v21 =	vadd.s32 v1, v21  }
0xd9: {  	v18 =	vadd.s32 s10, v18;
	v17 =	vsel vm10, v17, v21  }
0xda: {  	v17 =	vsel vm8, v18, v17;
	_ =	sdelay $0x3  }
0xdb: {  	[tilespmem:$0x360] =	vst v17  }
0xdc: {  	(v2sf) =	vpush v19, $0xF;
	[tilespmem:v17+s7+$0x0] =	vst.idx.msk $0xffff, v7  }
0xdd: {  	(v2sf) =	vpush v39, $0xF;
	v17 =	vld [tilespmem:$0x170]  }
0xde: {  	v18 =	vld [tilespmem:$0x70];
	_ =	sdelay $0x3  }
0xdf: {  	vm11 =	vgt.f32 v17, $5.000000000e-01  }
0xe0: {  	vm13 =	vgt.f32 v18, $5.000000000e-01;
	vm12 =	vmneg vm11  }
0xe1: {  	vm1 =	vmand vm13, vm12  }
0xe2: {  	v17 =	vsel vm1, $0x1, v0  }
0xe3: {  	v18 =	vsel vm11, $0x1, v0;
	(xrf0) =	vadd.scan.msk.s32 $0xffff, v17  }
0xe4: {  	(xrf0) =	vadd.scan.msk.s32 $0xffff, v18;
	_ =	sdelay $0x3  }
0xe5: {  	s20 =	spop (v2sf)  }
0xe6: {  	s21 =	spop (v2sf);
	v19, _, _ =	vpop (xrf0)  }
0xe7: {  	s22 =	sadd.s32 s20, s21;
	v41, _, _ =	vpop (xrf0)  }
0xe8: {  	s11 =	ssub.s32 s11, s22;
	v17 =	vsub.s32 v19, v17;
	v18 =	vsub.s32 v41, v18  }
0xe9: {  	s14 =	sadd.s32 $0x70, s11;
	v42 =	vadd.s32 v17, v18  }
0xea: {  	s9 =	sadd.s32 s9, s20;
	v21 =	vsub.s32 s14, v42  }
0xeb: {  	s10 =	sadd.s32 s10, s21;
	v17 =	vadd.s32 s9, v17;
	v21 =	vadd.s32 v1, v21  }
0xec: {  	v18 =	vadd.s32 s10, v18;
	v17 =	vsel vm13, v17, v21  }
0xed: {  	v17 =	vsel vm11, v18, v17;
	_ =	sdelay $0x3  }
0xee: {  	[tilespmem:$0x370] =	vst v17  }
0xef: {  	(v2sf) =	vpush v19, $0xF;
	[tilespmem:v17+s7+$0x0] =	vst.idx.msk $0xffff, v8  }
0xf0: {  	(v2sf) =	vpush v41, $0xF;
	v17 =	vld [tilespmem:$0x180]  }
0xf1: {  	v18 =	vld [tilespmem:$0x80];
	_ =	sdelay $0x3  }
0xf2: {  	vm14 =	vgt.f32 v17, $5.000000000e-01  }
0xf3: {  	vm4 =	vgt.f32 v18, $5.000000000e-01;
	vm15 =	vmneg vm14  }
0xf4: {  	vm1 =	vmand vm4, vm15  }
0xf5: {  	v17 =	vsel vm1, $0x1, v0  }
0xf6: {  	v18 =	vsel vm14, $0x1, v0;
	(xrf0) =	vadd.scan.msk.s32 $0xffff, v17  }
0xf7: {  	(xrf0) =	vadd.scan.msk.s32 $0xffff, v18;
	_ =	sdelay $0x3  }
0xf8: {  	s23 =	spop (v2sf)  }
0xf9: {  	s24 =	spop (v2sf);
	v19, _, _ =	vpop (xrf0)  }
0xfa: {  	s25 =	sadd.s32 s23, s24;
	v43, _, _ =	vpop (xrf0)  }
0xfb: {  	s11 =	ssub.s32 s11, s25;
	v17 =	vsub.s32 v19, v17;
	v18 =	vsub.s32 v43, v18  }
0xfc: {  	s14 =	sadd.s32 $0x80, s11;
	v44 =	vadd.s32 v17, v18  }
0xfd: {  	s9 =	sadd.s32 s9, s23;
	v21 =	vsub.s32 s14, v44  }
0xfe: {  	s10 =	sadd.s32 s10, s24;
	v17 =	vadd.s32 s9, v17;
	v21 =	vadd.s32 v1, v21  }
0xff: {  	v18 =	vadd.s32 s10, v18;
	v17 =	vsel vm4, v17, v21  }
0x100: {  	v17 =	vsel vm14, v18, v17;
	_ =	sdelay $0x3  }
0x101: {  	[tilespmem:$0x380] =	vst v17  }
0x102: {  	(v2sf) =	vpush v19, $0xF;
	[tilespmem:v17+s7+$0x0] =	vst.idx.msk $0xffff, v9  }
0x103: {  	(v2sf) =	vpush v43, $0xF;
	v17 =	vld [tilespmem:$0x190]  }
0x104: {  	v18 =	vld [tilespmem:$0x90];
	_ =	sdelay $0x3  }
0x105: {  	vm5 =	vgt.f32 v17, $5.000000000e-01  }
0x106: {  	vm7 =	vgt.f32 v18, $5.000000000e-01;
	vm6 =	vmneg vm5  }
0x107: {  	vm1 =	vmand vm7, vm6  }
0x108: {  	v17 =	vsel vm1, $0x1, v0  }
0x109: {  	v18 =	vsel vm5, $0x1, v0;
	(xrf0) =	vadd.scan.msk.s32 $0xffff, v17  }
0x10a: {  	(xrf0) =	vadd.scan.msk.s32 $0xffff, v18;
	_ =	sdelay $0x3  }
0x10b: {  	s26 =	spop (v2sf)  }
0x10c: {  	s28 =	spop (v2sf);
	v19, _, _ =	vpop (xrf0)  }
0x10d: {  	s29 =	sadd.s32 s26, s28;
	v45, _, _ =	vpop (xrf0)  }
0x10e: {  	s11 =	ssub.s32 s11, s29;
	v17 =	vsub.s32 v19, v17;
	v18 =	vsub.s32 v45, v18  }
0x10f: {  	s14 =	sadd.s32 $0x90, s11;
	v46 =	vadd.s32 v17, v18  }
0x110: {  	s9 =	sadd.s32 s9, s26;
	v21 =	vsub.s32 s14, v46  }
0x111: {  	s10 =	sadd.s32 s10, s28;
	v17 =	vadd.s32 s9, v17;
	v21 =	vadd.s32 v1, v21  }
0x112: {  	v18 =	vadd.s32 s10, v18;
	v17 =	vsel vm7, v17, v21  }
0x113: {  	v17 =	vsel vm5, v18, v17;
	_ =	sdelay $0x3  }
0x114: {  	[tilespmem:$0x390] =	vst v17  }
0x115: {  	(v2sf) =	vpush v19, $0xF;
	[tilespmem:v17+s7+$0x0] =	vst.idx.msk $0xffff, v10  }
0x116: {  	(v2sf) =	vpush v45, $0xF;
	v17 =	vld [tilespmem:$0x1A0]  }
0x117: {  	v18 =	vld [tilespmem:$0xA0];
	_ =	sdelay $0x3  }
0x118: {  	vm8 =	vgt.f32 v17, $5.000000000e-01  }
0x119: {  	vm10 =	vgt.f32 v18, $5.000000000e-01;
	vm9 =	vmneg vm8  }
0x11a: {  	vm1 =	vmand vm10, vm9  }
0x11b: {  	v17 =	vsel vm1, $0x1, v0  }
0x11c: {  	v18 =	vsel vm8, $0x1, v0;
	(xrf0) =	vadd.scan.msk.s32 $0xffff, v17  }
0x11d: {  	(xrf0) =	vadd.scan.msk.s32 $0xffff, v18;
	_ =	sdelay $0x3  }
0x11e: {  	s30 =	spop (v2sf)  }
0x11f: {  	s31 =	spop (v2sf);
	v19, _, _ =	vpop (xrf0)  }
0x120: {  	s15 =	sadd.s32 s30, s31;
	v47, _, _ =	vpop (xrf0)  }
0x121: {  	s11 =	ssub.s32 s11, s15;
	v17 =	vsub.s32 v19, v17;
	v18 =	vsub.s32 v47, v18  }
0x122: {  	s14 =	sadd.s32 $0xA0, s11;
	v48 =	vadd.s32 v17, v18  }
0x123: {  	s9 =	sadd.s32 s9, s30;
	v21 =	vsub.s32 s14, v48  }
0x124: {  	s10 =	sadd.s32 s10, s31;
	v17 =	vadd.s32 s9, v17;
	v21 =	vadd.s32 v1, v21  }
0x125: {  	v18 =	vadd.s32 s10, v18;
	v17 =	vsel vm10, v17, v21  }
0x126: {  	v17 =	vsel vm8, v18, v17;
	_ =	sdelay $0x3  }
0x127: {  	[tilespmem:$0x3A0] =	vst v17  }
0x128: {  	(v2sf) =	vpush v19, $0xF;
	[tilespmem:v17+s7+$0x0] =	vst.idx.msk $0xffff, v11  }
0x129: {  	(v2sf) =	vpush v47, $0xF;
	v17 =	vld [tilespmem:$0x1B0]  }
0x12a: {  	v18 =	vld [tilespmem:$0xB0];
	_ =	sdelay $0x3  }
0x12b: {  	vm11 =	vgt.f32 v17, $5.000000000e-01  }
0x12c: {  	vm13 =	vgt.f32 v18, $5.000000000e-01;
	vm12 =	vmneg vm11  }
0x12d: {  	vm1 =	vmand vm13, vm12  }
0x12e: {  	v17 =	vsel vm1, $0x1, v0  }
0x12f: {  	v18 =	vsel vm11, $0x1, v0;
	(xrf0) =	vadd.scan.msk.s32 $0xffff, v17  }
0x130: {  	(xrf0) =	vadd.scan.msk.s32 $0xffff, v18;
	_ =	sdelay $0x3  }
0x131: {  	s16 =	spop (v2sf)  }
0x132: {  	s17 =	spop (v2sf);
	v19, _, _ =	vpop (xrf0)  }
0x133: {  	s18 =	sadd.s32 s16, s17;
	v49, _, _ =	vpop (xrf0)  }
0x134: {  	s11 =	ssub.s32 s11, s18;
	v17 =	vsub.s32 v19, v17;
	v18 =	vsub.s32 v49, v18  }
0x135: {  	s14 =	sadd.s32 $0xB0, s11;
	v50 =	vadd.s32 v17, v18  }
0x136: {  	s9 =	sadd.s32 s9, s16;
	v21 =	vsub.s32 s14, v50  }
0x137: {  	s10 =	sadd.s32 s10, s17;
	v17 =	vadd.s32 s9, v17;
	v21 =	vadd.s32 v1, v21  }
0x138: {  	v18 =	vadd.s32 s10, v18;
	v17 =	vsel vm13, v17, v21  }
0x139: {  	v17 =	vsel vm11, v18, v17;
	_ =	sdelay $0x3  }
0x13a: {  	[tilespmem:$0x3B0] =	vst v17  }
0x13b: {  	(v2sf) =	vpush v19, $0xF;
	[tilespmem:v17+s7+$0x0] =	vst.idx.msk $0xffff, v12  }
0x13c: {  	(v2sf) =	vpush v49, $0xF;
	v17 =	vld [tilespmem:$0x1C0]  }
0x13d: {  	v18 =	vld [tilespmem:$0xC0];
	_ =	sdelay $0x3  }
0x13e: {  	vm14 =	vgt.f32 v17, $5.000000000e-01  }
0x13f: {  	vm4 =	vgt.f32 v18, $5.000000000e-01;
	vm15 =	vmneg vm14  }
0x140: {  	vm1 =	vmand vm4, vm15  }
0x141: {  	v17 =	vsel vm1, $0x1, v0  }
0x142: {  	v18 =	vsel vm14, $0x1, v0;
	(xrf0) =	vadd.scan.msk.s32 $0xffff, v17  }
0x143: {  	(xrf0) =	vadd.scan.msk.s32 $0xffff, v18;
	_ =	sdelay $0x3  }
0x144: {  	s19 =	spop (v2sf)  }
0x145: {  	s20 =	spop (v2sf);
	v19, _, _ =	vpop (xrf0)  }
0x146: {  	s21 =	sadd.s32 s19, s20;
	v51, _, _ =	vpop (xrf0)  }
0x147: {  	s11 =	ssub.s32 s11, s21;
	v17 =	vsub.s32 v19, v17;
	v18 =	vsub.s32 v51, v18  }
0x148: {  	s14 =	sadd.s32 $0xC0, s11;
	v52 =	vadd.s32 v17, v18  }
0x149: {  	s9 =	sadd.s32 s9, s19;
	v21 =	vsub.s32 s14, v52  }
0x14a: {  	s10 =	sadd.s32 s10, s20;
	v17 =	vadd.s32 s9, v17;
	v21 =	vadd.s32 v1, v21  }
0x14b: {  	v18 =	vadd.s32 s10, v18;
	v17 =	vsel vm4, v17, v21  }
0x14c: {  	v17 =	vsel vm14, v18, v17;
	_ =	sdelay $0x3  }
0x14d: {  	[tilespmem:$0x3C0] =	vst v17  }
0x14e: {  	(v2sf) =	vpush v19, $0xF;
	[tilespmem:v17+s7+$0x0] =	vst.idx.msk $0xffff, v13  }
0x14f: {  	(v2sf) =	vpush v51, $0xF;
	v17 =	vld [tilespmem:$0x1D0]  }
0x150: {  	v18 =	vld [tilespmem:$0xD0];
	_ =	sdelay $0x3  }
0x151: {  	vm5 =	vgt.f32 v17, $5.000000000e-01  }
0x152: {  	vm7 =	vgt.f32 v18, $5.000000000e-01;
	vm6 =	vmneg vm5  }
0x153: {  	vm1 =	vmand vm7, vm6  }
0x154: {  	v17 =	vsel vm1, $0x1, v0  }
0x155: {  	v18 =	vsel vm5, $0x1, v0;
	(xrf0) =	vadd.scan.msk.s32 $0xffff, v17  }
0x156: {  	(xrf0) =	vadd.scan.msk.s32 $0xffff, v18;
	_ =	sdelay $0x3  }
0x157: {  	s22 =	spop (v2sf)  }
0x158: {  	s23 =	spop (v2sf);
	v19, _, _ =	vpop (xrf0)  }
0x159: {  	s24 =	sadd.s32 s22, s23;
	v53, _, _ =	vpop (xrf0)  }
0x15a: {  	s11 =	ssub.s32 s11, s24;
	v17 =	vsub.s32 v19, v17;
	v18 =	vsub.s32 v53, v18  }
0x15b: {  	s14 =	sadd.s32 $0xD0, s11;
	v54 =	vadd.s32 v17, v18  }
0x15c: {  	s9 =	sadd.s32 s9, s22;
	v21 =	vsub.s32 s14, v54  }
0x15d: {  	s10 =	sadd.s32 s10, s23;
	v17 =	vadd.s32 s9, v17;
	v21 =	vadd.s32 v1, v21  }
0x15e: {  	v18 =	vadd.s32 s10, v18;
	v17 =	vsel vm7, v17, v21  }
0x15f: {  	v17 =	vsel vm5, v18, v17;
	_ =	sdelay $0x3  }
0x160: {  	[tilespmem:$0x3D0] =	vst v17  }
0x161: {  	(v2sf) =	vpush v19, $0xF;
	[tilespmem:v17+s7+$0x0] =	vst.idx.msk $0xffff, v14  }
0x162: {  	(v2sf) =	vpush v53, $0xF;
	v17 =	vld [tilespmem:$0x1E0]  }
0x163: {  	v18 =	vld [tilespmem:$0xE0];
	_ =	sdelay $0x3  }
0x164: {  	vm8 =	vgt.f32 v17, $5.000000000e-01  }
0x165: {  	vm10 =	vgt.f32 v18, $5.000000000e-01;
	vm9 =	vmneg vm8  }
0x166: {  	vm1 =	vmand vm10, vm9  }
0x167: {  	v17 =	vsel vm1, $0x1, v0  }
0x168: {  	v18 =	vsel vm8, $0x1, v0;
	(xrf0) =	vadd.scan.msk.s32 $0xffff, v17  }
0x169: {  	(xrf0) =	vadd.scan.msk.s32 $0xffff, v18;
	_ =	sdelay $0x3  }
0x16a: {  	s25 =	spop (v2sf)  }
0x16b: {  	s26 =	spop (v2sf);
	v19, _, _ =	vpop (xrf0)  }
0x16c: {  	s28 =	sadd.s32 s25, s26;
	v55, _, _ =	vpop (xrf0)  }
0x16d: {  	s11 =	ssub.s32 s11, s28;
	v17 =	vsub.s32 v19, v17;
	v18 =	vsub.s32 v55, v18  }
0x16e: {  	s14 =	sadd.s32 $0xE0, s11;
	v56 =	vadd.s32 v17, v18  }
0x16f: {  	s9 =	sadd.s32 s9, s25;
	v21 =	vsub.s32 s14, v56  }
0x170: {  	s10 =	sadd.s32 s10, s26;
	v17 =	vadd.s32 s9, v17;
	v21 =	vadd.s32 v1, v21  }
0x171: {  	v18 =	vadd.s32 s10, v18;
	v17 =	vsel vm10, v17, v21  }
0x172: {  	v17 =	vsel vm8, v18, v17;
	_ =	sdelay $0x3  }
0x173: {  	[tilespmem:$0x3E0] =	vst v17  }
0x174: {  	(v2sf) =	vpush v19, $0xF;
	[tilespmem:v17+s7+$0x0] =	vst.idx.msk $0xffff, v15  }
0x175: {  	(v2sf) =	vpush v55, $0xF;
	v17 =	vld [tilespmem:$0x1F0]  }
0x176: {  	v18 =	vld [tilespmem:$0xF0];
	_ =	sdelay $0x3  }
0x177: {  	vm11 =	vgt.f32 v17, $5.000000000e-01  }
0x178: {  	vm13 =	vgt.f32 v18, $5.000000000e-01;
	vm12 =	vmneg vm11  }
0x179: {  	vm1 =	vmand vm13, vm12  }
0x17a: {  	v17 =	vsel vm1, $0x1, v0  }
0x17b: {  	v18 =	vsel vm11, $0x1, v0;
	(xrf0) =	vadd.scan.msk.s32 $0xffff, v17  }
0x17c: {  	(xrf0) =	vadd.scan.msk.s32 $0xffff, v18;
	_ =	sdelay $0x3  }
0x17d: {  	s29 =	spop (v2sf)  }
0x17e: {  	s30 =	spop (v2sf);
	v19, _, _ =	vpop (xrf0)  }
0x17f: {  	s31 =	sadd.s32 s29, s30;
	v57, _, _ =	vpop (xrf0)  }
0x180: {  	s11 =	ssub.s32 s11, s31;
	v17 =	vsub.s32 v19, v17;
	v18 =	vsub.s32 v57, v18  }
0x181: {  	s11 =	sadd.s32 $0xF0, s11;
	v19 =	vadd.s32 v17, v18  }
0x182: {  	s9 =	sadd.s32 s9, s29;
	v19 =	vsub.s32 s11, v19  }
0x183: {  	s10 =	sadd.s32 s10, s30;
	v17 =	vadd.s32 s9, v17;
	v19 =	vadd.s32 v1, v19  }
0x184: {  	v18 =	vadd.s32 s10, v18;
	v17 =	vsel vm13, v17, v19  }
0x185: {  	v17 =	vsel vm11, v18, v17;
	_ =	sdelay $0x3  }
0x186: {  	[tilespmem:$0x3F0] =	vst v17  }
0x187: {  	s10 =	rddreg [dreg:$0x5];
	[tilespmem:v17+s7+$0x0] =	vst.idx.msk $0xffff, v16  }
0x188: {  	[hbm4b:s10+s4] =	stream.strided.scatter [tilespmem:s7], [sflag:$0x1], $0x100, s5, s4, $0x38;
	[tilespmem:$0x400] =	vst v63  }
0x189: {  	_ =	swait.ge [sflag:s6], $0x100  }
0x18a: {  	[sflag:s6] =	ssyncset.done $0x0  }
0x18b: {  	s11 =	rddreg [dreg:$0x6];
	[sflag:s6] =	ssyncadd.s32 $0xFFFFFF00  }
0x18c: {  	[hbm4b:s11+s4] =	stream.strided.scatter [tilespmem:s8], [sflag:$0x1], $0x100, s5, s4, $0x38;
	[tilespmem:$0x400] =	vst v63  }
0x18d: {  	_ =	swait.ge [sflag:s6], $0x100  }
0x18e: {  	[sflag:s6] =	ssyncset.done $0x0  }
0x18f: {  	s12 =	rddreg [dreg:$0x7];
	[sflag:s6] =	ssyncadd.s32 $0xFFFFFF00  }
0x190: {  	[tilespmem:s2], [sflag:$0x1] =	stream.strided.gather [hbm4b:s12+s4], $0x200, s5, s4, $0x38;
	[tilespmem:$0x400] =	vst v63  }
0x191: {  	_ =	swait.ge [sflag:s6], $0x200  }
0x192: {  	[sflag:s6] =	ssyncset.done $0x0  }
0x193: {  	[sflag:s6] =	ssyncadd.s32 $0xFFFFFE00  }
0x194: {  	v17 =	vld [tilespmem:$0x100]  }
0x195: {  	v18 =	vld [tilespmem:$0x0]  }
0x196: {  	v19 =	vld [tilespmem:$0x110]  }
0x197: {  	v58 =	vld [tilespmem:$0x10]  }
0x198: {  	v59 =	vld [tilespmem:$0x120]  }
0x199: {  	v60 =	vld [tilespmem:$0x20]  }
0x19a: {  	v61 =	vld [tilespmem:$0x130]  }
0x19b: {  	v62 =	vld [tilespmem:$0x30]  }
0x19c: {  	v63 =	vld [tilespmem:$0x140];
	vm0 =	vgt.f32 v17, $5.000000000e-01;
	vm1 =	vgt.f32 v18, $5.000000000e-01  }
0x19d: {  	v28 =	vld [tilespmem:$0x40];
	vm15 =	vgt.f32 v19, $5.000000000e-01;
	vm9 =	vgt.f32 v58, $5.000000000e-01;
	vm10 =	vgt.f32 v59, $5.000000000e-01  }
0x19e: {  	v30 =	vld [tilespmem:$0x150];
	vm12 =	vgt.f32 v60, $5.000000000e-01;
	vm14 =	vmneg vm0;
	vm8 =	vmneg vm15  }
0x19f: {  	v32 =	vld [tilespmem:$0x50];
	v19 =	vsel vm0, $0x1, v0;
	vm11 =	vmneg vm10;
	v31 =	vsel vm15, $0x1, v0  }
0x1a0: {  	v44 =	vld [tilespmem:$0x160];
	v34 =	vsel vm10, $0x1, v0;
	vm2 =	vmand vm1, vm14;
	vm3 =	vmand vm9, vm8  }
0x1a1: {  	v46 =	vld [tilespmem:$0x60];
	vm13 =	vmand vm12, vm11;
	vm14 =	vgt.f32 v61, $5.000000000e-01;
	v18 =	vsel vm2, $0x1, v0  }
0x1a2: {  	v48 =	vld [tilespmem:$0x170];
	vm8 =	vgt.f32 v62, $5.000000000e-01;
	vm9 =	vgt.f32 v63, $5.000000000e-01;
	vm11 =	vgt.f32 v28, $5.000000000e-01;
	(xrf0) =	vadd.scan.msk.s32 $0xffff, v18  }
0x1a3: {  	v50 =	vld [tilespmem:$0x70];
	v29 =	vsel vm3, $0x1, v0;
	v33 =	vsel vm13, $0x1, v0;
	vm15 =	vmneg vm14;
	(xrf0) =	vadd.scan.msk.s32 $0xffff, v19  }
0x1a4: {  	v52 =	vld [tilespmem:$0x180];
	vm10 =	vmneg vm9;
	v36 =	vsel vm14, $0x1, v0;
	vm13 =	vgt.f32 v30, $5.000000000e-01;
	(xrf0) =	vadd.scan.msk.s32 $0xffff, v29  }
0x1a5: {  	v54 =	vld [tilespmem:$0x80];
	v39 =	vsel vm9, $0x1, v0;
	vm2 =	vmand vm8, vm15;
	vm12 =	vmand vm11, vm10;
	(xrf0) =	vadd.scan.msk.s32 $0xffff, v31  }
0x1a6: {  	v55 =	vld [tilespmem:$0x190];
	vm14 =	vmneg vm13;
	vm15 =	vgt.f32 v32, $5.000000000e-01;
	vm8 =	vgt.f32 v44, $5.000000000e-01;
	(xrf0) =	vadd.scan.msk.s32 $0xffff, v33  }
0x1a7: {  	v57 =	vld [tilespmem:$0x90];
	vm10 =	vgt.f32 v46, $5.000000000e-01;
	v56 =	vsel vm13, $0x1, v0;
	v35 =	vsel vm2, $0x1, v0;
	(xrf0) =	vadd.scan.msk.s32 $0xffff, v34  }
0x1a8: {  	v37 =	vsel vm12, $0x1, v0;
	vm3 =	vmand vm15, vm14;
	vm9 =	vmneg vm8;
	v17, _, _ =	vpop (xrf0);
	(xrf0) =	vadd.scan.msk.s32 $0xffff, v35  }
0x1a9: {  	vm12 =	vgt.f32 v48, $5.000000000e-01;
	vm14 =	vgt.f32 v50, $5.000000000e-01;
	v60 =	vsel vm8, $0x1, v0;
	v20, _, _ =	vpop (xrf0);
	(xrf0) =	vadd.scan.msk.s32 $0xffff, v36  }
0x1aa: {  	v59 =	vld [tilespmem:$0x1A0];
	vm15 =	vgt.f32 v52, $5.000000000e-01;
	v41 =	vsel vm3, $0x1, v0;
	vm11 =	vmand vm10, vm9;
	v38, _, _ =	vpop (xrf0);
	(xrf0) =	vadd.scan.msk.s32 $0xffff, v37  }
0x1ab: {  	vm13 =	vmneg vm12;
	vm8 =	vmneg vm15;
	vm9 =	vgt.f32 v54, $5.000000000e-01;
	v40, _, _ =	vpop (xrf0);
	(xrf0) =	vadd.scan.msk.s32 $0xffff, v39  }
0x1ac: {  	v63 =	vsel vm12, $0x1, v0;
	vm10 =	vgt.f32 v55, $5.000000000e-01;
	vm12 =	vgt.f32 v57, $5.000000000e-01;
	v42, _, _ =	vpop (xrf0);
	(xrf0) =	vadd.scan.msk.s32 $0xffff, v41  }
0x1ad: {  	v61 =	vld [tilespmem:$0xA0];
	v28 =	vsel vm15, $0x1, v0;
	v58 =	vsel vm11, $0x1, v0;
	(v2sf) =	vpush v17, $0xF;
	v43, _, _ =	vpop (xrf0)  }
0x1ae: {  	vm2 =	vmand vm14, vm13;
	vm11 =	vmneg vm10;
	(v2sf) =	vpush v20, $0xF;
	v45, _, _ =	vpop (xrf0)  }
0x1af: {  	vm14 =	vgt.f32 v59, $5.000000000e-01;
	v32 =	vsel vm10, $0x1, v0;
	v37 =	vld [tilespmem:$0x1B0];
	(v2sf) =	vpush v38, $0xF;
	v47, _, _ =	vpop (xrf0);
	(xrf0) =	vadd.scan.msk.s32 $0xffff, v56  }
0x1b0: {  	v62 =	vsel vm2, $0x1, v0;
	vm2 =	vmand vm9, vm8;
	v39 =	vld [tilespmem:$0xB0];
	(v2sf) =	vpush v40, $0xF;
	v49, _, _ =	vpop (xrf0);
	(xrf0) =	vadd.scan.msk.s32 $0xffff, v58  }
0x1b1: {  	v48 =	vld [tilespmem:$0x1E0];
	vm13 =	vmand vm12, vm11;
	vm15 =	vmneg vm14;
	(v2sf) =	vpush v42, $0xF;
	v51, _, _ =	vpop (xrf0);
	(xrf0) =	vadd.scan.msk.s32 $0xffff, v60  }
0x1b2: {  	vm8 =	vgt.f32 v61, $5.000000000e-01;
	v27 =	vsel vm2, $0x1, v0;
	v41 =	vld [tilespmem:$0x1C0];
	(v2sf) =	vpush v43, $0xF;
	v53, _, _ =	vpop (xrf0);
	(xrf0) =	vadd.scan.msk.s32 $0xffff, v62  }
0x1b3: {  	v30 =	vsel vm13, $0x1, v0;
	vm3 =	vmand vm8, vm15;
	(v2sf) =	vpush v45, $0xF;
	(xrf0) =	vadd.scan.msk.s32 $0xffff, v63  }
0x1b4: {  	v50 =	vld [tilespmem:$0xE0];
	v34 =	vsel vm3, $0x1, v0;
	vm9 =	vgt.f32 v37, $5.000000000e-01;
	(v2sf) =	vpush v47, $0xF;
	(xrf0) =	vadd.scan.msk.s32 $0xffff, v27  }
0x1b5: {  	v43 =	vld [tilespmem:$0xC0];
	vm10 =	vmneg vm9;
	vm11 =	vgt.f32 v39, $5.000000000e-01;
	(v2sf) =	vpush v49, $0xF;
	v29, _, _ =	vpop (xrf0);
	(xrf0) =	vadd.scan.msk.s32 $0xffff, v28  }
0x1b6: {  	v45 =	vld [tilespmem:$0x1D0];
	v49 =	vsel vm14, $0x1, v0;
	vm12 =	vmand vm11, vm10;
	(v2sf) =	vpush v51, $0xF;
	v31, _, _ =	vpop (xrf0);
	(xrf0) =	vadd.scan.msk.s32 $0xffff, v30  }
0x1b7: {  	v47 =	vld [tilespmem:$0xD0];
	vm13 =	vgt.f32 v41, $5.000000000e-01;
	vm11 =	vgt.f32 v48, $5.000000000e-01;
	(v2sf) =	vpush v53, $0xF;
	v33, _, _ =	vpop (xrf0);
	(xrf0) =	vadd.scan.msk.s32 $0xffff, v32  }
0x1b8: {  	v51 =	vsel vm12, $0x1, v0;
	vm14 =	vmneg vm13;
	(v2sf) =	vpush v29, $0xF;
	v35, _, _ =	vpop (xrf0);
	(xrf0) =	vadd.scan.msk.s32 $0xffff, v34  }
0x1b9: {  	v52 =	vld [tilespmem:$0x1F0];
	v56 =	vsel vm13, $0x1, v0;
	vm12 =	vgt.f32 v50, $5.000000000e-01;
	(v2sf) =	vpush v31, $0xF;
	v36, _, _ =	vpop (xrf0)  }
0x1ba: {  	v54 =	vld [tilespmem:$0xF0];
	vm13 =	vmneg vm11;
	vm15 =	vgt.f32 v43, $5.000000000e-01;
	(v2sf) =	vpush v33, $0xF;
	v38, _, _ =	vpop (xrf0)  }
0x1bb: {  	v53 =	vsel vm9, $0x1, v0;
	vm2 =	vmand vm15, vm14;
	(v2sf) =	vpush v35, $0xF;
	v40, _, _ =	vpop (xrf0);
	(xrf0) =	vadd.scan.msk.s32 $0xffff, v49  }
0x1bc: {  	vm8 =	vgt.f32 v45, $5.000000000e-01;
	vm9 =	vgt.f32 v47, $5.000000000e-01;
	s9 =	spop (v2sf);
	(v2sf) =	vpush v36, $0xF;
	v42, _, _ =	vpop (xrf0);
	(xrf0) =	vadd.scan.msk.s32 $0xffff, v51  }
0x1bd: {  	v55 =	vsel vm2, $0x1, v0;
	vm10 =	vmneg vm8;
	s10 =	spop (v2sf);
	(v2sf) =	vpush v38, $0xF;
	v44, _, _ =	vpop (xrf0);
	(xrf0) =	vadd.scan.msk.s32 $0xffff, v53  }
0x1be: {  	vm14 =	vgt.f32 v52, $5.000000000e-01;
	vm2 =	vmand vm9, vm10;
	s13 =	spop (v2sf);
	(v2sf) =	vpush v40, $0xF;
	v46, _, _ =	vpop (xrf0);
	(xrf0) =	vadd.scan.msk.s32 $0xffff, v55  }
0x1bf: {  	vm15 =	vgt.f32 v54, $5.000000000e-01;
	v57 =	vsel vm2, $0x1, v0;
	s14 =	spop (v2sf);
	(v2sf) =	vpush v42, $0xF;
	(xrf0) =	vadd.scan.msk.s32 $0xffff, v56  }
0x1c0: {  	v58 =	vsel vm8, $0x1, v0;
	vm2 =	vmand vm12, vm13;
	s15 =	spop (v2sf);
	(v2sf) =	vpush v44, $0xF;
	(xrf0) =	vadd.scan.msk.s32 $0xffff, v57  }
0x1c1: {  	vm6 =	vmneg vm14;
	v60 =	vsel vm2, $0x1, v0;
	s17 =	spop (v2sf);
	(v2sf) =	vpush v46, $0xF;
	v59, _, _ =	vpop (xrf0);
	(xrf0) =	vadd.scan.msk.s32 $0xffff, v58  }
0x1c2: {  	v62 =	vsel vm11, $0x1, v0;
	vm2 =	vmand vm15, vm6;
	s30 =	spop (v2sf);
	(v2sf) =	vpush v59, $0xF;
	v61, _, _ =	vpop (xrf0);
	(xrf0) =	vadd.scan.msk.s32 $0xffff, v60  }
0x1c3: {  	v24 =	vsel vm2, $0x1, v0;
	s16 =	spop (v2sf);
	(v2sf) =	vpush v61, $0xF;
	v63, _, _ =	vpop (xrf0);
	(xrf0) =	vadd.scan.msk.s32 $0xffff, v62  }
0x1c4: {  	v26 =	vsel vm14, $0x1, v0;
	s31 =	spop (v2sf);
	(v2sf) =	vpush v63, $0xF;
	v25, _, _ =	vpop (xrf0);
	(xrf0) =	vadd.scan.msk.s32 $0xffff, v24  }
0x1c5: {  	s18 =	spop (v2sf);
	(v2sf) =	vpush v25, $0xF;
	v27, _, _ =	vpop (xrf0);
	(xrf0) =	vadd.scan.msk.s32 $0xffff, v26  }
0x1c6: {  	s19 =	spop (v2sf);
	v28, _, _ =	vpop (xrf0);
	(v2sf) =	vpush v27, $0xF  }
0x1c7: {  	s20 =	spop (v2sf);
	v29, _, _ =	vpop (xrf0);
	(v2sf) =	vpush v28, $0xF  }
0x1c8: {  	s21 =	spop (v2sf);
	v30, _, _ =	vpop (xrf0);
	(v2sf) =	vpush v29, $0xF  }
0x1c9: {  	s22 =	spop (v2sf);
	v31, _, _ =	vpop (xrf0);
	(v2sf) =	vpush v30, $0xF  }
0x1ca: {  	s23 =	spop (v2sf);
	(v2sf) =	vpush v31, $0xF;
	v32, _, _ =	vpop (xrf0)  }
0x1cb: {  	s24 =	spop (v2sf);
	(v2sf) =	vpush v32, $0xF;
	v33, _, _ =	vpop (xrf0)  }
0x1cc: {  	s25 =	spop (v2sf);
	(v2sf) =	vpush v33, $0xF  }
0x1cd: {  	s11 =	sadd.s32 s9, s13;
	s26 =	spop (v2sf)  }
0x1ce: {  	s12 =	sadd.s32 s14, s10;
	s11 =	sadd.s32 s15, s11;
	s28 =	spop (v2sf)  }
0x1cf: {  	s12 =	sadd.s32 s17, s12;
	s11 =	sadd.s32 s30, s11;
	s29 =	spop (v2sf)  }
0x1d0: {  	s12 =	sadd.s32 s16, s12;
	s11 =	sadd.s32 s31, s11;
	s30 =	spop (v2sf)  }
0x1d1: {  	s12 =	sadd.s32 s18, s12;
	s11 =	sadd.s32 s19, s11;
	s31 =	spop (v2sf)  }
0x1d2: {  	s12 =	sadd.s32 s20, s12;
	s11 =	sadd.s32 s21, s11;
	s19 =	spop (v2sf)  }
0x1d3: {  	s12 =	sadd.s32 s22, s12;
	s11 =	sadd.s32 s23, s11;
	s21 =	spop (v2sf)  }
0x1d4: {  	s12 =	sadd.s32 s24, s12;
	s11 =	sadd.s32 s25, s11;
	s23 =	spop (v2sf)  }
0x1d5: {  	s12 =	sadd.s32 s26, s12;
	s11 =	sadd.s32 s28, s11;
	s25 =	spop (v2sf)  }
0x1d6: {  	s12 =	sadd.s32 s29, s12;
	s11 =	sadd.s32 s30, s11;
	s28 =	spop (v2sf)  }
0x1d7: {  	s12 =	sadd.s32 s31, s12;
	s11 =	sadd.s32 s19, s11;
	s29 =	spop (v2sf)  }
0x1d8: {  	s12 =	sadd.s32 s21, s12;
	s11 =	sadd.s32 s23, s11;
	s30 =	spop (v2sf)  }
0x1d9: {  	s12 =	sadd.s32 s25, s12;
	s11 =	sadd.s32 s28, s11;
	s31 =	spop (v2sf)  }
0x1da: {  	v18 =	vsub.s32 v17, v18;
	v19 =	vsub.s32 v20, v19;
	s12 =	sadd.s32 s29, s12;
	s11 =	sadd.s32 s30, s11;
	s17 =	spop (v2sf)  }
0x1db: {  	v20 =	vadd.s32 v18, v19;
	s12 =	sadd.s32 s31, s12;
	s11 =	sadd.s32 s17, s11;
	s18 =	spop (v2sf)  }
0x1dc: {  	s12 =	sadd.s32 s18, s12;
	v20 =	vsub.s32 s11, v20  }
0x1dd: {  	s12 =	ssub.s32 $0x100, s12;
	v20 =	vadd.s32 v1, v20  }
0x1de: {  	v19 =	vadd.s32 s12, v19;
	v18 =	vsel vm1, v18, v20  }
0x1df: {  	v18 =	vsel vm0, v19, v18;
	_ =	sdelay $0x3  }
0x1e0: {  	[tilespmem:$0x300] =	vst v18  }
0x1e1: {  	[tilespmem:v18+s7+$0x0] =	vst.idx.msk $0xffff, v1  }
0x1e2: {  	v18 =	vld [tilespmem:$0x110]  }
0x1e3: {  	v19 =	vld [tilespmem:$0x10];
	_ =	sdelay $0x3  }
0x1e4: {  	vm7 =	vgt.f32 v18, $5.000000000e-01  }
0x1e5: {  	vm9 =	vgt.f32 v19, $5.000000000e-01;
	vm8 =	vmneg vm7  }
0x1e6: {  	vm1 =	vmand vm9, vm8  }
0x1e7: {  	v18 =	vsel vm1, $0x1, v0  }
0x1e8: {  	v19 =	vsel vm7, $0x1, v0;
	(xrf0) =	vadd.scan.msk.s32 $0xffff, v18  }
0x1e9: {  	(xrf0) =	vadd.scan.msk.s32 $0xffff, v19;
	_ =	sdelay $0x4  }
0x1ea: {  	v34, _, _ =	vpop (xrf0)  }
0x1eb: {  	s19 =	sadd.s32 s10, s9;
	v35, _, _ =	vpop (xrf0)  }
0x1ec: {  	s11 =	ssub.s32 s11, s19;
	v18 =	vsub.s32 v34, v18;
	v19 =	vsub.s32 v35, v19  }
0x1ed: {  	v17 =	vbroadcast v17, $0xF;
	s13 =	sadd.s32 $0x10, s11;
	v36 =	vadd.s32 v18, v19  }
0x1ee: {  	v22 =	vsub.s32 s13, v36  }
0x1ef: {  	s10 =	sadd.s32 s10, s12;
	v17 =	vadd.s32 v17, v18;
	v18 =	vadd.s32 v1, v22  }
0x1f0: {  	v19 =	vadd.s32 s10, v19;
	v17 =	vsel vm9, v17, v18  }
0x1f1: {  	v17 =	vsel vm7, v19, v17;
	_ =	sdelay $0x3  }
0x1f2: {  	[tilespmem:$0x310] =	vst v17  }
0x1f3: {  	(v2sf) =	vpush v34, $0xF;
	[tilespmem:v17+s7+$0x0] =	vst.idx.msk $0xffff, v2  }
0x1f4: {  	(v2sf) =	vpush v35, $0xF;
	v17 =	vld [tilespmem:$0x120]  }
0x1f5: {  	v18 =	vld [tilespmem:$0x20];
	_ =	sdelay $0x3  }
0x1f6: {  	vm10 =	vgt.f32 v17, $5.000000000e-01  }
0x1f7: {  	vm12 =	vgt.f32 v18, $5.000000000e-01;
	vm11 =	vmneg vm10  }
0x1f8: {  	vm1 =	vmand vm12, vm11  }
0x1f9: {  	v17 =	vsel vm1, $0x1, v0  }
0x1fa: {  	v18 =	vsel vm10, $0x1, v0;
	(xrf0) =	vadd.scan.msk.s32 $0xffff, v17  }
0x1fb: {  	(xrf0) =	vadd.scan.msk.s32 $0xffff, v18;
	_ =	sdelay $0x3  }
0x1fc: {  	s20 =	spop (v2sf)  }
0x1fd: {  	s21 =	spop (v2sf);
	v19, _, _ =	vpop (xrf0)  }
0x1fe: {  	s22 =	sadd.s32 s20, s21;
	v37, _, _ =	vpop (xrf0)  }
0x1ff: {  	s11 =	ssub.s32 s11, s22;
	v17 =	vsub.s32 v19, v17;
	v18 =	vsub.s32 v37, v18  }
0x200: {  	s14 =	sadd.s32 $0x20, s11;
	v38 =	vadd.s32 v17, v18  }
0x201: {  	s9 =	sadd.s32 s9, s20;
	v21 =	vsub.s32 s14, v38  }
0x202: {  	s10 =	sadd.s32 s10, s21;
	v17 =	vadd.s32 s9, v17;
	v21 =	vadd.s32 v1, v21  }
0x203: {  	v18 =	vadd.s32 s10, v18;
	v17 =	vsel vm12, v17, v21  }
0x204: {  	v17 =	vsel vm10, v18, v17;
	_ =	sdelay $0x3  }
0x205: {  	[tilespmem:$0x320] =	vst v17  }
0x206: {  	(v2sf) =	vpush v19, $0xF;
	[tilespmem:v17+s7+$0x0] =	vst.idx.msk $0xffff, v3  }
0x207: {  	(v2sf) =	vpush v37, $0xF;
	v17 =	vld [tilespmem:$0x130]  }
0x208: {  	v18 =	vld [tilespmem:$0x30];
	_ =	sdelay $0x3  }
0x209: {  	vm13 =	vgt.f32 v17, $5.000000000e-01  }
0x20a: {  	vm15 =	vgt.f32 v18, $5.000000000e-01;
	vm14 =	vmneg vm13  }
0x20b: {  	vm1 =	vmand vm15, vm14  }
0x20c: {  	v17 =	vsel vm1, $0x1, v0  }
0x20d: {  	v18 =	vsel vm13, $0x1, v0;
	(xrf0) =	vadd.scan.msk.s32 $0xffff, v17  }
0x20e: {  	(xrf0) =	vadd.scan.msk.s32 $0xffff, v18;
	_ =	sdelay $0x3  }
0x20f: {  	s23 =	spop (v2sf)  }
0x210: {  	s24 =	spop (v2sf);
	v19, _, _ =	vpop (xrf0)  }
0x211: {  	s25 =	sadd.s32 s23, s24;
	v39, _, _ =	vpop (xrf0)  }
0x212: {  	s11 =	ssub.s32 s11, s25;
	v17 =	vsub.s32 v19, v17;
	v18 =	vsub.s32 v39, v18  }
0x213: {  	s14 =	sadd.s32 $0x30, s11;
	v40 =	vadd.s32 v17, v18  }
0x214: {  	s9 =	sadd.s32 s9, s23;
	v21 =	vsub.s32 s14, v40  }
0x215: {  	s10 =	sadd.s32 s10, s24;
	v17 =	vadd.s32 s9, v17;
	v21 =	vadd.s32 v1, v21  }
0x216: {  	v18 =	vadd.s32 s10, v18;
	v17 =	vsel vm15, v17, v21  }
0x217: {  	v17 =	vsel vm13, v18, v17;
	_ =	sdelay $0x3  }
0x218: {  	[tilespmem:$0x330] =	vst v17  }
0x219: {  	(v2sf) =	vpush v19, $0xF;
	[tilespmem:v17+s7+$0x0] =	vst.idx.msk $0xffff, v4  }
0x21a: {  	(v2sf) =	vpush v39, $0xF;
	v17 =	vld [tilespmem:$0x140]  }
0x21b: {  	v18 =	vld [tilespmem:$0x40];
	_ =	sdelay $0x3  }
0x21c: {  	vm4 =	vgt.f32 v17, $5.000000000e-01  }
0x21d: {  	vm6 =	vgt.f32 v18, $5.000000000e-01;
	vm5 =	vmneg vm4  }
0x21e: {  	vm1 =	vmand vm6, vm5  }
0x21f: {  	v17 =	vsel vm1, $0x1, v0  }
0x220: {  	v18 =	vsel vm4, $0x1, v0;
	(xrf0) =	vadd.scan.msk.s32 $0xffff, v17  }
0x221: {  	(xrf0) =	vadd.scan.msk.s32 $0xffff, v18;
	_ =	sdelay $0x3  }
0x222: {  	s26 =	spop (v2sf)  }
0x223: {  	s28 =	spop (v2sf);
	v19, _, _ =	vpop (xrf0)  }
0x224: {  	s29 =	sadd.s32 s26, s28;
	v41, _, _ =	vpop (xrf0)  }
0x225: {  	s11 =	ssub.s32 s11, s29;
	v17 =	vsub.s32 v19, v17;
	v18 =	vsub.s32 v41, v18  }
0x226: {  	s14 =	sadd.s32 $0x40, s11;
	v42 =	vadd.s32 v17, v18  }
0x227: {  	s9 =	sadd.s32 s9, s26;
	v21 =	vsub.s32 s14, v42  }
0x228: {  	s10 =	sadd.s32 s10, s28;
	v17 =	vadd.s32 s9, v17;
	v21 =	vadd.s32 v1, v21  }
0x229: {  	v18 =	vadd.s32 s10, v18;
	v17 =	vsel vm6, v17, v21  }
0x22a: {  	v17 =	vsel vm4, v18, v17;
	_ =	sdelay $0x3  }
0x22b: {  	[tilespmem:$0x340] =	vst v17  }
0x22c: {  	(v2sf) =	vpush v19, $0xF;
	[tilespmem:v17+s7+$0x0] =	vst.idx.msk $0xffff, v5  }
0x22d: {  	(v2sf) =	vpush v41, $0xF;
	v17 =	vld [tilespmem:$0x150]  }
0x22e: {  	v18 =	vld [tilespmem:$0x50];
	_ =	sdelay $0x3  }
0x22f: {  	vm7 =	vgt.f32 v17, $5.000000000e-01  }
0x230: {  	vm9 =	vgt.f32 v18, $5.000000000e-01;
	vm8 =	vmneg vm7  }
0x231: {  	vm1 =	vmand vm9, vm8  }
0x232: {  	v17 =	vsel vm1, $0x1, v0  }
0x233: {  	v18 =	vsel vm7, $0x1, v0;
	(xrf0) =	vadd.scan.msk.s32 $0xffff, v17  }
0x234: {  	(xrf0) =	vadd.scan.msk.s32 $0xffff, v18;
	_ =	sdelay $0x3  }
0x235: {  	s30 =	spop (v2sf)  }
0x236: {  	s31 =	spop (v2sf);
	v19, _, _ =	vpop (xrf0)  }
0x237: {  	s15 =	sadd.s32 s30, s31;
	v43, _, _ =	vpop (xrf0)  }
0x238: {  	s11 =	ssub.s32 s11, s15;
	v17 =	vsub.s32 v19, v17;
	v18 =	vsub.s32 v43, v18  }
0x239: {  	s14 =	sadd.s32 $0x50, s11;
	v44 =	vadd.s32 v17, v18  }
0x23a: {  	s9 =	sadd.s32 s9, s30;
	v21 =	vsub.s32 s14, v44  }
0x23b: {  	s10 =	sadd.s32 s10, s31;
	v17 =	vadd.s32 s9, v17;
	v21 =	vadd.s32 v1, v21  }
0x23c: {  	v18 =	vadd.s32 s10, v18;
	v17 =	vsel vm9, v17, v21  }
0x23d: {  	v17 =	vsel vm7, v18, v17;
	_ =	sdelay $0x3  }
0x23e: {  	[tilespmem:$0x350] =	vst v17  }
0x23f: {  	(v2sf) =	vpush v19, $0xF;
	[tilespmem:v17+s7+$0x0] =	vst.idx.msk $0xffff, v6  }
0x240: {  	(v2sf) =	vpush v43, $0xF;
	v17 =	vld [tilespmem:$0x160]  }
0x241: {  	v18 =	vld [tilespmem:$0x60];
	_ =	sdelay $0x3  }
0x242: {  	vm10 =	vgt.f32 v17, $5.000000000e-01  }
0x243: {  	vm12 =	vgt.f32 v18, $5.000000000e-01;
	vm11 =	vmneg vm10  }
0x244: {  	vm1 =	vmand vm12, vm11  }
0x245: {  	v17 =	vsel vm1, $0x1, v0  }
0x246: {  	v18 =	vsel vm10, $0x1, v0;
	(xrf0) =	vadd.scan.msk.s32 $0xffff, v17  }
0x247: {  	(xrf0) =	vadd.scan.msk.s32 $0xffff, v18;
	_ =	sdelay $0x3  }
0x248: {  	s16 =	spop (v2sf)  }
0x249: {  	s17 =	spop (v2sf);
	v19, _, _ =	vpop (xrf0)  }
0x24a: {  	s18 =	sadd.s32 s16, s17;
	v45, _, _ =	vpop (xrf0)  }
0x24b: {  	s11 =	ssub.s32 s11, s18;
	v17 =	vsub.s32 v19, v17;
	v18 =	vsub.s32 v45, v18  }
0x24c: {  	s14 =	sadd.s32 $0x60, s11;
	v46 =	vadd.s32 v17, v18  }
0x24d: {  	s9 =	sadd.s32 s9, s16;
	v21 =	vsub.s32 s14, v46  }
0x24e: {  	s10 =	sadd.s32 s10, s17;
	v17 =	vadd.s32 s9, v17;
	v21 =	vadd.s32 v1, v21  }
0x24f: {  	v18 =	vadd.s32 s10, v18;
	v17 =	vsel vm12, v17, v21  }
0x250: {  	v17 =	vsel vm10, v18, v17;
	_ =	sdelay $0x3  }
0x251: {  	[tilespmem:$0x360] =	vst v17  }
0x252: {  	(v2sf) =	vpush v19, $0xF;
	[tilespmem:v17+s7+$0x0] =	vst.idx.msk $0xffff, v7  }
0x253: {  	(v2sf) =	vpush v45, $0xF;
	v17 =	vld [tilespmem:$0x170]  }
0x254: {  	v18 =	vld [tilespmem:$0x70];
	_ =	sdelay $0x3  }
0x255: {  	vm13 =	vgt.f32 v17, $5.000000000e-01  }
0x256: {  	vm15 =	vgt.f32 v18, $5.000000000e-01;
	vm14 =	vmneg vm13  }
0x257: {  	vm1 =	vmand vm15, vm14  }
0x258: {  	v17 =	vsel vm1, $0x1, v0  }
0x259: {  	v18 =	vsel vm13, $0x1, v0;
	(xrf0) =	vadd.scan.msk.s32 $0xffff, v17  }
0x25a: {  	(xrf0) =	vadd.scan.msk.s32 $0xffff, v18;
	_ =	sdelay $0x3  }
0x25b: {  	s19 =	spop (v2sf)  }
0x25c: {  	s20 =	spop (v2sf);
	v19, _, _ =	vpop (xrf0)  }
0x25d: {  	s21 =	sadd.s32 s19, s20;
	v47, _, _ =	vpop (xrf0)  }
0x25e: {  	s11 =	ssub.s32 s11, s21;
	v17 =	vsub.s32 v19, v17;
	v18 =	vsub.s32 v47, v18  }
0x25f: {  	s14 =	sadd.s32 $0x70, s11;
	v48 =	vadd.s32 v17, v18  }
0x260: {  	s9 =	sadd.s32 s9, s19;
	v21 =	vsub.s32 s14, v48  }
0x261: {  	s10 =	sadd.s32 s10, s20;
	v17 =	vadd.s32 s9, v17;
	v21 =	vadd.s32 v1, v21  }
0x262: {  	v18 =	vadd.s32 s10, v18;
	v17 =	vsel vm15, v17, v21  }
0x263: {  	v17 =	vsel vm13, v18, v17;
	_ =	sdelay $0x3  }
0x264: {  	[tilespmem:$0x370] =	vst v17  }
0x265: {  	(v2sf) =	vpush v19, $0xF;
	[tilespmem:v17+s7+$0x0] =	vst.idx.msk $0xffff, v8  }
0x266: {  	(v2sf) =	vpush v47, $0xF;
	v17 =	vld [tilespmem:$0x180]  }
0x267: {  	v18 =	vld [tilespmem:$0x80];
	_ =	sdelay $0x3  }
0x268: {  	vm4 =	vgt.f32 v17, $5.000000000e-01  }
0x269: {  	vm6 =	vgt.f32 v18, $5.000000000e-01;
	vm5 =	vmneg vm4  }
0x26a: {  	vm1 =	vmand vm6, vm5  }
0x26b: {  	v17 =	vsel vm1, $0x1, v0  }
0x26c: {  	v18 =	vsel vm4, $0x1, v0;
	(xrf0) =	vadd.scan.msk.s32 $0xffff, v17  }
0x26d: {  	(xrf0) =	vadd.scan.msk.s32 $0xffff, v18;
	_ =	sdelay $0x3  }
0x26e: {  	s22 =	spop (v2sf)  }
0x26f: {  	s23 =	spop (v2sf);
	v19, _, _ =	vpop (xrf0)  }
0x270: {  	s24 =	sadd.s32 s22, s23;
	v49, _, _ =	vpop (xrf0)  }
0x271: {  	s11 =	ssub.s32 s11, s24;
	v17 =	vsub.s32 v19, v17;
	v18 =	vsub.s32 v49, v18  }
0x272: {  	s14 =	sadd.s32 $0x80, s11;
	v50 =	vadd.s32 v17, v18  }
0x273: {  	s9 =	sadd.s32 s9, s22;
	v21 =	vsub.s32 s14, v50  }
0x274: {  	s10 =	sadd.s32 s10, s23;
	v17 =	vadd.s32 s9, v17;
	v21 =	vadd.s32 v1, v21  }
0x275: {  	v18 =	vadd.s32 s10, v18;
	v17 =	vsel vm6, v17, v21  }
0x276: {  	v17 =	vsel vm4, v18, v17;
	_ =	sdelay $0x3  }
0x277: {  	[tilespmem:$0x380] =	vst v17  }
0x278: {  	(v2sf) =	vpush v19, $0xF;
	[tilespmem:v17+s7+$0x0] =	vst.idx.msk $0xffff, v9  }
0x279: {  	(v2sf) =	vpush v49, $0xF;
	v17 =	vld [tilespmem:$0x190]  }
0x27a: {  	v18 =	vld [tilespmem:$0x90];
	_ =	sdelay $0x3  }
0x27b: {  	vm7 =	vgt.f32 v17, $5.000000000e-01  }
0x27c: {  	vm9 =	vgt.f32 v18, $5.000000000e-01;
	vm8 =	vmneg vm7  }
0x27d: {  	vm1 =	vmand vm9, vm8  }
0x27e: {  	v17 =	vsel vm1, $0x1, v0  }
0x27f: {  	v18 =	vsel vm7, $0x1, v0;
	(xrf0) =	vadd.scan.msk.s32 $0xffff, v17  }
0x280: {  	(xrf0) =	vadd.scan.msk.s32 $0xffff, v18;
	_ =	sdelay $0x3  }
0x281: {  	s25 =	spop (v2sf)  }
0x282: {  	s26 =	spop (v2sf);
	v19, _, _ =	vpop (xrf0)  }
0x283: {  	s28 =	sadd.s32 s25, s26;
	v51, _, _ =	vpop (xrf0)  }
0x284: {  	s11 =	ssub.s32 s11, s28;
	v17 =	vsub.s32 v19, v17;
	v18 =	vsub.s32 v51, v18  }
0x285: {  	s14 =	sadd.s32 $0x90, s11;
	v52 =	vadd.s32 v17, v18  }
0x286: {  	s9 =	sadd.s32 s9, s25;
	v21 =	vsub.s32 s14, v52  }
0x287: {  	s10 =	sadd.s32 s10, s26;
	v17 =	vadd.s32 s9, v17;
	v21 =	vadd.s32 v1, v21  }
0x288: {  	v18 =	vadd.s32 s10, v18;
	v17 =	vsel vm9, v17, v21  }
0x289: {  	v17 =	vsel vm7, v18, v17;
	_ =	sdelay $0x3  }
0x28a: {  	[tilespmem:$0x390] =	vst v17  }
0x28b: {  	(v2sf) =	vpush v19, $0xF;
	[tilespmem:v17+s7+$0x0] =	vst.idx.msk $0xffff, v10  }
0x28c: {  	(v2sf) =	vpush v51, $0xF;
	v17 =	vld [tilespmem:$0x1A0]  }
0x28d: {  	v18 =	vld [tilespmem:$0xA0];
	_ =	sdelay $0x3  }
0x28e: {  	vm10 =	vgt.f32 v17, $5.000000000e-01  }
0x28f: {  	vm12 =	vgt.f32 v18, $5.000000000e-01;
	vm11 =	vmneg vm10  }
0x290: {  	vm1 =	vmand vm12, vm11  }
0x291: {  	v17 =	vsel vm1, $0x1, v0  }
0x292: {  	v18 =	vsel vm10, $0x1, v0;
	(xrf0) =	vadd.scan.msk.s32 $0xffff, v17  }
0x293: {  	(xrf0) =	vadd.scan.msk.s32 $0xffff, v18;
	_ =	sdelay $0x3  }
0x294: {  	s29 =	spop (v2sf)  }
0x295: {  	s30 =	spop (v2sf);
	v19, _, _ =	vpop (xrf0)  }
0x296: {  	s31 =	sadd.s32 s29, s30;
	v53, _, _ =	vpop (xrf0)  }
0x297: {  	s11 =	ssub.s32 s11, s31;
	v17 =	vsub.s32 v19, v17;
	v18 =	vsub.s32 v53, v18  }
0x298: {  	s14 =	sadd.s32 $0xA0, s11;
	v54 =	vadd.s32 v17, v18  }
0x299: {  	s9 =	sadd.s32 s9, s29;
	v21 =	vsub.s32 s14, v54  }
0x29a: {  	s10 =	sadd.s32 s10, s30;
	v17 =	vadd.s32 s9, v17;
	v21 =	vadd.s32 v1, v21  }
0x29b: {  	v18 =	vadd.s32 s10, v18;
	v17 =	vsel vm12, v17, v21  }
0x29c: {  	v17 =	vsel vm10, v18, v17;
	_ =	sdelay $0x3  }
0x29d: {  	[tilespmem:$0x3A0] =	vst v17  }
0x29e: {  	(v2sf) =	vpush v19, $0xF;
	[tilespmem:v17+s7+$0x0] =	vst.idx.msk $0xffff, v11  }
0x29f: {  	(v2sf) =	vpush v53, $0xF;
	v17 =	vld [tilespmem:$0x1B0]  }
0x2a0: {  	v18 =	vld [tilespmem:$0xB0];
	_ =	sdelay $0x3  }
0x2a1: {  	vm13 =	vgt.f32 v17, $5.000000000e-01  }
0x2a2: {  	vm15 =	vgt.f32 v18, $5.000000000e-01;
	vm14 =	vmneg vm13  }
0x2a3: {  	vm1 =	vmand vm15, vm14  }
0x2a4: {  	v17 =	vsel vm1, $0x1, v0  }
0x2a5: {  	v18 =	vsel vm13, $0x1, v0;
	(xrf0) =	vadd.scan.msk.s32 $0xffff, v17  }
0x2a6: {  	(xrf0) =	vadd.scan.msk.s32 $0xffff, v18;
	_ =	sdelay $0x3  }
0x2a7: {  	s13 =	spop (v2sf)  }
0x2a8: {  	s15 =	spop (v2sf);
	v19, _, _ =	vpop (xrf0)  }
0x2a9: {  	s16 =	sadd.s32 s13, s15;
	v55, _, _ =	vpop (xrf0)  }
0x2aa: {  	s11 =	ssub.s32 s11, s16;
	v17 =	vsub.s32 v19, v17;
	v18 =	vsub.s32 v55, v18  }
0x2ab: {  	s14 =	sadd.s32 $0xB0, s11;
	v56 =	vadd.s32 v17, v18  }
0x2ac: {  	s9 =	sadd.s32 s9, s13;
	v21 =	vsub.s32 s14, v56  }
0x2ad: {  	s10 =	sadd.s32 s10, s15;
	v17 =	vadd.s32 s9, v17;
	v21 =	vadd.s32 v1, v21  }
0x2ae: {  	v18 =	vadd.s32 s10, v18;
	v17 =	vsel vm15, v17, v21  }
0x2af: {  	v17 =	vsel vm13, v18, v17;
	_ =	sdelay $0x3  }
0x2b0: {  	[tilespmem:$0x3B0] =	vst v17  }
0x2b1: {  	(v2sf) =	vpush v19, $0xF;
	[tilespmem:v17+s7+$0x0] =	vst.idx.msk $0xffff, v12  }
0x2b2: {  	(v2sf) =	vpush v55, $0xF;
	v17 =	vld [tilespmem:$0x1C0]  }
0x2b3: {  	v18 =	vld [tilespmem:$0xC0];
	_ =	sdelay $0x3  }
0x2b4: {  	vm4 =	vgt.f32 v17, $5.000000000e-01  }
0x2b5: {  	vm6 =	vgt.f32 v18, $5.000000000e-01;
	vm5 =	vmneg vm4  }
0x2b6: {  	vm1 =	vmand vm6, vm5  }
0x2b7: {  	v17 =	vsel vm1, $0x1, v0  }
0x2b8: {  	v18 =	vsel vm4, $0x1, v0;
	(xrf0) =	vadd.scan.msk.s32 $0xffff, v17  }
0x2b9: {  	(xrf0) =	vadd.scan.msk.s32 $0xffff, v18;
	_ =	sdelay $0x3  }
0x2ba: {  	s17 =	spop (v2sf)  }
0x2bb: {  	s18 =	spop (v2sf);
	v19, _, _ =	vpop (xrf0)  }
0x2bc: {  	s19 =	sadd.s32 s17, s18;
	v57, _, _ =	vpop (xrf0)  }
0x2bd: {  	s11 =	ssub.s32 s11, s19;
	v17 =	vsub.s32 v19, v17;
	v18 =	vsub.s32 v57, v18  }
0x2be: {  	s14 =	sadd.s32 $0xC0, s11;
	v58 =	vadd.s32 v17, v18  }
0x2bf: {  	s9 =	sadd.s32 s9, s17;
	v21 =	vsub.s32 s14, v58  }
0x2c0: {  	s10 =	sadd.s32 s10, s18;
	v17 =	vadd.s32 s9, v17;
	v21 =	vadd.s32 v1, v21  }
0x2c1: {  	v18 =	vadd.s32 s10, v18;
	v17 =	vsel vm6, v17, v21  }
0x2c2: {  	v17 =	vsel vm4, v18, v17;
	_ =	sdelay $0x3  }
0x2c3: {  	[tilespmem:$0x3C0] =	vst v17  }
0x2c4: {  	(v2sf) =	vpush v19, $0xF;
	[tilespmem:v17+s7+$0x0] =	vst.idx.msk $0xffff, v13  }
0x2c5: {  	(v2sf) =	vpush v57, $0xF;
	v17 =	vld [tilespmem:$0x1D0]  }
0x2c6: {  	v18 =	vld [tilespmem:$0xD0];
	_ =	sdelay $0x3  }
0x2c7: {  	vm7 =	vgt.f32 v17, $5.000000000e-01  }
0x2c8: {  	vm9 =	vgt.f32 v18, $5.000000000e-01;
	vm8 =	vmneg vm7  }
0x2c9: {  	vm1 =	vmand vm9, vm8  }
0x2ca: {  	v17 =	vsel vm1, $0x1, v0  }
0x2cb: {  	v18 =	vsel vm7, $0x1, v0;
	(xrf0) =	vadd.scan.msk.s32 $0xffff, v17  }
0x2cc: {  	(xrf0) =	vadd.scan.msk.s32 $0xffff, v18;
	_ =	sdelay $0x3  }
0x2cd: {  	s20 =	spop (v2sf)  }
0x2ce: {  	s21 =	spop (v2sf);
	v19, _, _ =	vpop (xrf0)  }
0x2cf: {  	s22 =	sadd.s32 s20, s21;
	v59, _, _ =	vpop (xrf0)  }
0x2d0: {  	s11 =	ssub.s32 s11, s22;
	v17 =	vsub.s32 v19, v17;
	v18 =	vsub.s32 v59, v18  }
0x2d1: {  	s14 =	sadd.s32 $0xD0, s11;
	v60 =	vadd.s32 v17, v18  }
0x2d2: {  	s9 =	sadd.s32 s9, s20;
	v21 =	vsub.s32 s14, v60  }
0x2d3: {  	s10 =	sadd.s32 s10, s21;
	v17 =	vadd.s32 s9, v17;
	v21 =	vadd.s32 v1, v21  }
0x2d4: {  	v18 =	vadd.s32 s10, v18;
	v17 =	vsel vm9, v17, v21  }
0x2d5: {  	v17 =	vsel vm7, v18, v17;
	_ =	sdelay $0x3  }
0x2d6: {  	[tilespmem:$0x3D0] =	vst v17  }
0x2d7: {  	(v2sf) =	vpush v19, $0xF;
	[tilespmem:v17+s7+$0x0] =	vst.idx.msk $0xffff, v14  }
0x2d8: {  	(v2sf) =	vpush v59, $0xF;
	v17 =	vld [tilespmem:$0x1E0]  }
0x2d9: {  	v18 =	vld [tilespmem:$0xE0];
	_ =	sdelay $0x3  }
0x2da: {  	vm10 =	vgt.f32 v17, $5.000000000e-01  }
0x2db: {  	vm12 =	vgt.f32 v18, $5.000000000e-01;
	vm11 =	vmneg vm10  }
0x2dc: {  	vm1 =	vmand vm12, vm11  }
0x2dd: {  	v17 =	vsel vm1, $0x1, v0  }
0x2de: {  	v18 =	vsel vm10, $0x1, v0;
	(xrf0) =	vadd.scan.msk.s32 $0xffff, v17  }
0x2df: {  	(xrf0) =	vadd.scan.msk.s32 $0xffff, v18;
	_ =	sdelay $0x3  }
0x2e0: {  	s23 =	spop (v2sf)  }
0x2e1: {  	s24 =	spop (v2sf);
	v19, _, _ =	vpop (xrf0)  }
0x2e2: {  	s25 =	sadd.s32 s23, s24;
	v61, _, _ =	vpop (xrf0)  }
0x2e3: {  	s11 =	ssub.s32 s11, s25;
	v17 =	vsub.s32 v19, v17;
	v18 =	vsub.s32 v61, v18  }
0x2e4: {  	s14 =	sadd.s32 $0xE0, s11;
	v62 =	vadd.s32 v17, v18  }
0x2e5: {  	s9 =	sadd.s32 s9, s23;
	v21 =	vsub.s32 s14, v62  }
0x2e6: {  	s10 =	sadd.s32 s10, s24;
	v17 =	vadd.s32 s9, v17;
	v21 =	vadd.s32 v1, v21  }
0x2e7: {  	v18 =	vadd.s32 s10, v18;
	v17 =	vsel vm12, v17, v21  }
0x2e8: {  	v17 =	vsel vm10, v18, v17;
	_ =	sdelay $0x3  }
0x2e9: {  	[tilespmem:$0x3E0] =	vst v17  }
0x2ea: {  	(v2sf) =	vpush v19, $0xF;
	[tilespmem:v17+s7+$0x0] =	vst.idx.msk $0xffff, v15  }
0x2eb: {  	(v2sf) =	vpush v61, $0xF;
	v17 =	vld [tilespmem:$0x1F0]  }
0x2ec: {  	v18 =	vld [tilespmem:$0xF0];
	_ =	sdelay $0x3  }
0x2ed: {  	vm13 =	vgt.f32 v17, $5.000000000e-01  }
0x2ee: {  	vm15 =	vgt.f32 v18, $5.000000000e-01;
	vm14 =	vmneg vm13  }
0x2ef: {  	vm1 =	vmand vm15, vm14  }
0x2f0: {  	v17 =	vsel vm1, $0x1, v0  }
0x2f1: {  	v18 =	vsel vm13, $0x1, v0;
	(xrf0) =	vadd.scan.msk.s32 $0xffff, v17  }
0x2f2: {  	(xrf0) =	vadd.scan.msk.s32 $0xffff, v18;
	_ =	sdelay $0x3  }
0x2f3: {  	s26 =	spop (v2sf)  }
0x2f4: {  	s28 =	spop (v2sf);
	v19, _, _ =	vpop (xrf0)  }
0x2f5: {  	s29 =	sadd.s32 s26, s28;
	v63, _, _ =	vpop (xrf0)  }
0x2f6: {  	s11 =	ssub.s32 s11, s29;
	v17 =	vsub.s32 v19, v17;
	v18 =	vsub.s32 v63, v18  }
0x2f7: {  	s11 =	sadd.s32 $0xF0, s11;
	v19 =	vadd.s32 v17, v18  }
0x2f8: {  	s9 =	sadd.s32 s9, s26;
	v19 =	vsub.s32 s11, v19  }
0x2f9: {  	s10 =	sadd.s32 s10, s28;
	v17 =	vadd.s32 s9, v17;
	v19 =	vadd.s32 v1, v19  }
0x2fa: {  	v18 =	vadd.s32 s10, v18;
	v17 =	vsel vm15, v17, v19  }
0x2fb: {  	v17 =	vsel vm13, v18, v17;
	_ =	sdelay $0x3  }
0x2fc: {  	[tilespmem:$0x3F0] =	vst v17  }
0x2fd: {  	s30 =	rddreg [dreg:$0x8];
	[tilespmem:v17+s7+$0x0] =	vst.idx.msk $0xffff, v16  }
0x2fe: {  	[hbm4b:s30+s4] =	stream.strided.scatter [tilespmem:s7], [sflag:$0x1], $0x100, s5, s4, $0x38;
	[tilespmem:$0x400] =	vst v63  }
0x2ff: {  	_ =	swait.ge [sflag:s6], $0x100  }
0x300: {  	p0 =	sne.s32 s3, $0x1;
	[sflag:s6] =	ssyncset.done $0x0  }
.Ltmp0:
0x301: {  	s31 =	rddreg [dreg:$0x9];
	[sflag:s6] =	ssyncadd.s32 $0xFFFFFF00;
	(pc) =	sbr.rel @p0 .LBB2_1-.Ltmp0, $4  }
0x302: {  	[hbm4b:s31+s4] =	stream.strided.scatter [tilespmem:s8], [sflag:$0x1], $0x100, s5, s4, $0x38;
	[tilespmem:$0x400] =	vst v63  }
0x303: {  	_ =	swait.ge [sflag:s6], $0x100  }
0x304: {  	[sflag:s6] =	ssyncset.done $0x0  }
0x305: {  	s3 =	sadd.s32 $0xFFFFFFFF, s3;
	[sflag:s6] =	ssyncadd.s32 $0xFFFFFF00  }
0x306: {  	_ =	sfence.sel $0x180000  }
0x307: {  	[bflag:$0x0] =	sbarrier.arrive $0xFFFF  }
0x308: {  	p0 =	sne.s32 s1, $0x0;
	_ =	strace $0x90000047  }
0x309: {  	s0 =	sadd.s32 @!p0 $0x100000, s0;
	[bflag:$0x2] =	sbarrier.arrive $0xFFFF  }
0x30a: {  	[sflag:s0] =	ssyncadd.tile.s32 @!p0 $0x1;
	_ =	shalt  }
.Lfunc_end2:
_tile_overlayer_lowered:
.L_overlay_start_2:
0x30b: {  	(tag) =	ssettag $0x2  }
0x30c: {  	s0 =	rddreg [dreg:$0x0];
	s2 =	stileid.u32  }
0x30d: {  	s1 =	rddreg [dreg:$0x1];
	p0 =	sne.s32 s2, $0x0  }
0x30e: {  	s3 =	rddreg [dreg:$0x2];
	[bflag:$0x3] =	sbarrier.arrive $0xFFFF;
	s2 =	simm.s32 @!p0 $0x1C01  }
0x30f: {  	[timem:s3], [sflag:s2] =	dma.local @!p0 [hbm:s0], s1  }
0x310: {  	s0 =	simm.s32 @!p0 $0x1  }
0x311: {  	_ =	swait.ge @!p0 [sflag:s0], s1  }
0x312: {  	s1 =	ssub.s32 @!p0 $0x0, s1;
	[sflag:s0] =	ssyncset.done @!p0 $0x0  }
0x313: {  	[sflag:s0] =	ssyncadd.s32 @!p0 s1  }
0x314: {  	[bflag:$0x3] =	sbarrier.arrive $0xFFFF  }
0x315: {  	_ =	shalt  }

</sc_bundles>
